<compile_context>
chip_gen: v7x
topology: tpu7x:2x2x1
jax: 0.10.2.dev20260603
libtpu: 0.0.44.dev20260713+nightly
codegen_flags: <defaults>
</compile_context>

<pallas_src>
import functools

import jax
import jax.numpy as jnp
from jax import lax
from jax.experimental import pallas as pl
from jax.experimental.pallas import tpu as pltpu
from jax.experimental.pallas import tpu_sc as plsc

N = 10000
E = 160000
IN = 128
HG = 256
HT = 256
B = 2
T = 4
P = B * T
RB = 400

NC, NS = 2, 16
NPAD = 10240
RPS = NPAD // NS
CH = 128
EP = 163840
EH = EP // 2
NCH = 40
KB = 4
PF = 3
ZR = 64
FW = 128
TBL = NC * NPAD
HOFF = P * N + (TBL - N)
NPH = NPAD // 2
NPH_PAD = NPH + CH
RPSH = NPH_PAD // NS
FPSH = NPH // NS

_MESH = plsc.VectorSubcoreMesh(core_axis_name="c", subcore_axis_name="s")
_SC_PARAMS = pltpu.CompilerParams(use_tc_tiling_on_sc=False)


def _agg_body(tab_hbm, idx_hbm, dst_hbm, out_hbm, gidx, didx0, didx1, rows,
              zbuf, acc, *sems):
    gsem, ssem = sems[:KB], sems[KB:]
    c = lax.axis_index("c")
    s = lax.axis_index("s")

    @pl.loop(0, ZR)
    def _zrow(r):
        @pl.loop(0, FW // 16)
        def _zcol(k):
            zbuf[r, pl.ds(k * 16, 16)] = jnp.zeros((16,), jnp.float32)

    pltpu.sync_copy(idx_hbm.at[c, s], gidx)
    pltpu.sync_copy(dst_hbm.at[0, c, s], didx0)
    pltpu.sync_copy(dst_hbm.at[1, c, s], didx1)

    for q in range(2):
        for off in range(0, RPSH, ZR):
            sz = min(ZR, RPSH - off)
            pltpu.sync_copy(zbuf.at[pl.ds(0, sz)],
                            acc.at[pl.ds(s * RPSH + off, sz)])

        plsc.subcore_barrier()
        dq = didx0 if q == 0 else didx1

        for m in range(PF):
            pltpu.async_copy(tab_hbm.at[gidx.at[m]], rows.at[m], gsem[m])

        @pl.loop(0, NCH // KB)
        def _grp(jj):
            for b in range(KB):
                j = jj * KB + b
                pltpu.make_async_copy(tab_hbm.at[gidx.at[j]], rows.at[b],
                                      gsem[b]).wait()
                pltpu.async_copy(rows.at[b], acc.at[dq.at[j]], ssem[b],
                                 add=True)
                bm = (b + PF) % KB

                @pl.when(j + PF < NCH)
                def _next():
                    @pl.when(j + PF >= KB)
                    def _wait_prev():
                        pltpu.make_async_copy(rows.at[bm], acc.at[dq.at[0]],
                                              ssem[bm]).wait()

                    pltpu.async_copy(tab_hbm.at[gidx.at[j + PF]],
                                     rows.at[bm], gsem[bm])

        for b in range(KB):
            pltpu.make_async_copy(rows.at[b], acc.at[dq.at[0]],
                                  ssem[b]).wait()

        plsc.subcore_barrier()
        pltpu.sync_copy(acc.at[pl.ds(s * FPSH, FPSH)],
                        out_hbm.at[c, pl.ds(q * NPH + s * FPSH, FPSH)])
        plsc.subcore_barrier()


_agg_step = pl.kernel(
    _agg_body,
    out_type=jax.ShapeDtypeStruct((NC, NPAD, FW), jnp.float32),
    mesh=_MESH,
    scratch_types=[
        pltpu.VMEM((NCH, CH), jnp.int32),
        pltpu.VMEM((NCH, CH), jnp.int32),
        pltpu.VMEM((NCH, CH), jnp.int32),
        pltpu.VMEM((KB, CH, FW), jnp.float32),
        pltpu.VMEM((ZR, FW), jnp.float32),
        pltpu.VMEM_SHARED((NPH_PAD, FW), jnp.float32),
    ] + [pltpu.SemaphoreType.DMA] * (2 * KB),
    compiler_params=_SC_PARAMS,
)


def _dense1_body(s_ref, deg_ref, x_ref, wl_ref, wr_ref, b_ref, g_ref, be_ref,
                 o_ref):
    deg = jnp.maximum(deg_ref[...], 1.0)
    mean = (s_ref[0] + s_ref[1]) / deg
    z = (jnp.dot(mean, wl_ref[...], preferred_element_type=jnp.float32)
         + jnp.dot(x_ref[...], wr_ref[...], preferred_element_type=jnp.float32)
         + b_ref[...])
    mu = jnp.mean(z, axis=-1, keepdims=True)
    var = jnp.mean((z - mu) ** 2, axis=-1, keepdims=True)
    z = (z - mu) * jax.lax.rsqrt(var + 1e-5) * g_ref[...] + be_ref[...]
    z = jnp.maximum(z, 0.0)
    o_ref[0] = z[:, :128]
    o_ref[1] = z[:, 128:]


def _dense1(s, deg, x, wl, wr, b, g, be):
    return pl.pallas_call(
        _dense1_body,
        grid=(N // RB,),
        in_specs=[
            pl.BlockSpec((NC, RB, 128), lambda r: (0, r, 0)),
            pl.BlockSpec((RB, 1), lambda r: (r, 0)),
            pl.BlockSpec((RB, IN), lambda r: (r, 0)),
            pl.BlockSpec((IN, HG), lambda r: (0, 0)),
            pl.BlockSpec((IN, HG), lambda r: (0, 0)),
            pl.BlockSpec((1, HG), lambda r: (0, 0)),
            pl.BlockSpec((1, HG), lambda r: (0, 0)),
            pl.BlockSpec((1, HG), lambda r: (0, 0)),
        ],
        out_specs=pl.BlockSpec((NC, RB, 128), lambda r: (0, r, 0)),
        out_shape=jax.ShapeDtypeStruct((NC, NPAD, 128), jnp.float32),
    )(s, deg, x, wl, wr, b, g, be)


def _dense2_body(sa_ref, sb_ref, deg_ref, h_ref, wl_ref, wr_ref, b_ref,
                 g_ref, be_ref, o_ref):
    r = pl.program_id(0)
    deg = jnp.maximum(deg_ref[...], 1.0)
    mean = (jnp.concatenate([sa_ref[0], sa_ref[1]], axis=1)
            + jnp.concatenate([sb_ref[0], sb_ref[1]], axis=1)) / deg
    h = jnp.concatenate([h_ref[0], h_ref[1]], axis=1)
    z = (jnp.dot(mean, wl_ref[...], preferred_element_type=jnp.float32)
         + jnp.dot(h, wr_ref[...], preferred_element_type=jnp.float32)
         + b_ref[...])
    mu = jnp.mean(z, axis=-1, keepdims=True)
    var = jnp.mean((z - mu) ** 2, axis=-1, keepdims=True)
    z = (z - mu) * jax.lax.rsqrt(var + 1e-5) * g_ref[...] + be_ref[...]
    z = jnp.maximum(z, 0.0)
    part = jnp.sum(z, axis=0, keepdims=True)[None] * (1.0 / N)

    @pl.when(r == 0)
    def _():
        o_ref[...] = jnp.zeros_like(o_ref)

    o_ref[...] += part


def _dense2_pool(sa, sb, deg, h, wl, wr, b, g, be):
    return pl.pallas_call(
        _dense2_body,
        grid=(N // RB,),
        in_specs=[
            pl.BlockSpec((NC, RB, 128), lambda r: (0, r, 0)),
            pl.BlockSpec((NC, RB, 128), lambda r: (0, r, 0)),
            pl.BlockSpec((RB, 1), lambda r: (r, 0)),
            pl.BlockSpec((NC, RB, 128), lambda r: (0, r, 0)),
            pl.BlockSpec((HG, HG), lambda r: (0, 0)),
            pl.BlockSpec((HG, HG), lambda r: (0, 0)),
            pl.BlockSpec((1, HG), lambda r: (0, 0)),
            pl.BlockSpec((1, HG), lambda r: (0, 0)),
            pl.BlockSpec((1, HG), lambda r: (0, 0)),
        ],
        out_specs=pl.BlockSpec((1, 1, HG), lambda r: (0, 0, 0)),
        out_shape=jax.ShapeDtypeStruct((1, 1, HG), jnp.float32),
    )(sa, sb, deg, h, wl, wr, b, g, be)


def _gru_body(h_ref, wih_ref, whh_ref, bih_ref, bhh_ref, wh_ref, bh_ref,
              o_ref):
    h = jnp.zeros((B, HT), jnp.float32)
    for t in range(T):
        xt = h_ref[:, t, :]
        gi = jnp.dot(xt, wih_ref[...],
                     preferred_element_type=jnp.float32) + bih_ref[...]
        gh = jnp.dot(h, whh_ref[...],
                     preferred_element_type=jnp.float32) + bhh_ref[...]
        ir, iz, inn = gi[:, :HT], gi[:, HT:2 * HT], gi[:, 2 * HT:]
        hr, hz, hn = gh[:, :HT], gh[:, HT:2 * HT], gh[:, 2 * HT:]
        r = jax.nn.sigmoid(ir + hr)
        z = jax.nn.sigmoid(iz + hz)
        n = jnp.tanh(inn + r * hn)
        h = (1.0 - z) * n + z * h
    o_ref[...] = (jnp.dot(h, wh_ref[...], preferred_element_type=jnp.float32)
                  + bh_ref[...])


def _gru_head(Hseq, wihT, whhT, bih, bhh, whp, bhp):
    return pl.pallas_call(
        _gru_body,
        in_specs=[pl.BlockSpec(Hseq.shape, lambda: (0, 0, 0)),
                  pl.BlockSpec(wihT.shape, lambda: (0, 0)),
                  pl.BlockSpec(whhT.shape, lambda: (0, 0)),
                  pl.BlockSpec(bih.shape, lambda: (0, 0)),
                  pl.BlockSpec(bhh.shape, lambda: (0, 0)),
                  pl.BlockSpec(whp.shape, lambda: (0, 0)),
                  pl.BlockSpec(bhp.shape, lambda: (0, 0))],
        out_specs=pl.BlockSpec((B, 128), lambda: (0, 0)),
        out_shape=jax.ShapeDtypeStruct((B, 128), jnp.float32),
    )(Hseq, wihT, whhT, bih, bhh, whp, bhp)


def kernel(x_seq, edge_index, Wl1, bl1, Wr1, br1, g1, be1, Wl2, bl2, Wr2, br2,
           g2, be2, W_ih, W_hh, b_ih, b_hh, Wh, bh):
    src = edge_index[0].astype(jnp.int32)
    dst = edge_index[1].astype(jnp.int32)
    srcp = jnp.pad(src, (0, EP - E))
    dstp = jnp.pad(dst, (0, EP - E), constant_values=N)

    cc = jnp.arange(NC, dtype=jnp.int32)[:, None]
    ee = jnp.arange(EP, dtype=jnp.int32)
    idx_l1 = srcp.reshape(NC, NS, NCH, CH)
    idx_2a = (cc * NPAD + srcp[None, :EH]).reshape(NC, NS, NCH, CH)
    idx_2b = (cc * NPAD + srcp[None, EH:]).reshape(NC, NS, NCH, CH)
    idx_dg = (ee % CH).reshape(NC, NS, NCH, CH)
    IDX = jnp.stack([idx_l1, idx_2a, idx_2b, idx_dg])

    qq = jnp.arange(2, dtype=jnp.int32)[:, None]
    owned = (dstp[None, :] >= qq * NPH) & (dstp[None, :] < (qq + 1) * NPH)
    dstq = jnp.where(owned, dstp[None, :] - qq * NPH,
                     NPH + (ee[None, :] % CH))
    dst_l1 = dstq.reshape(2, NC, NS, NCH, CH)
    dst_2a = jnp.broadcast_to(dstq[:, :EH].reshape(2, 1, NS, NCH, CH),
                              (2, NC, NS, NCH, CH))
    dst_2b = jnp.broadcast_to(dstq[:, EH:].reshape(2, 1, NS, NCH, CH),
                              (2, NC, NS, NCH, CH))
    DST = jnp.stack([dst_l1, dst_2a, dst_2b, dst_l1])

    b1 = (bl1 + br1)[None]
    b2 = (bl2 + br2)[None]
    g1b, be1b, g2b, be2b = g1[None], be1[None], g2[None], be2[None]

    buf0 = jnp.concatenate(
        [x_seq.reshape(P * N, IN),
         jnp.ones((CH, IN), jnp.float32),
         jnp.zeros((HOFF + TBL - P * N - CH, IN), jnp.float32)], axis=0)

    def step(k, carry):
        buf, s2a, pooled, deg = carry
        t = jnp.where(k == 0, 3, (k - 1) % 3)
        i = jnp.maximum(k - 1, 0) // 3
        off = jnp.where(t == 3, P * N,
                        jnp.where(t == 0, i * N, HOFF))
        tbl = lax.dynamic_slice(buf, (off, 0), (TBL, IN))
        idx_k = lax.dynamic_index_in_dim(IDX, t, 0, keepdims=False)
        dst_k = lax.dynamic_index_in_dim(DST, t, 0, keepdims=False)
        s = _agg_step(tbl, idx_k, dst_k)

        deg = lax.cond(
            t == 3,
            lambda dg: (s[0, :N, :1] + s[1, :N, :1]),
            lambda dg: dg, deg)
        buf = lax.cond(
            t == 0,
            lambda bf: lax.dynamic_update_slice(
                bf, _dense1(s, deg, tbl, Wl1, Wr1, b1, g1b,
                            be1b).reshape(TBL, IN), (HOFF, 0)),
            lambda bf: bf, buf)
        s2a = lax.cond(t == 1, lambda: s, lambda: s2a)
        pooled = lax.cond(
            t == 2,
            lambda pw: lax.dynamic_update_slice(
                pw,
                _dense2_pool(
                    s2a, s, deg,
                    lax.slice(buf, (HOFF, 0),
                              (HOFF + TBL, IN)).reshape(NC, NPAD, IN),
                    Wl2, Wr2, b2, g2b, be2b),
                (i, 0, 0)),
            lambda pw: pw, pooled)
        return buf, s2a, pooled, deg

    pooled0 = jnp.zeros((P, 1, HG), jnp.float32)
    s2a0 = jnp.zeros((NC, NPAD, FW), jnp.float32)
    deg0 = jnp.zeros((N, 1), jnp.float32)
    _, _, pooled, _ = lax.fori_loop(0, 3 * P + 1, step,
                                    (buf0, s2a0, pooled0, deg0))

    Hseq = pooled.reshape(B, T, HG)
    whp = jnp.concatenate([Wh, jnp.zeros((HT, 127), jnp.float32)], axis=1)
    bhp = jnp.concatenate([bh, jnp.zeros((127,), jnp.float32)])[None]
    y = _gru_head(Hseq, W_ih.T, W_hh.T, b_ih[None], b_hh[None], whp, bhp)
    return y[:, 0]

# --- scband reference (transcript-rebuilt; emitter-appended) ---
"""Pipeline reference for scband-sagegru-57226144252475 (READ-ONLY COPY).

The authoritative reference and input builder live on the scoring server;
editing this copy changes nothing except your own understanding.
"""

import jax, jax.numpy as jnp
import numpy as np

N = 10000
E = 160000
IN = 128
HG = 256
HT = 256
B = 2
T = 4

def _p(k, shape, fan_in):
    return jax.random.normal(k, shape, jnp.float32) * (1.0 / np.sqrt(fan_in))

def setup_inputs(seed: int = 0):
    key = jax.random.key(seed)
    ks = jax.random.split(key, 24)
    inp = {}
    inp['x_seq'] = jax.random.normal(ks[0], (B, T, N, IN), jnp.float32)
    inp['edge_index'] = jax.random.randint(ks[1], (2, E), 0, N)
    # SAGE layer 1 (in=IN, out=HG): lin_l acts on aggregated neighbors, lin_r on root
    inp['Wl1'] = _p(ks[2], (IN, HG), IN); inp['bl1'] = jnp.zeros((HG,), jnp.float32)
    inp['Wr1'] = _p(ks[3], (IN, HG), IN); inp['br1'] = jnp.zeros((HG,), jnp.float32)
    inp['g1'] = jnp.ones((HG,), jnp.float32); inp['be1'] = jnp.zeros((HG,), jnp.float32)
    # SAGE layer 2 (in=HG, out=HG)
    inp['Wl2'] = _p(ks[4], (HG, HG), HG); inp['bl2'] = jnp.zeros((HG,), jnp.float32)
    inp['Wr2'] = _p(ks[5], (HG, HG), HG); inp['br2'] = jnp.zeros((HG,), jnp.float32)
    inp['g2'] = jnp.ones((HG,), jnp.float32); inp['be2'] = jnp.zeros((HG,), jnp.float32)
    # GRU (torch layout: [3*HT, in], gate order r,z,n)
    inp['W_ih'] = _p(ks[6], (3 * HT, HG), HG)
    inp['W_hh'] = _p(ks[7], (3 * HT, HT), HT)
    inp['b_ih'] = jnp.zeros((3 * HT,), jnp.float32)
    inp['b_hh'] = jnp.zeros((3 * HT,), jnp.float32)
    # head
    inp['Wh'] = _p(ks[8], (HT, 1), HT)
    inp['bh'] = jnp.zeros((1,), jnp.float32)
    return inp

def _layer_norm(x, g, b):
    mu = jnp.mean(x, axis=-1, keepdims=True)
    var = jnp.mean((x - mu) ** 2, axis=-1, keepdims=True)
    return (x - mu) / jnp.sqrt(var + 1e-5) * g + b

def _sage(x, src, dst, Wl, bl, Wr, br, n_nodes):
    msgs = x[src]
    s = jax.ops.segment_sum(msgs, dst, num_segments=n_nodes)
    deg = jax.ops.segment_sum(jnp.ones((src.shape[0],), x.dtype), dst, num_segments=n_nodes)
    mean = s / jnp.clip(deg, 1.0, None)[:, None]
    return mean @ Wl + bl + x @ Wr + br

def reference(x_seq, edge_index, Wl1, bl1, Wr1, br1, g1, be1, Wl2, bl2, Wr2, br2, g2, be2, W_ih, W_hh, b_ih, b_hh, Wh, bh):
    src = edge_index[0]
    dst = edge_index[1]
    Bb, Tt, Nn, Ff = x_seq.shape
    x_flat = x_seq.reshape(Bb * Tt, Nn, Ff)
    pooled = []
    for i in range(Bb * Tt):
        h = x_flat[i]
        h = jax.nn.relu(_layer_norm(_sage(h, src, dst, Wl1, bl1, Wr1, br1, Nn), g1, be1))
        h = jax.nn.relu(_layer_norm(_sage(h, src, dst, Wl2, bl2, Wr2, br2, Nn), g2, be2))
        pooled.append(jnp.mean(h, axis=0))
    H = jnp.stack(pooled, axis=0).reshape(Bb, Tt, -1)
    # GRU over time, batch_first; dropout is identity in eval
    h = jnp.zeros((Bb, HT), jnp.float32)
    for t in range(Tt):
        xt = H[:, t]
        gi = xt @ W_ih.T + b_ih
        gh = h @ W_hh.T + b_hh
        ir, iz, inn = jnp.split(gi, 3, axis=-1)
        hr, hz, hn = jnp.split(gh, 3, axis=-1)
        r = jax.nn.sigmoid(ir + hr)
        z = jax.nn.sigmoid(iz + hz)
        n = jnp.tanh(inn + r * hn)
        h = (1.0 - z) * n + z * h
    y = (h @ Wh + bh).squeeze(-1)
    return y

if __name__ == "__main__":
    import jax
    _d = setup_inputs()
    print(jax.jit(kernel)(*tuple(_d.values())))

</pallas_src>

<mosaic_0001>
#map = affine_map<(d0, d1) -> (0, 0)>
#map1 = affine_map<(d0, d1) -> (0, 0, 0, 0)>
#map2 = affine_map<(d0, d1) -> (0, 0, 0, 0, 0)>
#map3 = affine_map<(d0, d1) -> (0, 0, 0)>
module attributes {stable_mosaic.version = 14 : i64} {
  func.func @_agg_body(%arg0: i32, %arg1: i32, %arg2: memref<20480x128xf32, #tpu.memory_space<hbm>>, %arg3: memref<2x16x40x128xi32, #tpu.memory_space<hbm>>, %arg4: memref<2x2x16x40x128xi32, #tpu.memory_space<hbm>>, %arg5: memref<2x10240x128xf32, #tpu.memory_space<hbm>>, %arg6: memref<40x128xi32, #tpu.memory_space<vmem>>, %arg7: memref<40x128xi32, #tpu.memory_space<vmem>>, %arg8: memref<40x128xi32, #tpu.memory_space<vmem>>, %arg9: memref<4x128x128xf32, #tpu.memory_space<vmem>>, %arg10: memref<64x128xf32, #tpu.memory_space<vmem>>, %arg11: memref<5248x128xf32, #tpu.memory_space<vmem_shared>>, %arg12: memref<!tpu.dma_semaphore, #tpu.memory_space<semaphore_mem>>, %arg13: memref<!tpu.dma_semaphore, #tpu.memory_space<semaphore_mem>>, %arg14: memref<!tpu.dma_semaphore, #tpu.memory_space<semaphore_mem>>, %arg15: memref<!tpu.dma_semaphore, #tpu.memory_space<semaphore_mem>>, %arg16: memref<!tpu.dma_semaphore, #tpu.memory_space<semaphore_mem>>, %arg17: memref<!tpu.dma_semaphore, #tpu.memory_space<semaphore_mem>>, %arg18: memref<!tpu.dma_semaphore, #tpu.memory_space<semaphore_mem>>, %arg19: memref<!tpu.dma_semaphore, #tpu.memory_space<semaphore_mem>>) attributes {dimension_semantics = [#tpu.dimension_semantics<core_parallel>, #tpu.dimension_semantics<subcore_parallel>], iteration_bounds = array<i64: 2, 16>, scalar_prefetch = 0 : i64, scratch_operands = 14 : i64, tpu.core_type = #tpu.core_type<sc_vector_subcore>, window_params = [{transform_indices = #map}, {transform_indices = #map1}, {transform_indices = #map2}, {transform_indices = #map3}]} {
    %scan3A = arith.constant 0 : i32
    %scan3A_0 = arith.constant 64 : i32
    %scan3A_1 = arith.addi %scan3A, %scan3A_0 : i32
    %scan3A_2 = arith.constant 1 : i32
    scf.for %scan3A_244 = %scan3A to %scan3A_1 step %scan3A_2  : i32 {
      %mul3A_245 = arith.constant 1 : i32
      %mul3A_246 = arith.muli %scan3A_244, %mul3A_245 : i32
      %add3A_247 = arith.constant 0 : i32
      %add3A_248 = arith.addi %add3A_247, %mul3A_246 : i32
      %scan3A_249 = arith.constant 0 : i32
      %scan3A_250 = arith.constant 8 : i32
      %scan3A_251 = arith.addi %scan3A_249, %scan3A_250 : i32
      %scan3A_252 = arith.constant 1 : i32
      scf.for %scan3A_254 = %scan3A_249 to %scan3A_251 step %scan3A_252  : i32 {
        %mul3A_255 = arith.constant 1 : i32
        %mul3A_256 = arith.muli %scan3A_254, %mul3A_255 : i32
        %add3A_257 = arith.constant 0 : i32
        %add3A_258 = arith.addi %add3A_257, %mul3A_256 : i32
        %broadcast_in_dim3A = arith.constant 0.000000e+00 : f32
        %broadcast_in_dim3A_259 = vector.broadcast %broadcast_in_dim3A : f32 to vector<16xf32>
        %mul3A_260 = arith.constant 16 : i32
        %mul3A_261 = arith.muli %add3A_258, %mul3A_260 : i32
        %swap3A = arith.index_cast %add3A_248 : i32 to index
        %swap3A_262 = arith.index_cast %mul3A_261 : i32 to index
        %swap3A_263 = tpu.vector_load %arg10[%swap3A, %swap3A_262] {strides = array<i32>} : memref<64x128xf32, #tpu.memory_space<vmem>>, vector<1x16xf32>,
        %swap3A_264 = vector.shape_cast %swap3A_263 : vector<1x16xf32> to vector<16xf32>
        %swap3A_265 = vector.shape_cast %broadcast_in_dim3A_259 : vector<16xf32> to vector<1x16xf32>
        tpu.vector_store %arg10[%swap3A, %swap3A_262], %swap3A_265 {strides = array<i32>} : memref<64x128xf32, #tpu.memory_space<vmem>>, vector<1x16xf32>,
      }
      %scan3A_253 = arith.constant 8 : i32
    }
    %scan3A_3 = arith.constant 64 : i32
    "tpu.region"() ({
      %run_scoped3A_244 = tpu.sem_alloc : memref<!tpu.dma_semaphore, #tpu.memory_space<semaphore_mem>>
      %dma_start3A_245 = arith.constant 0 : i32
      %dma_start3A_246 = arith.constant 0 : i32
      %dma_start3A_247 = tpu.memref_slice %arg3[%arg0, %arg1, %dma_start3A_245, %dma_start3A_246] : memref<2x16x40x128xi32, #tpu.memory_space<hbm>> -> memref<1x1x40x128xi32, #tpu.memory_space<hbm>>
      %dma_start3A_248 = tpu.memref_squeeze %dma_start3A_247 : memref<1x1x40x128xi32, #tpu.memory_space<hbm>> -> memref<40x128xi32, #tpu.memory_space<hbm>>
      %dma_start3A_249 = arith.constant 0 : i32
      %dma_start3A_250 = arith.constant 0 : i32
      %dma_start3A_251 = tpu.memref_slice %arg3[%arg0, %arg1, %dma_start3A_249, %dma_start3A_250] : memref<2x16x40x128xi32, #tpu.memory_space<hbm>> -> memref<1x1x40x128xi32, #tpu.memory_space<hbm>>
      %dma_start3A_252 = tpu.memref_squeeze %dma_start3A_251 : memref<1x1x40x128xi32, #tpu.memory_space<hbm>> -> memref<40x128xi32, #tpu.memory_space<hbm>>
      tpu.enqueue_dma source(%dma_start3A_252 : memref<40x128xi32, #tpu.memory_space<hbm>>) target(%arg6 : memref<40x128xi32, #tpu.memory_space<vmem>>) target_semaphore(%run_scoped3A_244 : memref<!tpu.dma_semaphore, #tpu.memory_space<semaphore_mem>>)
      %dma_wait3A_253 = arith.constant 0 : i32
      %dma_wait3A_254 = arith.constant 0 : i32
      %dma_wait3A_255 = tpu.memref_slice %arg3[%arg0, %arg1, %dma_wait3A_253, %dma_wait3A_254] : memref<2x16x40x128xi32, #tpu.memory_space<hbm>> -> memref<1x1x40x128xi32, #tpu.memory_space<hbm>>
      %dma_wait3A_256 = tpu.memref_squeeze %dma_wait3A_255 : memref<1x1x40x128xi32, #tpu.memory_space<hbm>> -> memref<40x128xi32, #tpu.memory_space<hbm>>
      %dma_wait3A_257 = arith.constant 0 : i32
      %dma_wait3A_258 = arith.constant 0 : i32
      %dma_wait3A_259 = tpu.memref_slice %arg3[%arg0, %arg1, %dma_wait3A_257, %dma_wait3A_258] : memref<2x16x40x128xi32, #tpu.memory_space<hbm>> -> memref<1x1x40x128xi32, #tpu.memory_space<hbm>>
      %dma_wait3A_260 = tpu.memref_squeeze %dma_wait3A_259 : memref<1x1x40x128xi32, #tpu.memory_space<hbm>> -> memref<40x128xi32, #tpu.memory_space<hbm>>
      tpu.wait_dma2 semaphore(%run_scoped3A_244 : memref<!tpu.dma_semaphore, #tpu.memory_space<semaphore_mem>>) src(%dma_wait3A_260 : memref<40x128xi32, #tpu.memory_space<hbm>>) dst(%arg6 : memref<40x128xi32, #tpu.memory_space<vmem>>)
      tpu.yield
    }) : () -> ()
    %run_scoped3A = arith.constant 0 : i32
    "tpu.region"() ({
      %run_scoped3A_244 = tpu.sem_alloc : memref<!tpu.dma_semaphore, #tpu.memory_space<semaphore_mem>>
      %dma_start3A_245 = arith.constant 0 : i32
      %dma_start3A_246 = arith.constant 0 : i32
      %dma_start3A_247 = tpu.memref_slice %arg4[%run_scoped3A, %arg0, %arg1, %dma_start3A_245, %dma_start3A_246] : memref<2x2x16x40x128xi32, #tpu.memory_space<hbm>> -> memref<1x1x1x40x128xi32, #tpu.memory_space<hbm>>
      %dma_start3A_248 = tpu.memref_squeeze %dma_start3A_247 : memref<1x1x1x40x128xi32, #tpu.memory_space<hbm>> -> memref<40x128xi32, #tpu.memory_space<hbm>>
      %dma_start3A_249 = arith.constant 0 : i32
      %dma_start3A_250 = arith.constant 0 : i32
      %dma_start3A_251 = tpu.memref_slice %arg4[%run_scoped3A, %arg0, %arg1, %dma_start3A_249, %dma_start3A_250] : memref<2x2x16x40x128xi32, #tpu.memory_space<hbm>> -> memref<1x1x1x40x128xi32, #tpu.memory_space<hbm>>
      %dma_start3A_252 = tpu.memref_squeeze %dma_start3A_251 : memref<1x1x1x40x128xi32, #tpu.memory_space<hbm>> -> memref<40x128xi32, #tpu.memory_space<hbm>>
      tpu.enqueue_dma source(%dma_start3A_252 : memref<40x128xi32, #tpu.memory_space<hbm>>) target(%arg7 : memref<40x128xi32, #tpu.memory_space<vmem>>) target_semaphore(%run_scoped3A_244 : memref<!tpu.dma_semaphore, #tpu.memory_space<semaphore_mem>>)
      %dma_wait3A_253 = arith.constant 0 : i32
      %dma_wait3A_254 = arith.constant 0 : i32
      %dma_wait3A_255 = tpu.memref_slice %arg4[%run_scoped3A, %arg0, %arg1, %dma_wait3A_253, %dma_wait3A_254] : memref<2x2x16x40x128xi32, #tpu.memory_space<hbm>> -> memref<1x1x1x40x128xi32, #tpu.memory_space<hbm>>
      %dma_wait3A_256 = tpu.memref_squeeze %dma_wait3A_255 : memref<1x1x1x40x128xi32, #tpu.memory_space<hbm>> -> memref<40x128xi32, #tpu.memory_space<hbm>>
      %dma_wait3A_257 = arith.constant 0 : i32
      %dma_wait3A_258 = arith.constant 0 : i32
      %dma_wait3A_259 = tpu.memref_slice %arg4[%run_scoped3A, %arg0, %arg1, %dma_wait3A_257, %dma_wait3A_258] : memref<2x2x16x40x128xi32, #tpu.memory_space<hbm>> -> memref<1x1x1x40x128xi32, #tpu.memory_space<hbm>>
      %dma_wait3A_260 = tpu.memref_squeeze %dma_wait3A_259 : memref<1x1x1x40x128xi32, #tpu.memory_space<hbm>> -> memref<40x128xi32, #tpu.memory_space<hbm>>
      tpu.wait_dma2 semaphore(%run_scoped3A_244 : memref<!tpu.dma_semaphore, #tpu.memory_space<semaphore_mem>>) src(%dma_wait3A_260 : memref<40x128xi32, #tpu.memory_space<hbm>>) dst(%arg7 : memref<40x128xi32, #tpu.memory_space<vmem>>)
      tpu.yield
    }) : () -> ()
    %run_scoped3A_4 = arith.constant 1 : i32
    "tpu.region"() ({
      %run_scoped3A_244 = tpu.sem_alloc : memref<!tpu.dma_semaphore, #tpu.memory_space<semaphore_mem>>
      %dma_start3A_245 = arith.constant 0 : i32
      %dma_start3A_246 = arith.constant 0 : i32
      %dma_start3A_247 = tpu.memref_slice %arg4[%run_scoped3A_4, %arg0, %arg1, %dma_start3A_245, %dma_start3A_246] : memref<2x2x16x40x128xi32, #tpu.memory_space<hbm>> -> memref<1x1x1x40x128xi32, #tpu.memory_space<hbm>>
      %dma_start3A_248 = tpu.memref_squeeze %dma_start3A_247 : memref<1x1x1x40x128xi32, #tpu.memory_space<hbm>> -> memref<40x128xi32, #tpu.memory_space<hbm>>
      %dma_start3A_249 = arith.constant 0 : i32
      %dma_start3A_250 = arith.constant 0 : i32
      %dma_start3A_251 = tpu.memref_slice %arg4[%run_scoped3A_4, %arg0, %arg1, %dma_start3A_249, %dma_start3A_250] : memref<2x2x16x40x128xi32, #tpu.memory_space<hbm>> -> memref<1x1x1x40x128xi32, #tpu.memory_space<hbm>>
      %dma_start3A_252 = tpu.memref_squeeze %dma_start3A_251 : memref<1x1x1x40x128xi32, #tpu.memory_space<hbm>> -> memref<40x128xi32, #tpu.memory_space<hbm>>
      tpu.enqueue_dma source(%dma_start3A_252 : memref<40x128xi32, #tpu.memory_space<hbm>>) target(%arg8 : memref<40x128xi32, #tpu.memory_space<vmem>>) target_semaphore(%run_scoped3A_244 : memref<!tpu.dma_semaphore, #tpu.memory_space<semaphore_mem>>)
      %dma_wait3A_253 = arith.constant 0 : i32
      %dma_wait3A_254 = arith.constant 0 : i32
      %dma_wait3A_255 = tpu.memref_slice %arg4[%run_scoped3A_4, %arg0, %arg1, %dma_wait3A_253, %dma_wait3A_254] : memref<2x2x16x40x128xi32, #tpu.memory_space<hbm>> -> memref<1x1x1x40x128xi32, #tpu.memory_space<hbm>>
      %dma_wait3A_256 = tpu.memref_squeeze %dma_wait3A_255 : memref<1x1x1x40x128xi32, #tpu.memory_space<hbm>> -> memref<40x128xi32, #tpu.memory_space<hbm>>
      %dma_wait3A_257 = arith.constant 0 : i32
      %dma_wait3A_258 = arith.constant 0 : i32
      %dma_wait3A_259 = tpu.memref_slice %arg4[%run_scoped3A_4, %arg0, %arg1, %dma_wait3A_257, %dma_wait3A_258] : memref<2x2x16x40x128xi32, #tpu.memory_space<hbm>> -> memref<1x1x1x40x128xi32, #tpu.memory_space<hbm>>
      %dma_wait3A_260 = tpu.memref_squeeze %dma_wait3A_259 : memref<1x1x1x40x128xi32, #tpu.memory_space<hbm>> -> memref<40x128xi32, #tpu.memory_space<hbm>>
      tpu.wait_dma2 semaphore(%run_scoped3A_244 : memref<!tpu.dma_semaphore, #tpu.memory_space<semaphore_mem>>) src(%dma_wait3A_260 : memref<40x128xi32, #tpu.memory_space<hbm>>) dst(%arg8 : memref<40x128xi32, #tpu.memory_space<vmem>>)
      tpu.yield
    }) : () -> ()
    %mul3A = arith.constant 328 : i32
    %mul3A_5 = arith.muli %arg1, %mul3A : i32
    %add3A = arith.constant 0 : i32
    %add3A_6 = arith.addi %mul3A_5, %add3A : i32
    "tpu.region"() ({
      %run_scoped3A_244 = tpu.sem_alloc : memref<!tpu.dma_semaphore, #tpu.memory_space<semaphore_mem>>
      %dma_start3A_245 = arith.constant 0 : i32
      %dma_start3A_246 = arith.constant 0 : i32
      %dma_start3A_247 = tpu.memref_slice %arg10[%dma_start3A_245, %dma_start3A_246] : memref<64x128xf32, #tpu.memory_space<vmem>> -> memref<64x128xf32, #tpu.memory_space<vmem>>
      %dma_start3A_248 = arith.constant 0 : i32
      %dma_start3A_249 = tpu.memref_slice %arg11[%add3A_6, %dma_start3A_248] : memref<5248x128xf32, #tpu.memory_space<vmem_shared>> -> memref<64x128xf32, #tpu.memory_space<vmem_shared>>
      %dma_start3A_250 = arith.constant 0 : i32
      %dma_start3A_251 = tpu.memref_slice %arg11[%add3A_6, %dma_start3A_250] : memref<5248x128xf32, #tpu.memory_space<vmem_shared>> -> memref<64x128xf32, #tpu.memory_space<vmem_shared>>
      %dma_start3A_252 = arith.constant 0 : i32
      %dma_start3A_253 = arith.constant 0 : i32
      %dma_start3A_254 = tpu.memref_slice %arg10[%dma_start3A_252, %dma_start3A_253] : memref<64x128xf32, #tpu.memory_space<vmem>> -> memref<64x128xf32, #tpu.memory_space<vmem>>
      tpu.enqueue_dma source(%dma_start3A_254 : memref<64x128xf32, #tpu.memory_space<vmem>>) target(%dma_start3A_251 : memref<64x128xf32, #tpu.memory_space<vmem_shared>>) target_semaphore(%run_scoped3A_244 : memref<!tpu.dma_semaphore, #tpu.memory_space<semaphore_mem>>)
      %dma_wait3A_255 = arith.constant 0 : i32
      %dma_wait3A_256 = arith.constant 0 : i32
      %dma_wait3A_257 = tpu.memref_slice %arg10[%dma_wait3A_255, %dma_wait3A_256] : memref<64x128xf32, #tpu.memory_space<vmem>> -> memref<64x128xf32, #tpu.memory_space<vmem>>
      %dma_wait3A_258 = arith.constant 0 : i32
      %dma_wait3A_259 = tpu.memref_slice %arg11[%add3A_6, %dma_wait3A_258] : memref<5248x128xf32, #tpu.memory_space<vmem_shared>> -> memref<64x128xf32, #tpu.memory_space<vmem_shared>>
      %dma_wait3A_260 = arith.constant 0 : i32
      %dma_wait3A_261 = tpu.memref_slice %arg11[%add3A_6, %dma_wait3A_260] : memref<5248x128xf32, #tpu.memory_space<vmem_shared>> -> memref<64x128xf32, #tpu.memory_space<vmem_shared>>
      %dma_wait3A_262 = arith.constant 0 : i32
      %dma_wait3A_263 = arith.constant 0 : i32
      %dma_wait3A_264 = tpu.memref_slice %arg10[%dma_wait3A_262, %dma_wait3A_263] : memref<64x128xf32, #tpu.memory_space<vmem>> -> memref<64x128xf32, #tpu.memory_space<vmem>>
      tpu.wait_dma2 semaphore(%run_scoped3A_244 : memref<!tpu.dma_semaphore, #tpu.memory_space<semaphore_mem>>) src(%dma_wait3A_264 : memref<64x128xf32, #tpu.memory_space<vmem>>) dst(%dma_wait3A_261 : memref<64x128xf32, #tpu.memory_space<vmem_shared>>)
      tpu.yield
    }) : () -> ()
    %mul3A_7 = arith.constant 328 : i32
    %mul3A_8 = arith.muli %arg1, %mul3A_7 : i32
    %add3A_9 = arith.constant 64 : i32
    %add3A_10 = arith.addi %mul3A_8, %add3A_9 : i32
    "tpu.region"() ({
      %run_scoped3A_244 = tpu.sem_alloc : memref<!tpu.dma_semaphore, #tpu.memory_space<semaphore_mem>>
      %dma_start3A_245 = arith.constant 0 : i32
      %dma_start3A_246 = arith.constant 0 : i32
      %dma_start3A_247 = tpu.memref_slice %arg10[%dma_start3A_245, %dma_start3A_246] : memref<64x128xf32, #tpu.memory_space<vmem>> -> memref<64x128xf32, #tpu.memory_space<vmem>>
      %dma_start3A_248 = arith.constant 0 : i32
      %dma_start3A_249 = tpu.memref_slice %arg11[%add3A_10, %dma_start3A_248] : memref<5248x128xf32, #tpu.memory_space<vmem_shared>> -> memref<64x128xf32, #tpu.memory_space<vmem_shared>>
      %dma_start3A_250 = arith.constant 0 : i32
      %dma_start3A_251 = tpu.memref_slice %arg11[%add3A_10, %dma_start3A_250] : memref<5248x128xf32, #tpu.memory_space<vmem_shared>> -> memref<64x128xf32, #tpu.memory_space<vmem_shared>>
      %dma_start3A_252 = arith.constant 0 : i32
      %dma_start3A_253 = arith.constant 0 : i32
      %dma_start3A_254 = tpu.memref_slice %arg10[%dma_start3A_252, %dma_start3A_253] : memref<64x128xf32, #tpu.memory_space<vmem>> -> memref<64x128xf32, #tpu.memory_space<vmem>>
      tpu.enqueue_dma source(%dma_start3A_254 : memref<64x128xf32, #tpu.memory_space<vmem>>) target(%dma_start3A_251 : memref<64x128xf32, #tpu.memory_space<vmem_shared>>) target_semaphore(%run_scoped3A_244 : memref<!tpu.dma_semaphore, #tpu.memory_space<semaphore_mem>>)
      %dma_wait3A_255 = arith.constant 0 : i32
      %dma_wait3A_256 = arith.constant 0 : i32
      %dma_wait3A_257 = tpu.memref_slice %arg10[%dma_wait3A_255, %dma_wait3A_256] : memref<64x128xf32, #tpu.memory_space<vmem>> -> memref<64x128xf32, #tpu.memory_space<vmem>>
      %dma_wait3A_258 = arith.constant 0 : i32
      %dma_wait3A_259 = tpu.memref_slice %arg11[%add3A_10, %dma_wait3A_258] : memref<5248x128xf32, #tpu.memory_space<vmem_shared>> -> memref<64x128xf32, #tpu.memory_space<vmem_shared>>
      %dma_wait3A_260 = arith.constant 0 : i32
      %dma_wait3A_261 = tpu.memref_slice %arg11[%add3A_10, %dma_wait3A_260] : memref<5248x128xf32, #tpu.memory_space<vmem_shared>> -> memref<64x128xf32, #tpu.memory_space<vmem_shared>>
      %dma_wait3A_262 = arith.constant 0 : i32
      %dma_wait3A_263 = arith.constant 0 : i32
      %dma_wait3A_264 = tpu.memref_slice %arg10[%dma_wait3A_262, %dma_wait3A_263] : memref<64x128xf32, #tpu.memory_space<vmem>> -> memref<64x128xf32, #tpu.memory_space<vmem>>
      tpu.wait_dma2 semaphore(%run_scoped3A_244 : memref<!tpu.dma_semaphore, #tpu.memory_space<semaphore_mem>>) src(%dma_wait3A_264 : memref<64x128xf32, #tpu.memory_space<vmem>>) dst(%dma_wait3A_261 : memref<64x128xf32, #tpu.memory_space<vmem_shared>>)
      tpu.yield
    }) : () -> ()
    %mul3A_11 = arith.constant 328 : i32
    %mul3A_12 = arith.muli %arg1, %mul3A_11 : i32
    %add3A_13 = arith.constant 128 : i32
    %add3A_14 = arith.addi %mul3A_12, %add3A_13 : i32
    "tpu.region"() ({
      %run_scoped3A_244 = tpu.sem_alloc : memref<!tpu.dma_semaphore, #tpu.memory_space<semaphore_mem>>
      %dma_start3A_245 = arith.constant 0 : i32
      %dma_start3A_246 = arith.constant 0 : i32
      %dma_start3A_247 = tpu.memref_slice %arg10[%dma_start3A_245, %dma_start3A_246] : memref<64x128xf32, #tpu.memory_space<vmem>> -> memref<64x128xf32, #tpu.memory_space<vmem>>
      %dma_start3A_248 = arith.constant 0 : i32
      %dma_start3A_249 = tpu.memref_slice %arg11[%add3A_14, %dma_start3A_248] : memref<5248x128xf32, #tpu.memory_space<vmem_shared>> -> memref<64x128xf32, #tpu.memory_space<vmem_shared>>
      %dma_start3A_250 = arith.constant 0 : i32
      %dma_start3A_251 = tpu.memref_slice %arg11[%add3A_14, %dma_start3A_250] : memref<5248x128xf32, #tpu.memory_space<vmem_shared>> -> memref<64x128xf32, #tpu.memory_space<vmem_shared>>
      %dma_start3A_252 = arith.constant 0 : i32
      %dma_start3A_253 = arith.constant 0 : i32
      %dma_start3A_254 = tpu.memref_slice %arg10[%dma_start3A_252, %dma_start3A_253] : memref<64x128xf32, #tpu.memory_space<vmem>> -> memref<64x128xf32, #tpu.memory_space<vmem>>
      tpu.enqueue_dma source(%dma_start3A_254 : memref<64x128xf32, #tpu.memory_space<vmem>>) target(%dma_start3A_251 : memref<64x128xf32, #tpu.memory_space<vmem_shared>>) target_semaphore(%run_scoped3A_244 : memref<!tpu.dma_semaphore, #tpu.memory_space<semaphore_mem>>)
      %dma_wait3A_255 = arith.constant 0 : i32
      %dma_wait3A_256 = arith.constant 0 : i32
      %dma_wait3A_257 = tpu.memref_slice %arg10[%dma_wait3A_255, %dma_wait3A_256] : memref<64x128xf32, #tpu.memory_space<vmem>> -> memref<64x128xf32, #tpu.memory_space<vmem>>
      %dma_wait3A_258 = arith.constant 0 : i32
      %dma_wait3A_259 = tpu.memref_slice %arg11[%add3A_14, %dma_wait3A_258] : memref<5248x128xf32, #tpu.memory_space<vmem_shared>> -> memref<64x128xf32, #tpu.memory_space<vmem_shared>>
      %dma_wait3A_260 = arith.constant 0 : i32
      %dma_wait3A_261 = tpu.memref_slice %arg11[%add3A_14, %dma_wait3A_260] : memref<5248x128xf32, #tpu.memory_space<vmem_shared>> -> memref<64x128xf32, #tpu.memory_space<vmem_shared>>
      %dma_wait3A_262 = arith.constant 0 : i32
      %dma_wait3A_263 = arith.constant 0 : i32
      %dma_wait3A_264 = tpu.memref_slice %arg10[%dma_wait3A_262, %dma_wait3A_263] : memref<64x128xf32, #tpu.memory_space<vmem>> -> memref<64x128xf32, #tpu.memory_space<vmem>>
      tpu.wait_dma2 semaphore(%run_scoped3A_244 : memref<!tpu.dma_semaphore, #tpu.memory_space<semaphore_mem>>) src(%dma_wait3A_264 : memref<64x128xf32, #tpu.memory_space<vmem>>) dst(%dma_wait3A_261 : memref<64x128xf32, #tpu.memory_space<vmem_shared>>)
      tpu.yield
    }) : () -> ()
    %mul3A_15 = arith.constant 328 : i32
    %mul3A_16 = arith.muli %arg1, %mul3A_15 : i32
    %add3A_17 = arith.constant 192 : i32
    %add3A_18 = arith.addi %mul3A_16, %add3A_17 : i32
    "tpu.region"() ({
      %run_scoped3A_244 = tpu.sem_alloc : memref<!tpu.dma_semaphore, #tpu.memory_space<semaphore_mem>>
      %dma_start3A_245 = arith.constant 0 : i32
      %dma_start3A_246 = arith.constant 0 : i32
      %dma_start3A_247 = tpu.memref_slice %arg10[%dma_start3A_245, %dma_start3A_246] : memref<64x128xf32, #tpu.memory_space<vmem>> -> memref<64x128xf32, #tpu.memory_space<vmem>>
      %dma_start3A_248 = arith.constant 0 : i32
      %dma_start3A_249 = tpu.memref_slice %arg11[%add3A_18, %dma_start3A_248] : memref<5248x128xf32, #tpu.memory_space<vmem_shared>> -> memref<64x128xf32, #tpu.memory_space<vmem_shared>>
      %dma_start3A_250 = arith.constant 0 : i32
      %dma_start3A_251 = tpu.memref_slice %arg11[%add3A_18, %dma_start3A_250] : memref<5248x128xf32, #tpu.memory_space<vmem_shared>> -> memref<64x128xf32, #tpu.memory_space<vmem_shared>>
      %dma_start3A_252 = arith.constant 0 : i32
      %dma_start3A_253 = arith.constant 0 : i32
      %dma_start3A_254 = tpu.memref_slice %arg10[%dma_start3A_252, %dma_start3A_253] : memref<64x128xf32, #tpu.memory_space<vmem>> -> memref<64x128xf32, #tpu.memory_space<vmem>>
      tpu.enqueue_dma source(%dma_start3A_254 : memref<64x128xf32, #tpu.memory_space<vmem>>) target(%dma_start3A_251 : memref<64x128xf32, #tpu.memory_space<vmem_shared>>) target_semaphore(%run_scoped3A_244 : memref<!tpu.dma_semaphore, #tpu.memory_space<semaphore_mem>>)
      %dma_wait3A_255 = arith.constant 0 : i32
      %dma_wait3A_256 = arith.constant 0 : i32
      %dma_wait3A_257 = tpu.memref_slice %arg10[%dma_wait3A_255, %dma_wait3A_256] : memref<64x128xf32, #tpu.memory_space<vmem>> -> memref<64x128xf32, #tpu.memory_space<vmem>>
      %dma_wait3A_258 = arith.constant 0 : i32
      %dma_wait3A_259 = tpu.memref_slice %arg11[%add3A_18, %dma_wait3A_258] : memref<5248x128xf32, #tpu.memory_space<vmem_shared>> -> memref<64x128xf32, #tpu.memory_space<vmem_shared>>
      %dma_wait3A_260 = arith.constant 0 : i32
      %dma_wait3A_261 = tpu.memref_slice %arg11[%add3A_18, %dma_wait3A_260] : memref<5248x128xf32, #tpu.memory_space<vmem_shared>> -> memref<64x128xf32, #tpu.memory_space<vmem_shared>>
      %dma_wait3A_262 = arith.constant 0 : i32
      %dma_wait3A_263 = arith.constant 0 : i32
      %dma_wait3A_264 = tpu.memref_slice %arg10[%dma_wait3A_262, %dma_wait3A_263] : memref<64x128xf32, #tpu.memory_space<vmem>> -> memref<64x128xf32, #tpu.memory_space<vmem>>
      tpu.wait_dma2 semaphore(%run_scoped3A_244 : memref<!tpu.dma_semaphore, #tpu.memory_space<semaphore_mem>>) src(%dma_wait3A_264 : memref<64x128xf32, #tpu.memory_space<vmem>>) dst(%dma_wait3A_261 : memref<64x128xf32, #tpu.memory_space<vmem_shared>>)
      tpu.yield
    }) : () -> ()
    %mul3A_19 = arith.constant 328 : i32
    %mul3A_20 = arith.muli %arg1, %mul3A_19 : i32
    %add3A_21 = arith.constant 256 : i32
    %add3A_22 = arith.addi %mul3A_20, %add3A_21 : i32
    "tpu.region"() ({
      %run_scoped3A_244 = tpu.sem_alloc : memref<!tpu.dma_semaphore, #tpu.memory_space<semaphore_mem>>
      %dma_start3A_245 = arith.constant 0 : i32
      %dma_start3A_246 = arith.constant 0 : i32
      %dma_start3A_247 = tpu.memref_slice %arg10[%dma_start3A_245, %dma_start3A_246] : memref<64x128xf32, #tpu.memory_space<vmem>> -> memref<64x128xf32, #tpu.memory_space<vmem>>
      %dma_start3A_248 = arith.constant 0 : i32
      %dma_start3A_249 = tpu.memref_slice %arg11[%add3A_22, %dma_start3A_248] : memref<5248x128xf32, #tpu.memory_space<vmem_shared>> -> memref<64x128xf32, #tpu.memory_space<vmem_shared>>
      %dma_start3A_250 = arith.constant 0 : i32
      %dma_start3A_251 = tpu.memref_slice %arg11[%add3A_22, %dma_start3A_250] : memref<5248x128xf32, #tpu.memory_space<vmem_shared>> -> memref<64x128xf32, #tpu.memory_space<vmem_shared>>
      %dma_start3A_252 = arith.constant 0 : i32
      %dma_start3A_253 = arith.constant 0 : i32
      %dma_start3A_254 = tpu.memref_slice %arg10[%dma_start3A_252, %dma_start3A_253] : memref<64x128xf32, #tpu.memory_space<vmem>> -> memref<64x128xf32, #tpu.memory_space<vmem>>
      tpu.enqueue_dma source(%dma_start3A_254 : memref<64x128xf32, #tpu.memory_space<vmem>>) target(%dma_start3A_251 : memref<64x128xf32, #tpu.memory_space<vmem_shared>>) target_semaphore(%run_scoped3A_244 : memref<!tpu.dma_semaphore, #tpu.memory_space<semaphore_mem>>)
      %dma_wait3A_255 = arith.constant 0 : i32
      %dma_wait3A_256 = arith.constant 0 : i32
      %dma_wait3A_257 = tpu.memref_slice %arg10[%dma_wait3A_255, %dma_wait3A_256] : memref<64x128xf32, #tpu.memory_space<vmem>> -> memref<64x128xf32, #tpu.memory_space<vmem>>
      %dma_wait3A_258 = arith.constant 0 : i32
      %dma_wait3A_259 = tpu.memref_slice %arg11[%add3A_22, %dma_wait3A_258] : memref<5248x128xf32, #tpu.memory_space<vmem_shared>> -> memref<64x128xf32, #tpu.memory_space<vmem_shared>>
      %dma_wait3A_260 = arith.constant 0 : i32
      %dma_wait3A_261 = tpu.memref_slice %arg11[%add3A_22, %dma_wait3A_260] : memref<5248x128xf32, #tpu.memory_space<vmem_shared>> -> memref<64x128xf32, #tpu.memory_space<vmem_shared>>
      %dma_wait3A_262 = arith.constant 0 : i32
      %dma_wait3A_263 = arith.constant 0 : i32
      %dma_wait3A_264 = tpu.memref_slice %arg10[%dma_wait3A_262, %dma_wait3A_263] : memref<64x128xf32, #tpu.memory_space<vmem>> -> memref<64x128xf32, #tpu.memory_space<vmem>>
      tpu.wait_dma2 semaphore(%run_scoped3A_244 : memref<!tpu.dma_semaphore, #tpu.memory_space<semaphore_mem>>) src(%dma_wait3A_264 : memref<64x128xf32, #tpu.memory_space<vmem>>) dst(%dma_wait3A_261 : memref<64x128xf32, #tpu.memory_space<vmem_shared>>)
      tpu.yield
    }) : () -> ()
    %mul3A_23 = arith.constant 328 : i32
    %mul3A_24 = arith.muli %arg1, %mul3A_23 : i32
    %add3A_25 = arith.constant 320 : i32
    %add3A_26 = arith.addi %mul3A_24, %add3A_25 : i32
    "tpu.region"() ({
      %run_scoped3A_244 = tpu.sem_alloc : memref<!tpu.dma_semaphore, #tpu.memory_space<semaphore_mem>>
      %dma_start3A_245 = arith.constant 0 : i32
      %dma_start3A_246 = arith.constant 0 : i32
      %dma_start3A_247 = tpu.memref_slice %arg10[%dma_start3A_245, %dma_start3A_246] : memref<64x128xf32, #tpu.memory_space<vmem>> -> memref<8x128xf32, #tpu.memory_space<vmem>>
      %dma_start3A_248 = arith.constant 0 : i32
      %dma_start3A_249 = tpu.memref_slice %arg11[%add3A_26, %dma_start3A_248] : memref<5248x128xf32, #tpu.memory_space<vmem_shared>> -> memref<8x128xf32, #tpu.memory_space<vmem_shared>>
      %dma_start3A_250 = arith.constant 0 : i32
      %dma_start3A_251 = tpu.memref_slice %arg11[%add3A_26, %dma_start3A_250] : memref<5248x128xf32, #tpu.memory_space<vmem_shared>> -> memref<8x128xf32, #tpu.memory_space<vmem_shared>>
      %dma_start3A_252 = arith.constant 0 : i32
      %dma_start3A_253 = arith.constant 0 : i32
      %dma_start3A_254 = tpu.memref_slice %arg10[%dma_start3A_252, %dma_start3A_253] : memref<64x128xf32, #tpu.memory_space<vmem>> -> memref<8x128xf32, #tpu.memory_space<vmem>>
      tpu.enqueue_dma source(%dma_start3A_254 : memref<8x128xf32, #tpu.memory_space<vmem>>) target(%dma_start3A_251 : memref<8x128xf32, #tpu.memory_space<vmem_shared>>) target_semaphore(%run_scoped3A_244 : memref<!tpu.dma_semaphore, #tpu.memory_space<semaphore_mem>>)
      %dma_wait3A_255 = arith.constant 0 : i32
      %dma_wait3A_256 = arith.constant 0 : i32
      %dma_wait3A_257 = tpu.memref_slice %arg10[%dma_wait3A_255, %dma_wait3A_256] : memref<64x128xf32, #tpu.memory_space<vmem>> -> memref<8x128xf32, #tpu.memory_space<vmem>>
      %dma_wait3A_258 = arith.constant 0 : i32
      %dma_wait3A_259 = tpu.memref_slice %arg11[%add3A_26, %dma_wait3A_258] : memref<5248x128xf32, #tpu.memory_space<vmem_shared>> -> memref<8x128xf32, #tpu.memory_space<vmem_shared>>
      %dma_wait3A_260 = arith.constant 0 : i32
      %dma_wait3A_261 = tpu.memref_slice %arg11[%add3A_26, %dma_wait3A_260] : memref<5248x128xf32, #tpu.memory_space<vmem_shared>> -> memref<8x128xf32, #tpu.memory_space<vmem_shared>>
      %dma_wait3A_262 = arith.constant 0 : i32
      %dma_wait3A_263 = arith.constant 0 : i32
      %dma_wait3A_264 = tpu.memref_slice %arg10[%dma_wait3A_262, %dma_wait3A_263] : memref<64x128xf32, #tpu.memory_space<vmem>> -> memref<8x128xf32, #tpu.memory_space<vmem>>
      tpu.wait_dma2 semaphore(%run_scoped3A_244 : memref<!tpu.dma_semaphore, #tpu.memory_space<semaphore_mem>>) src(%dma_wait3A_264 : memref<8x128xf32, #tpu.memory_space<vmem>>) dst(%dma_wait3A_261 : memref<8x128xf32, #tpu.memory_space<vmem_shared>>)
      tpu.yield
    }) : () -> ()
    %barrier3A = arith.constant 0 : index
    tpu.barrier barrier_id(%barrier3A)
    %dma_start3A = arith.constant 0 : i32
    %dma_start3A_27 = arith.constant 0 : i32
    %dma_start3A_28 = arith.constant 0 : i32
    %dma_start3A_29 = arith.constant 0 : i32
    %dma_start3A_30 = tpu.memref_slice %arg9[%dma_start3A_27, %dma_start3A_28, %dma_start3A_29] : memref<4x128x128xf32, #tpu.memory_space<vmem>> -> memref<1x128x128xf32, #tpu.memory_space<vmem>>
    %dma_start3A_31 = tpu.memref_squeeze %dma_start3A_30 : memref<1x128x128xf32, #tpu.memory_space<vmem>> -> memref<128x128xf32, #tpu.memory_space<vmem>>
    %dma_start3A_32 = arith.constant 0 : i32
    %dma_start3A_33 = tpu.memref_slice %arg6[%dma_start3A, %dma_start3A_32] : memref<40x128xi32, #tpu.memory_space<vmem>> -> memref<1x128xi32, #tpu.memory_space<vmem>>
    %dma_start3A_34 = tpu.memref_squeeze %dma_start3A_33 : memref<1x128xi32, #tpu.memory_space<vmem>> -> memref<128xi32, #tpu.memory_space<vmem>>
    %dma_start3A_35 = arith.constant 0 : i32
    %dma_start3A_36 = arith.constant 0 : i32
    %dma_start3A_37 = tpu.memref_slice %arg2[%dma_start3A_35, %dma_start3A_36] : memref<20480x128xf32, #tpu.memory_space<hbm>> -> memref<20480x128xf32, #tpu.memory_space<hbm>>
    tpu.enqueue_indirect_dma source(%dma_start3A_37 : memref<20480x128xf32, #tpu.memory_space<hbm>>) target(%dma_start3A_31 : memref<128x128xf32, #tpu.memory_space<vmem>>) offsets(%dma_start3A_34 : memref<128xi32, #tpu.memory_space<vmem>>) semaphore(%arg12 : memref<!tpu.dma_semaphore, #tpu.memory_space<semaphore_mem>>)
    %dma_start3A_38 = arith.constant 1 : i32
    %dma_start3A_39 = arith.constant 1 : i32
    %dma_start3A_40 = arith.constant 0 : i32
    %dma_start3A_41 = arith.constant 0 : i32
    %dma_start3A_42 = tpu.memref_slice %arg9[%dma_start3A_39, %dma_start3A_40, %dma_start3A_41] : memref<4x128x128xf32, #tpu.memory_space<vmem>> -> memref<1x128x128xf32, #tpu.memory_space<vmem>>
    %dma_start3A_43 = tpu.memref_squeeze %dma_start3A_42 : memref<1x128x128xf32, #tpu.memory_space<vmem>> -> memref<128x128xf32, #tpu.memory_space<vmem>>
    %dma_start3A_44 = arith.constant 0 : i32
    %dma_start3A_45 = tpu.memref_slice %arg6[%dma_start3A_38, %dma_start3A_44] : memref<40x128xi32, #tpu.memory_space<vmem>> -> memref<1x128xi32, #tpu.memory_space<vmem>>
    %dma_start3A_46 = tpu.memref_squeeze %dma_start3A_45 : memref<1x128xi32, #tpu.memory_space<vmem>> -> memref<128xi32, #tpu.memory_space<vmem>>
    %dma_start3A_47 = arith.constant 0 : i32
    %dma_start3A_48 = arith.constant 0 : i32
    %dma_start3A_49 = tpu.memref_slice %arg2[%dma_start3A_47, %dma_start3A_48] : memref<20480x128xf32, #tpu.memory_space<hbm>> -> memref<20480x128xf32, #tpu.memory_space<hbm>>
    tpu.enqueue_indirect_dma source(%dma_start3A_49 : memref<20480x128xf32, #tpu.memory_space<hbm>>) target(%dma_start3A_43 : memref<128x128xf32, #tpu.memory_space<vmem>>) offsets(%dma_start3A_46 : memref<128xi32, #tpu.memory_space<vmem>>) semaphore(%arg13 : memref<!tpu.dma_semaphore, #tpu.memory_space<semaphore_mem>>)
    %dma_start3A_50 = arith.constant 2 : i32
    %dma_start3A_51 = arith.constant 2 : i32
    %dma_start3A_52 = arith.constant 0 : i32
    %dma_start3A_53 = arith.constant 0 : i32
    %dma_start3A_54 = tpu.memref_slice %arg9[%dma_start3A_51, %dma_start3A_52, %dma_start3A_53] : memref<4x128x128xf32, #tpu.memory_space<vmem>> -> memref<1x128x128xf32, #tpu.memory_space<vmem>>
    %dma_start3A_55 = tpu.memref_squeeze %dma_start3A_54 : memref<1x128x128xf32, #tpu.memory_space<vmem>> -> memref<128x128xf32, #tpu.memory_space<vmem>>
    %dma_start3A_56 = arith.constant 0 : i32
    %dma_start3A_57 = tpu.memref_slice %arg6[%dma_start3A_50, %dma_start3A_56] : memref<40x128xi32, #tpu.memory_space<vmem>> -> memref<1x128xi32, #tpu.memory_space<vmem>>
    %dma_start3A_58 = tpu.memref_squeeze %dma_start3A_57 : memref<1x128xi32, #tpu.memory_space<vmem>> -> memref<128xi32, #tpu.memory_space<vmem>>
    %dma_start3A_59 = arith.constant 0 : i32
    %dma_start3A_60 = arith.constant 0 : i32
    %dma_start3A_61 = tpu.memref_slice %arg2[%dma_start3A_59, %dma_start3A_60] : memref<20480x128xf32, #tpu.memory_space<hbm>> -> memref<20480x128xf32, #tpu.memory_space<hbm>>
    tpu.enqueue_indirect_dma source(%dma_start3A_61 : memref<20480x128xf32, #tpu.memory_space<hbm>>) target(%dma_start3A_55 : memref<128x128xf32, #tpu.memory_space<vmem>>) offsets(%dma_start3A_58 : memref<128xi32, #tpu.memory_space<vmem>>) semaphore(%arg14 : memref<!tpu.dma_semaphore, #tpu.memory_space<semaphore_mem>>)
    %scan3A_62 = arith.constant 0 : i32
    %scan3A_63 = arith.constant 10 : i32
    %scan3A_64 = arith.addi %scan3A_62, %scan3A_63 : i32
    %scan3A_65 = arith.constant 1 : i32
    scf.for %scan3A_244 = %scan3A_62 to %scan3A_64 step %scan3A_65  : i32 {
      %mul3A_245 = arith.constant 1 : i32
      %mul3A_246 = arith.muli %scan3A_244, %mul3A_245 : i32
      %add3A_247 = arith.constant 0 : i32
      %add3A_248 = arith.addi %add3A_247, %mul3A_246 : i32
      %mul3A_249 = arith.constant 4 : i32
      %mul3A_250 = arith.muli %add3A_248, %mul3A_249 : i32
      %add3A_251 = arith.constant 0 : i32
      %add3A_252 = arith.addi %mul3A_250, %add3A_251 : i32
      %dma_wait3A_253 = arith.constant 0 : i32
      %dma_wait3A_254 = arith.constant 0 : i32
      %dma_wait3A_255 = arith.constant 0 : i32
      %dma_wait3A_256 = tpu.memref_slice %arg9[%dma_wait3A_253, %dma_wait3A_254, %dma_wait3A_255] : memref<4x128x128xf32, #tpu.memory_space<vmem>> -> memref<1x128x128xf32, #tpu.memory_space<vmem>>
      %dma_wait3A_257 = tpu.memref_squeeze %dma_wait3A_256 : memref<1x128x128xf32, #tpu.memory_space<vmem>> -> memref<128x128xf32, #tpu.memory_space<vmem>>
      %dma_wait3A_258 = arith.constant 0 : i32
      %dma_wait3A_259 = tpu.memref_slice %arg6[%add3A_252, %dma_wait3A_258] : memref<40x128xi32, #tpu.memory_space<vmem>> -> memref<1x128xi32, #tpu.memory_space<vmem>>
      %dma_wait3A_260 = tpu.memref_squeeze %dma_wait3A_259 : memref<1x128xi32, #tpu.memory_space<vmem>> -> memref<128xi32, #tpu.memory_space<vmem>>
      %dma_wait3A_261 = arith.constant 0 : i32
      %dma_wait3A_262 = arith.constant 0 : i32
      %dma_wait3A_263 = tpu.memref_slice %arg2[%dma_wait3A_261, %dma_wait3A_262] : memref<20480x128xf32, #tpu.memory_space<hbm>> -> memref<20480x128xf32, #tpu.memory_space<hbm>>
      tpu.wait_indirect_dma semaphore(%arg12 : memref<!tpu.dma_semaphore, #tpu.memory_space<semaphore_mem>>) src(%dma_wait3A_263 : memref<20480x128xf32, #tpu.memory_space<hbm>>) dst(%dma_wait3A_257 : memref<128x128xf32, #tpu.memory_space<vmem>>)
      %dma_start3A_264 = arith.constant 0 : i32
      %dma_start3A_265 = arith.constant 0 : i32
      %dma_start3A_266 = arith.constant 0 : i32
      %dma_start3A_267 = tpu.memref_slice %arg9[%dma_start3A_264, %dma_start3A_265, %dma_start3A_266] : memref<4x128x128xf32, #tpu.memory_space<vmem>> -> memref<1x128x128xf32, #tpu.memory_space<vmem>>
      %dma_start3A_268 = tpu.memref_squeeze %dma_start3A_267 : memref<1x128x128xf32, #tpu.memory_space<vmem>> -> memref<128x128xf32, #tpu.memory_space<vmem>>
      %dma_start3A_269 = arith.constant 0 : i32
      %dma_start3A_270 = tpu.memref_slice %arg7[%add3A_252, %dma_start3A_269] : memref<40x128xi32, #tpu.memory_space<vmem>> -> memref<1x128xi32, #tpu.memory_space<vmem>>
      %dma_start3A_271 = tpu.memref_squeeze %dma_start3A_270 : memref<1x128xi32, #tpu.memory_space<vmem>> -> memref<128xi32, #tpu.memory_space<vmem>>
      %dma_start3A_272 = arith.constant 0 : i32
      %dma_start3A_273 = arith.constant 0 : i32
      %dma_start3A_274 = tpu.memref_slice %arg11[%dma_start3A_272, %dma_start3A_273] : memref<5248x128xf32, #tpu.memory_space<vmem_shared>> -> memref<5248x128xf32, #tpu.memory_space<vmem_shared>>
      tpu.enqueue_indirect_dma source(%dma_start3A_268 : memref<128x128xf32, #tpu.memory_space<vmem>>) target(%dma_start3A_274 : memref<5248x128xf32, #tpu.memory_space<vmem_shared>>) offsets(%dma_start3A_271 : memref<128xi32, #tpu.memory_space<vmem>>) semaphore(%arg16 : memref<!tpu.dma_semaphore, #tpu.memory_space<semaphore_mem>>) {add = true}
      %add3A_275 = arith.constant 3 : i32
      %add3A_276 = arith.addi %add3A_252, %add3A_275 : i32
      %lt3A = arith.constant 40 : i32
      %lt3A_277 = arith.cmpi slt, %add3A_276, %lt3A : i32
      %convert_element_type3A = arith.extui %lt3A_277 : i1 to i32
      %cond3A = arith.constant 0 : i32
      %cond3A_278 = arith.cmpi ne, %convert_element_type3A, %cond3A : i32
      scf.if %cond3A_278 {
        %add3A_378 = arith.constant 3 : i32
        %add3A_379 = arith.addi %add3A_252, %add3A_378 : i32
        %ge3A = arith.constant 4 : i32
        %ge3A_380 = arith.cmpi sge, %add3A_379, %ge3A : i32
        %convert_element_type3A_381 = arith.extui %ge3A_380 : i1 to i32
        %cond3A_382 = arith.constant 0 : i32
        %cond3A_383 = arith.cmpi ne, %convert_element_type3A_381, %cond3A_382 : i32
        scf.if %cond3A_383 {
          %dma_wait3A_397 = arith.constant 3 : i32
          %dma_wait3A_398 = arith.constant 0 : i32
          %dma_wait3A_399 = arith.constant 0 : i32
          %dma_wait3A_400 = arith.constant 0 : i32
          %dma_wait3A_401 = tpu.memref_slice %arg9[%dma_wait3A_397, %dma_wait3A_399, %dma_wait3A_400] : memref<4x128x128xf32, #tpu.memory_space<vmem>> -> memref<1x128x128xf32, #tpu.memory_space<vmem>>
          %dma_wait3A_402 = tpu.memref_squeeze %dma_wait3A_401 : memref<1x128x128xf32, #tpu.memory_space<vmem>> -> memref<128x128xf32, #tpu.memory_space<vmem>>
          %dma_wait3A_403 = arith.constant 0 : i32
          %dma_wait3A_404 = tpu.memref_slice %arg7[%dma_wait3A_398, %dma_wait3A_403] : memref<40x128xi32, #tpu.memory_space<vmem>> -> memref<1x128xi32, #tpu.memory_space<vmem>>
          %dma_wait3A_405 = tpu.memref_squeeze %dma_wait3A_404 : memref<1x128xi32, #tpu.memory_space<vmem>> -> memref<128xi32, #tpu.memory_space<vmem>>
          %dma_wait3A_406 = arith.constant 0 : i32
          %dma_wait3A_407 = arith.constant 0 : i32
          %dma_wait3A_408 = tpu.memref_slice %arg11[%dma_wait3A_406, %dma_wait3A_407] : memref<5248x128xf32, #tpu.memory_space<vmem_shared>> -> memref<5248x128xf32, #tpu.memory_space<vmem_shared>>
          tpu.wait_indirect_dma semaphore(%arg19 : memref<!tpu.dma_semaphore, #tpu.memory_space<semaphore_mem>>) src(%dma_wait3A_402 : memref<128x128xf32, #tpu.memory_space<vmem>>) dst(%dma_wait3A_408 : memref<5248x128xf32, #tpu.memory_space<vmem_shared>>)
        } else {
        }
        %add3A_384 = arith.constant 3 : i32
        %add3A_385 = arith.addi %add3A_252, %add3A_384 : i32
        %dma_start3A_386 = arith.constant 3 : i32
        %dma_start3A_387 = arith.constant 0 : i32
        %dma_start3A_388 = arith.constant 0 : i32
        %dma_start3A_389 = tpu.memref_slice %arg9[%dma_start3A_386, %dma_start3A_387, %dma_start3A_388] : memref<4x128x128xf32, #tpu.memory_space<vmem>> -> memref<1x128x128xf32, #tpu.memory_space<vmem>>
        %dma_start3A_390 = tpu.memref_squeeze %dma_start3A_389 : memref<1x128x128xf32, #tpu.memory_space<vmem>> -> memref<128x128xf32, #tpu.memory_space<vmem>>
        %dma_start3A_391 = arith.constant 0 : i32
        %dma_start3A_392 = tpu.memref_slice %arg6[%add3A_385, %dma_start3A_391] : memref<40x128xi32, #tpu.memory_space<vmem>> -> memref<1x128xi32, #tpu.memory_space<vmem>>
        %dma_start3A_393 = tpu.memref_squeeze %dma_start3A_392 : memref<1x128xi32, #tpu.memory_space<vmem>> -> memref<128xi32, #tpu.memory_space<vmem>>
        %dma_start3A_394 = arith.constant 0 : i32
        %dma_start3A_395 = arith.constant 0 : i32
        %dma_start3A_396 = tpu.memref_slice %arg2[%dma_start3A_394, %dma_start3A_395] : memref<20480x128xf32, #tpu.memory_space<hbm>> -> memref<20480x128xf32, #tpu.memory_space<hbm>>
        tpu.enqueue_indirect_dma source(%dma_start3A_396 : memref<20480x128xf32, #tpu.memory_space<hbm>>) target(%dma_start3A_390 : memref<128x128xf32, #tpu.memory_space<vmem>>) offsets(%dma_start3A_393 : memref<128xi32, #tpu.memory_space<vmem>>) semaphore(%arg15 : memref<!tpu.dma_semaphore, #tpu.memory_space<semaphore_mem>>)
      } else {
      }
      %mul3A_279 = arith.constant 4 : i32
      %mul3A_280 = arith.muli %add3A_248, %mul3A_279 : i32
      %add3A_281 = arith.constant 1 : i32
      %add3A_282 = arith.addi %mul3A_280, %add3A_281 : i32
      %dma_wait3A_283 = arith.constant 1 : i32
      %dma_wait3A_284 = arith.constant 0 : i32
      %dma_wait3A_285 = arith.constant 0 : i32
      %dma_wait3A_286 = tpu.memref_slice %arg9[%dma_wait3A_283, %dma_wait3A_284, %dma_wait3A_285] : memref<4x128x128xf32, #tpu.memory_space<vmem>> -> memref<1x128x128xf32, #tpu.memory_space<vmem>>
      %dma_wait3A_287 = tpu.memref_squeeze %dma_wait3A_286 : memref<1x128x128xf32, #tpu.memory_space<vmem>> -> memref<128x128xf32, #tpu.memory_space<vmem>>
      %dma_wait3A_288 = arith.constant 0 : i32
      %dma_wait3A_289 = tpu.memref_slice %arg6[%add3A_282, %dma_wait3A_288] : memref<40x128xi32, #tpu.memory_space<vmem>> -> memref<1x128xi32, #tpu.memory_space<vmem>>
      %dma_wait3A_290 = tpu.memref_squeeze %dma_wait3A_289 : memref<1x128xi32, #tpu.memory_space<vmem>> -> memref<128xi32, #tpu.memory_space<vmem>>
      %dma_wait3A_291 = arith.constant 0 : i32
      %dma_wait3A_292 = arith.constant 0 : i32
      %dma_wait3A_293 = tpu.memref_slice %arg2[%dma_wait3A_291, %dma_wait3A_292] : memref<20480x128xf32, #tpu.memory_space<hbm>> -> memref<20480x128xf32, #tpu.memory_space<hbm>>
      tpu.wait_indirect_dma semaphore(%arg13 : memref<!tpu.dma_semaphore, #tpu.memory_space<semaphore_mem>>) src(%dma_wait3A_293 : memref<20480x128xf32, #tpu.memory_space<hbm>>) dst(%dma_wait3A_287 : memref<128x128xf32, #tpu.memory_space<vmem>>)
      %dma_start3A_294 = arith.constant 1 : i32
      %dma_start3A_295 = arith.constant 0 : i32
      %dma_start3A_296 = arith.constant 0 : i32
      %dma_start3A_297 = tpu.memref_slice %arg9[%dma_start3A_294, %dma_start3A_295, %dma_start3A_296] : memref<4x128x128xf32, #tpu.memory_space<vmem>> -> memref<1x128x128xf32, #tpu.memory_space<vmem>>
      %dma_start3A_298 = tpu.memref_squeeze %dma_start3A_297 : memref<1x128x128xf32, #tpu.memory_space<vmem>> -> memref<128x128xf32, #tpu.memory_space<vmem>>
      %dma_start3A_299 = arith.constant 0 : i32
      %dma_start3A_300 = tpu.memref_slice %arg7[%add3A_282, %dma_start3A_299] : memref<40x128xi32, #tpu.memory_space<vmem>> -> memref<1x128xi32, #tpu.memory_space<vmem>>
      %dma_start3A_301 = tpu.memref_squeeze %dma_start3A_300 : memref<1x128xi32, #tpu.memory_space<vmem>> -> memref<128xi32, #tpu.memory_space<vmem>>
      %dma_start3A_302 = arith.constant 0 : i32
      %dma_start3A_303 = arith.constant 0 : i32
      %dma_start3A_304 = tpu.memref_slice %arg11[%dma_start3A_302, %dma_start3A_303] : memref<5248x128xf32, #tpu.memory_space<vmem_shared>> -> memref<5248x128xf32, #tpu.memory_space<vmem_shared>>
      tpu.enqueue_indirect_dma source(%dma_start3A_298 : memref<128x128xf32, #tpu.memory_space<vmem>>) target(%dma_start3A_304 : memref<5248x128xf32, #tpu.memory_space<vmem_shared>>) offsets(%dma_start3A_301 : memref<128xi32, #tpu.memory_space<vmem>>) semaphore(%arg17 : memref<!tpu.dma_semaphore, #tpu.memory_space<semaphore_mem>>) {add = true}
      %add3A_305 = arith.constant 3 : i32
      %add3A_306 = arith.addi %add3A_282, %add3A_305 : i32
      %lt3A_307 = arith.constant 40 : i32
      %lt3A_308 = arith.cmpi slt, %add3A_306, %lt3A_307 : i32
      %convert_element_type3A_309 = arith.extui %lt3A_308 : i1 to i32
      %cond3A_310 = arith.constant 0 : i32
      %cond3A_311 = arith.cmpi ne, %convert_element_type3A_309, %cond3A_310 : i32
      scf.if %cond3A_311 {
        %add3A_378 = arith.constant 3 : i32
        %add3A_379 = arith.addi %add3A_282, %add3A_378 : i32
        %ge3A = arith.constant 4 : i32
        %ge3A_380 = arith.cmpi sge, %add3A_379, %ge3A : i32
        %convert_element_type3A_381 = arith.extui %ge3A_380 : i1 to i32
        %cond3A_382 = arith.constant 0 : i32
        %cond3A_383 = arith.cmpi ne, %convert_element_type3A_381, %cond3A_382 : i32
        scf.if %cond3A_383 {
          %dma_wait3A_397 = arith.constant 0 : i32
          %dma_wait3A_398 = arith.constant 0 : i32
          %dma_wait3A_399 = arith.constant 0 : i32
          %dma_wait3A_400 = arith.constant 0 : i32
          %dma_wait3A_401 = tpu.memref_slice %arg9[%dma_wait3A_397, %dma_wait3A_399, %dma_wait3A_400] : memref<4x128x128xf32, #tpu.memory_space<vmem>> -> memref<1x128x128xf32, #tpu.memory_space<vmem>>
          %dma_wait3A_402 = tpu.memref_squeeze %dma_wait3A_401 : memref<1x128x128xf32, #tpu.memory_space<vmem>> -> memref<128x128xf32, #tpu.memory_space<vmem>>
          %dma_wait3A_403 = arith.constant 0 : i32
          %dma_wait3A_404 = tpu.memref_slice %arg7[%dma_wait3A_398, %dma_wait3A_403] : memref<40x128xi32, #tpu.memory_space<vmem>> -> memref<1x128xi32, #tpu.memory_space<vmem>>
          %dma_wait3A_405 = tpu.memref_squeeze %dma_wait3A_404 : memref<1x128xi32, #tpu.memory_space<vmem>> -> memref<128xi32, #tpu.memory_space<vmem>>
          %dma_wait3A_406 = arith.constant 0 : i32
          %dma_wait3A_407 = arith.constant 0 : i32
          %dma_wait3A_408 = tpu.memref_slice %arg11[%dma_wait3A_406, %dma_wait3A_407] : memref<5248x128xf32, #tpu.memory_space<vmem_shared>> -> memref<5248x128xf32, #tpu.memory_space<vmem_shared>>
          tpu.wait_indirect_dma semaphore(%arg16 : memref<!tpu.dma_semaphore, #tpu.memory_space<semaphore_mem>>) src(%dma_wait3A_402 : memref<128x128xf32, #tpu.memory_space<vmem>>) dst(%dma_wait3A_408 : memref<5248x128xf32, #tpu.memory_space<vmem_shared>>)
        } else {
        }
        %add3A_384 = arith.constant 3 : i32
        %add3A_385 = arith.addi %add3A_282, %add3A_384 : i32
        %dma_start3A_386 = arith.constant 0 : i32
        %dma_start3A_387 = arith.constant 0 : i32
        %dma_start3A_388 = arith.constant 0 : i32
        %dma_start3A_389 = tpu.memref_slice %arg9[%dma_start3A_386, %dma_start3A_387, %dma_start3A_388] : memref<4x128x128xf32, #tpu.memory_space<vmem>> -> memref<1x128x128xf32, #tpu.memory_space<vmem>>
        %dma_start3A_390 = tpu.memref_squeeze %dma_start3A_389 : memref<1x128x128xf32, #tpu.memory_space<vmem>> -> memref<128x128xf32, #tpu.memory_space<vmem>>
        %dma_start3A_391 = arith.constant 0 : i32
        %dma_start3A_392 = tpu.memref_slice %arg6[%add3A_385, %dma_start3A_391] : memref<40x128xi32, #tpu.memory_space<vmem>> -> memref<1x128xi32, #tpu.memory_space<vmem>>
        %dma_start3A_393 = tpu.memref_squeeze %dma_start3A_392 : memref<1x128xi32, #tpu.memory_space<vmem>> -> memref<128xi32, #tpu.memory_space<vmem>>
        %dma_start3A_394 = arith.constant 0 : i32
        %dma_start3A_395 = arith.constant 0 : i32
        %dma_start3A_396 = tpu.memref_slice %arg2[%dma_start3A_394, %dma_start3A_395] : memref<20480x128xf32, #tpu.memory_space<hbm>> -> memref<20480x128xf32, #tpu.memory_space<hbm>>
        tpu.enqueue_indirect_dma source(%dma_start3A_396 : memref<20480x128xf32, #tpu.memory_space<hbm>>) target(%dma_start3A_390 : memref<128x128xf32, #tpu.memory_space<vmem>>) offsets(%dma_start3A_393 : memref<128xi32, #tpu.memory_space<vmem>>) semaphore(%arg12 : memref<!tpu.dma_semaphore, #tpu.memory_space<semaphore_mem>>)
      } else {
      }
      %mul3A_312 = arith.constant 4 : i32
      %mul3A_313 = arith.muli %add3A_248, %mul3A_312 : i32
      %add3A_314 = arith.constant 2 : i32
      %add3A_315 = arith.addi %mul3A_313, %add3A_314 : i32
      %dma_wait3A_316 = arith.constant 2 : i32
      %dma_wait3A_317 = arith.constant 0 : i32
      %dma_wait3A_318 = arith.constant 0 : i32
      %dma_wait3A_319 = tpu.memref_slice %arg9[%dma_wait3A_316, %dma_wait3A_317, %dma_wait3A_318] : memref<4x128x128xf32, #tpu.memory_space<vmem>> -> memref<1x128x128xf32, #tpu.memory_space<vmem>>
      %dma_wait3A_320 = tpu.memref_squeeze %dma_wait3A_319 : memref<1x128x128xf32, #tpu.memory_space<vmem>> -> memref<128x128xf32, #tpu.memory_space<vmem>>
      %dma_wait3A_321 = arith.constant 0 : i32
      %dma_wait3A_322 = tpu.memref_slice %arg6[%add3A_315, %dma_wait3A_321] : memref<40x128xi32, #tpu.memory_space<vmem>> -> memref<1x128xi32, #tpu.memory_space<vmem>>
      %dma_wait3A_323 = tpu.memref_squeeze %dma_wait3A_322 : memref<1x128xi32, #tpu.memory_space<vmem>> -> memref<128xi32, #tpu.memory_space<vmem>>
      %dma_wait3A_324 = arith.constant 0 : i32
      %dma_wait3A_325 = arith.constant 0 : i32
      %dma_wait3A_326 = tpu.memref_slice %arg2[%dma_wait3A_324, %dma_wait3A_325] : memref<20480x128xf32, #tpu.memory_space<hbm>> -> memref<20480x128xf32, #tpu.memory_space<hbm>>
      tpu.wait_indirect_dma semaphore(%arg14 : memref<!tpu.dma_semaphore, #tpu.memory_space<semaphore_mem>>) src(%dma_wait3A_326 : memref<20480x128xf32, #tpu.memory_space<hbm>>) dst(%dma_wait3A_320 : memref<128x128xf32, #tpu.memory_space<vmem>>)
      %dma_start3A_327 = arith.constant 2 : i32
      %dma_start3A_328 = arith.constant 0 : i32
      %dma_start3A_329 = arith.constant 0 : i32
      %dma_start3A_330 = tpu.memref_slice %arg9[%dma_start3A_327, %dma_start3A_328, %dma_start3A_329] : memref<4x128x128xf32, #tpu.memory_space<vmem>> -> memref<1x128x128xf32, #tpu.memory_space<vmem>>
      %dma_start3A_331 = tpu.memref_squeeze %dma_start3A_330 : memref<1x128x128xf32, #tpu.memory_space<vmem>> -> memref<128x128xf32, #tpu.memory_space<vmem>>
      %dma_start3A_332 = arith.constant 0 : i32
      %dma_start3A_333 = tpu.memref_slice %arg7[%add3A_315, %dma_start3A_332] : memref<40x128xi32, #tpu.memory_space<vmem>> -> memref<1x128xi32, #tpu.memory_space<vmem>>
      %dma_start3A_334 = tpu.memref_squeeze %dma_start3A_333 : memref<1x128xi32, #tpu.memory_space<vmem>> -> memref<128xi32, #tpu.memory_space<vmem>>
      %dma_start3A_335 = arith.constant 0 : i32
      %dma_start3A_336 = arith.constant 0 : i32
      %dma_start3A_337 = tpu.memref_slice %arg11[%dma_start3A_335, %dma_start3A_336] : memref<5248x128xf32, #tpu.memory_space<vmem_shared>> -> memref<5248x128xf32, #tpu.memory_space<vmem_shared>>
      tpu.enqueue_indirect_dma source(%dma_start3A_331 : memref<128x128xf32, #tpu.memory_space<vmem>>) target(%dma_start3A_337 : memref<5248x128xf32, #tpu.memory_space<vmem_shared>>) offsets(%dma_start3A_334 : memref<128xi32, #tpu.memory_space<vmem>>) semaphore(%arg18 : memref<!tpu.dma_semaphore, #tpu.memory_space<semaphore_mem>>) {add = true}
      %add3A_338 = arith.constant 3 : i32
      %add3A_339 = arith.addi %add3A_315, %add3A_338 : i32
      %lt3A_340 = arith.constant 40 : i32
      %lt3A_341 = arith.cmpi slt, %add3A_339, %lt3A_340 : i32
      %convert_element_type3A_342 = arith.extui %lt3A_341 : i1 to i32
      %cond3A_343 = arith.constant 0 : i32
      %cond3A_344 = arith.cmpi ne, %convert_element_type3A_342, %cond3A_343 : i32
      scf.if %cond3A_344 {
        %add3A_378 = arith.constant 3 : i32
        %add3A_379 = arith.addi %add3A_315, %add3A_378 : i32
        %ge3A = arith.constant 4 : i32
        %ge3A_380 = arith.cmpi sge, %add3A_379, %ge3A : i32
        %convert_element_type3A_381 = arith.extui %ge3A_380 : i1 to i32
        %cond3A_382 = arith.constant 0 : i32
        %cond3A_383 = arith.cmpi ne, %convert_element_type3A_381, %cond3A_382 : i32
        scf.if %cond3A_383 {
          %dma_wait3A_397 = arith.constant 1 : i32
          %dma_wait3A_398 = arith.constant 0 : i32
          %dma_wait3A_399 = arith.constant 0 : i32
          %dma_wait3A_400 = arith.constant 0 : i32
          %dma_wait3A_401 = tpu.memref_slice %arg9[%dma_wait3A_397, %dma_wait3A_399, %dma_wait3A_400] : memref<4x128x128xf32, #tpu.memory_space<vmem>> -> memref<1x128x128xf32, #tpu.memory_space<vmem>>
          %dma_wait3A_402 = tpu.memref_squeeze %dma_wait3A_401 : memref<1x128x128xf32, #tpu.memory_space<vmem>> -> memref<128x128xf32, #tpu.memory_space<vmem>>
          %dma_wait3A_403 = arith.constant 0 : i32
          %dma_wait3A_404 = tpu.memref_slice %arg7[%dma_wait3A_398, %dma_wait3A_403] : memref<40x128xi32, #tpu.memory_space<vmem>> -> memref<1x128xi32, #tpu.memory_space<vmem>>
          %dma_wait3A_405 = tpu.memref_squeeze %dma_wait3A_404 : memref<1x128xi32, #tpu.memory_space<vmem>> -> memref<128xi32, #tpu.memory_space<vmem>>
          %dma_wait3A_406 = arith.constant 0 : i32
          %dma_wait3A_407 = arith.constant 0 : i32
          %dma_wait3A_408 = tpu.memref_slice %arg11[%dma_wait3A_406, %dma_wait3A_407] : memref<5248x128xf32, #tpu.memory_space<vmem_shared>> -> memref<5248x128xf32, #tpu.memory_space<vmem_shared>>
          tpu.wait_indirect_dma semaphore(%arg17 : memref<!tpu.dma_semaphore, #tpu.memory_space<semaphore_mem>>) src(%dma_wait3A_402 : memref<128x128xf32, #tpu.memory_space<vmem>>) dst(%dma_wait3A_408 : memref<5248x128xf32, #tpu.memory_space<vmem_shared>>)
        } else {
        }
        %add3A_384 = arith.constant 3 : i32
        %add3A_385 = arith.addi %add3A_315, %add3A_384 : i32
        %dma_start3A_386 = arith.constant 1 : i32
        %dma_start3A_387 = arith.constant 0 : i32
        %dma_start3A_388 = arith.constant 0 : i32
        %dma_start3A_389 = tpu.memref_slice %arg9[%dma_start3A_386, %dma_start3A_387, %dma_start3A_388] : memref<4x128x128xf32, #tpu.memory_space<vmem>> -> memref<1x128x128xf32, #tpu.memory_space<vmem>>
        %dma_start3A_390 = tpu.memref_squeeze %dma_start3A_389 : memref<1x128x128xf32, #tpu.memory_space<vmem>> -> memref<128x128xf32, #tpu.memory_space<vmem>>
        %dma_start3A_391 = arith.constant 0 : i32
        %dma_start3A_392 = tpu.memref_slice %arg6[%add3A_385, %dma_start3A_391] : memref<40x128xi32, #tpu.memory_space<vmem>> -> memref<1x128xi32, #tpu.memory_space<vmem>>
        %dma_start3A_393 = tpu.memref_squeeze %dma_start3A_392 : memref<1x128xi32, #tpu.memory_space<vmem>> -> memref<128xi32, #tpu.memory_space<vmem>>
        %dma_start3A_394 = arith.constant 0 : i32
        %dma_start3A_395 = arith.constant 0 : i32
        %dma_start3A_396 = tpu.memref_slice %arg2[%dma_start3A_394, %dma_start3A_395] : memref<20480x128xf32, #tpu.memory_space<hbm>> -> memref<20480x128xf32, #tpu.memory_space<hbm>>
        tpu.enqueue_indirect_dma source(%dma_start3A_396 : memref<20480x128xf32, #tpu.memory_space<hbm>>) target(%dma_start3A_390 : memref<128x128xf32, #tpu.memory_space<vmem>>) offsets(%dma_start3A_393 : memref<128xi32, #tpu.memory_space<vmem>>) semaphore(%arg13 : memref<!tpu.dma_semaphore, #tpu.memory_space<semaphore_mem>>)
      } else {
      }
      %mul3A_345 = arith.constant 4 : i32
      %mul3A_346 = arith.muli %add3A_248, %mul3A_345 : i32
      %add3A_347 = arith.constant 3 : i32
      %add3A_348 = arith.addi %mul3A_346, %add3A_347 : i32
      %dma_wait3A_349 = arith.constant 3 : i32
      %dma_wait3A_350 = arith.constant 0 : i32
      %dma_wait3A_351 = arith.constant 0 : i32
      %dma_wait3A_352 = tpu.memref_slice %arg9[%dma_wait3A_349, %dma_wait3A_350, %dma_wait3A_351] : memref<4x128x128xf32, #tpu.memory_space<vmem>> -> memref<1x128x128xf32, #tpu.memory_space<vmem>>
      %dma_wait3A_353 = tpu.memref_squeeze %dma_wait3A_352 : memref<1x128x128xf32, #tpu.memory_space<vmem>> -> memref<128x128xf32, #tpu.memory_space<vmem>>
      %dma_wait3A_354 = arith.constant 0 : i32
      %dma_wait3A_355 = tpu.memref_slice %arg6[%add3A_348, %dma_wait3A_354] : memref<40x128xi32, #tpu.memory_space<vmem>> -> memref<1x128xi32, #tpu.memory_space<vmem>>
      %dma_wait3A_356 = tpu.memref_squeeze %dma_wait3A_355 : memref<1x128xi32, #tpu.memory_space<vmem>> -> memref<128xi32, #tpu.memory_space<vmem>>
      %dma_wait3A_357 = arith.constant 0 : i32
      %dma_wait3A_358 = arith.constant 0 : i32
      %dma_wait3A_359 = tpu.memref_slice %arg2[%dma_wait3A_357, %dma_wait3A_358] : memref<20480x128xf32, #tpu.memory_space<hbm>> -> memref<20480x128xf32, #tpu.memory_space<hbm>>
      tpu.wait_indirect_dma semaphore(%arg15 : memref<!tpu.dma_semaphore, #tpu.memory_space<semaphore_mem>>) src(%dma_wait3A_359 : memref<20480x128xf32, #tpu.memory_space<hbm>>) dst(%dma_wait3A_353 : memref<128x128xf32, #tpu.memory_space<vmem>>)
      %dma_start3A_360 = arith.constant 3 : i32
      %dma_start3A_361 = arith.constant 0 : i32
      %dma_start3A_362 = arith.constant 0 : i32
      %dma_start3A_363 = tpu.memref_slice %arg9[%dma_start3A_360, %dma_start3A_361, %dma_start3A_362] : memref<4x128x128xf32, #tpu.memory_space<vmem>> -> memref<1x128x128xf32, #tpu.memory_space<vmem>>
      %dma_start3A_364 = tpu.memref_squeeze %dma_start3A_363 : memref<1x128x128xf32, #tpu.memory_space<vmem>> -> memref<128x128xf32, #tpu.memory_space<vmem>>
      %dma_start3A_365 = arith.constant 0 : i32
      %dma_start3A_366 = tpu.memref_slice %arg7[%add3A_348, %dma_start3A_365] : memref<40x128xi32, #tpu.memory_space<vmem>> -> memref<1x128xi32, #tpu.memory_space<vmem>>
      %dma_start3A_367 = tpu.memref_squeeze %dma_start3A_366 : memref<1x128xi32, #tpu.memory_space<vmem>> -> memref<128xi32, #tpu.memory_space<vmem>>
      %dma_start3A_368 = arith.constant 0 : i32
      %dma_start3A_369 = arith.constant 0 : i32
      %dma_start3A_370 = tpu.memref_slice %arg11[%dma_start3A_368, %dma_start3A_369] : memref<5248x128xf32, #tpu.memory_space<vmem_shared>> -> memref<5248x128xf32, #tpu.memory_space<vmem_shared>>
      tpu.enqueue_indirect_dma source(%dma_start3A_364 : memref<128x128xf32, #tpu.memory_space<vmem>>) target(%dma_start3A_370 : memref<5248x128xf32, #tpu.memory_space<vmem_shared>>) offsets(%dma_start3A_367 : memref<128xi32, #tpu.memory_space<vmem>>) semaphore(%arg19 : memref<!tpu.dma_semaphore, #tpu.memory_space<semaphore_mem>>) {add = true}
      %add3A_371 = arith.constant 3 : i32
      %add3A_372 = arith.addi %add3A_348, %add3A_371 : i32
      %lt3A_373 = arith.constant 40 : i32
      %lt3A_374 = arith.cmpi slt, %add3A_372, %lt3A_373 : i32
      %convert_element_type3A_375 = arith.extui %lt3A_374 : i1 to i32
      %cond3A_376 = arith.constant 0 : i32
      %cond3A_377 = arith.cmpi ne, %convert_element_type3A_375, %cond3A_376 : i32
      scf.if %cond3A_377 {
        %add3A_378 = arith.constant 3 : i32
        %add3A_379 = arith.addi %add3A_348, %add3A_378 : i32
        %ge3A = arith.constant 4 : i32
        %ge3A_380 = arith.cmpi sge, %add3A_379, %ge3A : i32
        %convert_element_type3A_381 = arith.extui %ge3A_380 : i1 to i32
        %cond3A_382 = arith.constant 0 : i32
        %cond3A_383 = arith.cmpi ne, %convert_element_type3A_381, %cond3A_382 : i32
        scf.if %cond3A_383 {
          %dma_wait3A_397 = arith.constant 2 : i32
          %dma_wait3A_398 = arith.constant 0 : i32
          %dma_wait3A_399 = arith.constant 0 : i32
          %dma_wait3A_400 = arith.constant 0 : i32
          %dma_wait3A_401 = tpu.memref_slice %arg9[%dma_wait3A_397, %dma_wait3A_399, %dma_wait3A_400] : memref<4x128x128xf32, #tpu.memory_space<vmem>> -> memref<1x128x128xf32, #tpu.memory_space<vmem>>
          %dma_wait3A_402 = tpu.memref_squeeze %dma_wait3A_401 : memref<1x128x128xf32, #tpu.memory_space<vmem>> -> memref<128x128xf32, #tpu.memory_space<vmem>>
          %dma_wait3A_403 = arith.constant 0 : i32
          %dma_wait3A_404 = tpu.memref_slice %arg7[%dma_wait3A_398, %dma_wait3A_403] : memref<40x128xi32, #tpu.memory_space<vmem>> -> memref<1x128xi32, #tpu.memory_space<vmem>>
          %dma_wait3A_405 = tpu.memref_squeeze %dma_wait3A_404 : memref<1x128xi32, #tpu.memory_space<vmem>> -> memref<128xi32, #tpu.memory_space<vmem>>
          %dma_wait3A_406 = arith.constant 0 : i32
          %dma_wait3A_407 = arith.constant 0 : i32
          %dma_wait3A_408 = tpu.memref_slice %arg11[%dma_wait3A_406, %dma_wait3A_407] : memref<5248x128xf32, #tpu.memory_space<vmem_shared>> -> memref<5248x128xf32, #tpu.memory_space<vmem_shared>>
          tpu.wait_indirect_dma semaphore(%arg18 : memref<!tpu.dma_semaphore, #tpu.memory_space<semaphore_mem>>) src(%dma_wait3A_402 : memref<128x128xf32, #tpu.memory_space<vmem>>) dst(%dma_wait3A_408 : memref<5248x128xf32, #tpu.memory_space<vmem_shared>>)
        } else {
        }
        %add3A_384 = arith.constant 3 : i32
        %add3A_385 = arith.addi %add3A_348, %add3A_384 : i32
        %dma_start3A_386 = arith.constant 2 : i32
        %dma_start3A_387 = arith.constant 0 : i32
        %dma_start3A_388 = arith.constant 0 : i32
        %dma_start3A_389 = tpu.memref_slice %arg9[%dma_start3A_386, %dma_start3A_387, %dma_start3A_388] : memref<4x128x128xf32, #tpu.memory_space<vmem>> -> memref<1x128x128xf32, #tpu.memory_space<vmem>>
        %dma_start3A_390 = tpu.memref_squeeze %dma_start3A_389 : memref<1x128x128xf32, #tpu.memory_space<vmem>> -> memref<128x128xf32, #tpu.memory_space<vmem>>
        %dma_start3A_391 = arith.constant 0 : i32
        %dma_start3A_392 = tpu.memref_slice %arg6[%add3A_385, %dma_start3A_391] : memref<40x128xi32, #tpu.memory_space<vmem>> -> memref<1x128xi32, #tpu.memory_space<vmem>>
        %dma_start3A_393 = tpu.memref_squeeze %dma_start3A_392 : memref<1x128xi32, #tpu.memory_space<vmem>> -> memref<128xi32, #tpu.memory_space<vmem>>
        %dma_start3A_394 = arith.constant 0 : i32
        %dma_start3A_395 = arith.constant 0 : i32
        %dma_start3A_396 = tpu.memref_slice %arg2[%dma_start3A_394, %dma_start3A_395] : memref<20480x128xf32, #tpu.memory_space<hbm>> -> memref<20480x128xf32, #tpu.memory_space<hbm>>
        tpu.enqueue_indirect_dma source(%dma_start3A_396 : memref<20480x128xf32, #tpu.memory_space<hbm>>) target(%dma_start3A_390 : memref<128x128xf32, #tpu.memory_space<vmem>>) offsets(%dma_start3A_393 : memref<128xi32, #tpu.memory_space<vmem>>) semaphore(%arg14 : memref<!tpu.dma_semaphore, #tpu.memory_space<semaphore_mem>>)
      } else {
      }
    }
    %scan3A_66 = arith.constant 10 : i32
    %dma_wait3A = arith.constant 0 : i32
    %dma_wait3A_67 = arith.constant 0 : i32
    %dma_wait3A_68 = arith.constant 0 : i32
    %dma_wait3A_69 = arith.constant 0 : i32
    %dma_wait3A_70 = tpu.memref_slice %arg9[%dma_wait3A, %dma_wait3A_68, %dma_wait3A_69] : memref<4x128x128xf32, #tpu.memory_space<vmem>> -> memref<1x128x128xf32, #tpu.memory_space<vmem>>
    %dma_wait3A_71 = tpu.memref_squeeze %dma_wait3A_70 : memref<1x128x128xf32, #tpu.memory_space<vmem>> -> memref<128x128xf32, #tpu.memory_space<vmem>>
    %dma_wait3A_72 = arith.constant 0 : i32
    %dma_wait3A_73 = tpu.memref_slice %arg7[%dma_wait3A_67, %dma_wait3A_72] : memref<40x128xi32, #tpu.memory_space<vmem>> -> memref<1x128xi32, #tpu.memory_space<vmem>>
    %dma_wait3A_74 = tpu.memref_squeeze %dma_wait3A_73 : memref<1x128xi32, #tpu.memory_space<vmem>> -> memref<128xi32, #tpu.memory_space<vmem>>
    %dma_wait3A_75 = arith.constant 0 : i32
    %dma_wait3A_76 = arith.constant 0 : i32
    %dma_wait3A_77 = tpu.memref_slice %arg11[%dma_wait3A_75, %dma_wait3A_76] : memref<5248x128xf32, #tpu.memory_space<vmem_shared>> -> memref<5248x128xf32, #tpu.memory_space<vmem_shared>>
    tpu.wait_indirect_dma semaphore(%arg16 : memref<!tpu.dma_semaphore, #tpu.memory_space<semaphore_mem>>) src(%dma_wait3A_71 : memref<128x128xf32, #tpu.memory_space<vmem>>) dst(%dma_wait3A_77 : memref<5248x128xf32, #tpu.memory_space<vmem_shared>>)
    %dma_wait3A_78 = arith.constant 1 : i32
    %dma_wait3A_79 = arith.constant 0 : i32
    %dma_wait3A_80 = arith.constant 0 : i32
    %dma_wait3A_81 = arith.constant 0 : i32
    %dma_wait3A_82 = tpu.memref_slice %arg9[%dma_wait3A_78, %dma_wait3A_80, %dma_wait3A_81] : memref<4x128x128xf32, #tpu.memory_space<vmem>> -> memref<1x128x128xf32, #tpu.memory_space<vmem>>
    %dma_wait3A_83 = tpu.memref_squeeze %dma_wait3A_82 : memref<1x128x128xf32, #tpu.memory_space<vmem>> -> memref<128x128xf32, #tpu.memory_space<vmem>>
    %dma_wait3A_84 = arith.constant 0 : i32
    %dma_wait3A_85 = tpu.memref_slice %arg7[%dma_wait3A_79, %dma_wait3A_84] : memref<40x128xi32, #tpu.memory_space<vmem>> -> memref<1x128xi32, #tpu.memory_space<vmem>>
    %dma_wait3A_86 = tpu.memref_squeeze %dma_wait3A_85 : memref<1x128xi32, #tpu.memory_space<vmem>> -> memref<128xi32, #tpu.memory_space<vmem>>
    %dma_wait3A_87 = arith.constant 0 : i32
    %dma_wait3A_88 = arith.constant 0 : i32
    %dma_wait3A_89 = tpu.memref_slice %arg11[%dma_wait3A_87, %dma_wait3A_88] : memref<5248x128xf32, #tpu.memory_space<vmem_shared>> -> memref<5248x128xf32, #tpu.memory_space<vmem_shared>>
    tpu.wait_indirect_dma semaphore(%arg17 : memref<!tpu.dma_semaphore, #tpu.memory_space<semaphore_mem>>) src(%dma_wait3A_83 : memref<128x128xf32, #tpu.memory_space<vmem>>) dst(%dma_wait3A_89 : memref<5248x128xf32, #tpu.memory_space<vmem_shared>>)
    %dma_wait3A_90 = arith.constant 2 : i32
    %dma_wait3A_91 = arith.constant 0 : i32
    %dma_wait3A_92 = arith.constant 0 : i32
    %dma_wait3A_93 = arith.constant 0 : i32
    %dma_wait3A_94 = tpu.memref_slice %arg9[%dma_wait3A_90, %dma_wait3A_92, %dma_wait3A_93] : memref<4x128x128xf32, #tpu.memory_space<vmem>> -> memref<1x128x128xf32, #tpu.memory_space<vmem>>
    %dma_wait3A_95 = tpu.memref_squeeze %dma_wait3A_94 : memref<1x128x128xf32, #tpu.memory_space<vmem>> -> memref<128x128xf32, #tpu.memory_space<vmem>>
    %dma_wait3A_96 = arith.constant 0 : i32
    %dma_wait3A_97 = tpu.memref_slice %arg7[%dma_wait3A_91, %dma_wait3A_96] : memref<40x128xi32, #tpu.memory_space<vmem>> -> memref<1x128xi32, #tpu.memory_space<vmem>>
    %dma_wait3A_98 = tpu.memref_squeeze %dma_wait3A_97 : memref<1x128xi32, #tpu.memory_space<vmem>> -> memref<128xi32, #tpu.memory_space<vmem>>
    %dma_wait3A_99 = arith.constant 0 : i32
    %dma_wait3A_100 = arith.constant 0 : i32
    %dma_wait3A_101 = tpu.memref_slice %arg11[%dma_wait3A_99, %dma_wait3A_100] : memref<5248x128xf32, #tpu.memory_space<vmem_shared>> -> memref<5248x128xf32, #tpu.memory_space<vmem_shared>>
    tpu.wait_indirect_dma semaphore(%arg18 : memref<!tpu.dma_semaphore, #tpu.memory_space<semaphore_mem>>) src(%dma_wait3A_95 : memref<128x128xf32, #tpu.memory_space<vmem>>) dst(%dma_wait3A_101 : memref<5248x128xf32, #tpu.memory_space<vmem_shared>>)
    %dma_wait3A_102 = arith.constant 3 : i32
    %dma_wait3A_103 = arith.constant 0 : i32
    %dma_wait3A_104 = arith.constant 0 : i32
    %dma_wait3A_105 = arith.constant 0 : i32
    %dma_wait3A_106 = tpu.memref_slice %arg9[%dma_wait3A_102, %dma_wait3A_104, %dma_wait3A_105] : memref<4x128x128xf32, #tpu.memory_space<vmem>> -> memref<1x128x128xf32, #tpu.memory_space<vmem>>
    %dma_wait3A_107 = tpu.memref_squeeze %dma_wait3A_106 : memref<1x128x128xf32, #tpu.memory_space<vmem>> -> memref<128x128xf32, #tpu.memory_space<vmem>>
    %dma_wait3A_108 = arith.constant 0 : i32
    %dma_wait3A_109 = tpu.memref_slice %arg7[%dma_wait3A_103, %dma_wait3A_108] : memref<40x128xi32, #tpu.memory_space<vmem>> -> memref<1x128xi32, #tpu.memory_space<vmem>>
    %dma_wait3A_110 = tpu.memref_squeeze %dma_wait3A_109 : memref<1x128xi32, #tpu.memory_space<vmem>> -> memref<128xi32, #tpu.memory_space<vmem>>
    %dma_wait3A_111 = arith.constant 0 : i32
    %dma_wait3A_112 = arith.constant 0 : i32
    %dma_wait3A_113 = tpu.memref_slice %arg11[%dma_wait3A_111, %dma_wait3A_112] : memref<5248x128xf32, #tpu.memory_space<vmem_shared>> -> memref<5248x128xf32, #tpu.memory_space<vmem_shared>>
    tpu.wait_indirect_dma semaphore(%arg19 : memref<!tpu.dma_semaphore, #tpu.memory_space<semaphore_mem>>) src(%dma_wait3A_107 : memref<128x128xf32, #tpu.memory_space<vmem>>) dst(%dma_wait3A_113 : memref<5248x128xf32, #tpu.memory_space<vmem_shared>>)
    %barrier3A_114 = arith.constant 0 : index
    tpu.barrier barrier_id(%barrier3A_114)
    %mul3A_115 = arith.constant 320 : i32
    %mul3A_116 = arith.muli %arg1, %mul3A_115 : i32
    %mul3A_117 = arith.constant 320 : i32
    %mul3A_118 = arith.muli %arg1, %mul3A_117 : i32
    %add3A_119 = arith.constant 0 : i32
    %add3A_120 = arith.addi %add3A_119, %mul3A_118 : i32
    "tpu.region"() ({
      %run_scoped3A_244 = tpu.sem_alloc : memref<!tpu.dma_semaphore, #tpu.memory_space<semaphore_mem>>
      %dma_start3A_245 = arith.constant 0 : i32
      %dma_start3A_246 = tpu.memref_slice %arg5[%arg0, %add3A_120, %dma_start3A_245] : memref<2x10240x128xf32, #tpu.memory_space<hbm>> -> memref<1x320x128xf32, #tpu.memory_space<hbm>>
      %dma_start3A_247 = tpu.memref_squeeze %dma_start3A_246 : memref<1x320x128xf32, #tpu.memory_space<hbm>> -> memref<320x128xf32, #tpu.memory_space<hbm>>
      %dma_start3A_248 = arith.constant 0 : i32
      %dma_start3A_249 = tpu.memref_slice %arg11[%mul3A_116, %dma_start3A_248] : memref<5248x128xf32, #tpu.memory_space<vmem_shared>> -> memref<320x128xf32, #tpu.memory_space<vmem_shared>>
      tpu.enqueue_dma source(%dma_start3A_249 : memref<320x128xf32, #tpu.memory_space<vmem_shared>>) target(%dma_start3A_247 : memref<320x128xf32, #tpu.memory_space<hbm>>) target_semaphore(%run_scoped3A_244 : memref<!tpu.dma_semaphore, #tpu.memory_space<semaphore_mem>>)
      %dma_wait3A_250 = arith.constant 0 : i32
      %dma_wait3A_251 = tpu.memref_slice %arg5[%arg0, %add3A_120, %dma_wait3A_250] : memref<2x10240x128xf32, #tpu.memory_space<hbm>> -> memref<1x320x128xf32, #tpu.memory_space<hbm>>
      %dma_wait3A_252 = tpu.memref_squeeze %dma_wait3A_251 : memref<1x320x128xf32, #tpu.memory_space<hbm>> -> memref<320x128xf32, #tpu.memory_space<hbm>>
      %dma_wait3A_253 = arith.constant 0 : i32
      %dma_wait3A_254 = tpu.memref_slice %arg11[%mul3A_116, %dma_wait3A_253] : memref<5248x128xf32, #tpu.memory_space<vmem_shared>> -> memref<320x128xf32, #tpu.memory_space<vmem_shared>>
      tpu.wait_dma2 semaphore(%run_scoped3A_244 : memref<!tpu.dma_semaphore, #tpu.memory_space<semaphore_mem>>) src(%dma_wait3A_254 : memref<320x128xf32, #tpu.memory_space<vmem_shared>>) dst(%dma_wait3A_252 : memref<320x128xf32, #tpu.memory_space<hbm>>)
      tpu.yield
    }) : () -> ()
    %barrier3A_121 = arith.constant 0 : index
    tpu.barrier barrier_id(%barrier3A_121)
    %mul3A_122 = arith.constant 328 : i32
    %mul3A_123 = arith.muli %arg1, %mul3A_122 : i32
    %add3A_124 = arith.constant 0 : i32
    %add3A_125 = arith.addi %mul3A_123, %add3A_124 : i32
    "tpu.region"() ({
      %run_scoped3A_244 = tpu.sem_alloc : memref<!tpu.dma_semaphore, #tpu.memory_space<semaphore_mem>>
      %dma_start3A_245 = arith.constant 0 : i32
      %dma_start3A_246 = arith.constant 0 : i32
      %dma_start3A_247 = tpu.memref_slice %arg10[%dma_start3A_245, %dma_start3A_246] : memref<64x128xf32, #tpu.memory_space<vmem>> -> memref<64x128xf32, #tpu.memory_space<vmem>>
      %dma_start3A_248 = arith.constant 0 : i32
      %dma_start3A_249 = tpu.memref_slice %arg11[%add3A_125, %dma_start3A_248] : memref<5248x128xf32, #tpu.memory_space<vmem_shared>> -> memref<64x128xf32, #tpu.memory_space<vmem_shared>>
      %dma_start3A_250 = arith.constant 0 : i32
      %dma_start3A_251 = tpu.memref_slice %arg11[%add3A_125, %dma_start3A_250] : memref<5248x128xf32, #tpu.memory_space<vmem_shared>> -> memref<64x128xf32, #tpu.memory_space<vmem_shared>>
      %dma_start3A_252 = arith.constant 0 : i32
      %dma_start3A_253 = arith.constant 0 : i32
      %dma_start3A_254 = tpu.memref_slice %arg10[%dma_start3A_252, %dma_start3A_253] : memref<64x128xf32, #tpu.memory_space<vmem>> -> memref<64x128xf32, #tpu.memory_space<vmem>>
      tpu.enqueue_dma source(%dma_start3A_254 : memref<64x128xf32, #tpu.memory_space<vmem>>) target(%dma_start3A_251 : memref<64x128xf32, #tpu.memory_space<vmem_shared>>) target_semaphore(%run_scoped3A_244 : memref<!tpu.dma_semaphore, #tpu.memory_space<semaphore_mem>>)
      %dma_wait3A_255 = arith.constant 0 : i32
      %dma_wait3A_256 = arith.constant 0 : i32
      %dma_wait3A_257 = tpu.memref_slice %arg10[%dma_wait3A_255, %dma_wait3A_256] : memref<64x128xf32, #tpu.memory_space<vmem>> -> memref<64x128xf32, #tpu.memory_space<vmem>>
      %dma_wait3A_258 = arith.constant 0 : i32
      %dma_wait3A_259 = tpu.memref_slice %arg11[%add3A_125, %dma_wait3A_258] : memref<5248x128xf32, #tpu.memory_space<vmem_shared>> -> memref<64x128xf32, #tpu.memory_space<vmem_shared>>
      %dma_wait3A_260 = arith.constant 0 : i32
      %dma_wait3A_261 = tpu.memref_slice %arg11[%add3A_125, %dma_wait3A_260] : memref<5248x128xf32, #tpu.memory_space<vmem_shared>> -> memref<64x128xf32, #tpu.memory_space<vmem_shared>>
      %dma_wait3A_262 = arith.constant 0 : i32
      %dma_wait3A_263 = arith.constant 0 : i32
      %dma_wait3A_264 = tpu.memref_slice %arg10[%dma_wait3A_262, %dma_wait3A_263] : memref<64x128xf32, #tpu.memory_space<vmem>> -> memref<64x128xf32, #tpu.memory_space<vmem>>
      tpu.wait_dma2 semaphore(%run_scoped3A_244 : memref<!tpu.dma_semaphore, #tpu.memory_space<semaphore_mem>>) src(%dma_wait3A_264 : memref<64x128xf32, #tpu.memory_space<vmem>>) dst(%dma_wait3A_261 : memref<64x128xf32, #tpu.memory_space<vmem_shared>>)
      tpu.yield
    }) : () -> ()
    %mul3A_126 = arith.constant 328 : i32
    %mul3A_127 = arith.muli %arg1, %mul3A_126 : i32
    %add3A_128 = arith.constant 64 : i32
    %add3A_129 = arith.addi %mul3A_127, %add3A_128 : i32
    "tpu.region"() ({
      %run_scoped3A_244 = tpu.sem_alloc : memref<!tpu.dma_semaphore, #tpu.memory_space<semaphore_mem>>
      %dma_start3A_245 = arith.constant 0 : i32
      %dma_start3A_246 = arith.constant 0 : i32
      %dma_start3A_247 = tpu.memref_slice %arg10[%dma_start3A_245, %dma_start3A_246] : memref<64x128xf32, #tpu.memory_space<vmem>> -> memref<64x128xf32, #tpu.memory_space<vmem>>
      %dma_start3A_248 = arith.constant 0 : i32
      %dma_start3A_249 = tpu.memref_slice %arg11[%add3A_129, %dma_start3A_248] : memref<5248x128xf32, #tpu.memory_space<vmem_shared>> -> memref<64x128xf32, #tpu.memory_space<vmem_shared>>
      %dma_start3A_250 = arith.constant 0 : i32
      %dma_start3A_251 = tpu.memref_slice %arg11[%add3A_129, %dma_start3A_250] : memref<5248x128xf32, #tpu.memory_space<vmem_shared>> -> memref<64x128xf32, #tpu.memory_space<vmem_shared>>
      %dma_start3A_252 = arith.constant 0 : i32
      %dma_start3A_253 = arith.constant 0 : i32
      %dma_start3A_254 = tpu.memref_slice %arg10[%dma_start3A_252, %dma_start3A_253] : memref<64x128xf32, #tpu.memory_space<vmem>> -> memref<64x128xf32, #tpu.memory_space<vmem>>
      tpu.enqueue_dma source(%dma_start3A_254 : memref<64x128xf32, #tpu.memory_space<vmem>>) target(%dma_start3A_251 : memref<64x128xf32, #tpu.memory_space<vmem_shared>>) target_semaphore(%run_scoped3A_244 : memref<!tpu.dma_semaphore, #tpu.memory_space<semaphore_mem>>)
      %dma_wait3A_255 = arith.constant 0 : i32
      %dma_wait3A_256 = arith.constant 0 : i32
      %dma_wait3A_257 = tpu.memref_slice %arg10[%dma_wait3A_255, %dma_wait3A_256] : memref<64x128xf32, #tpu.memory_space<vmem>> -> memref<64x128xf32, #tpu.memory_space<vmem>>
      %dma_wait3A_258 = arith.constant 0 : i32
      %dma_wait3A_259 = tpu.memref_slice %arg11[%add3A_129, %dma_wait3A_258] : memref<5248x128xf32, #tpu.memory_space<vmem_shared>> -> memref<64x128xf32, #tpu.memory_space<vmem_shared>>
      %dma_wait3A_260 = arith.constant 0 : i32
      %dma_wait3A_261 = tpu.memref_slice %arg11[%add3A_129, %dma_wait3A_260] : memref<5248x128xf32, #tpu.memory_space<vmem_shared>> -> memref<64x128xf32, #tpu.memory_space<vmem_shared>>
      %dma_wait3A_262 = arith.constant 0 : i32
      %dma_wait3A_263 = arith.constant 0 : i32
      %dma_wait3A_264 = tpu.memref_slice %arg10[%dma_wait3A_262, %dma_wait3A_263] : memref<64x128xf32, #tpu.memory_space<vmem>> -> memref<64x128xf32, #tpu.memory_space<vmem>>
      tpu.wait_dma2 semaphore(%run_scoped3A_244 : memref<!tpu.dma_semaphore, #tpu.memory_space<semaphore_mem>>) src(%dma_wait3A_264 : memref<64x128xf32, #tpu.memory_space<vmem>>) dst(%dma_wait3A_261 : memref<64x128xf32, #tpu.memory_space<vmem_shared>>)
      tpu.yield
    }) : () -> ()
    %mul3A_130 = arith.constant 328 : i32
    %mul3A_131 = arith.muli %arg1, %mul3A_130 : i32
    %add3A_132 = arith.constant 128 : i32
    %add3A_133 = arith.addi %mul3A_131, %add3A_132 : i32
    "tpu.region"() ({
      %run_scoped3A_244 = tpu.sem_alloc : memref<!tpu.dma_semaphore, #tpu.memory_space<semaphore_mem>>
      %dma_start3A_245 = arith.constant 0 : i32
      %dma_start3A_246 = arith.constant 0 : i32
      %dma_start3A_247 = tpu.memref_slice %arg10[%dma_start3A_245, %dma_start3A_246] : memref<64x128xf32, #tpu.memory_space<vmem>> -> memref<64x128xf32, #tpu.memory_space<vmem>>
      %dma_start3A_248 = arith.constant 0 : i32
      %dma_start3A_249 = tpu.memref_slice %arg11[%add3A_133, %dma_start3A_248] : memref<5248x128xf32, #tpu.memory_space<vmem_shared>> -> memref<64x128xf32, #tpu.memory_space<vmem_shared>>
      %dma_start3A_250 = arith.constant 0 : i32
      %dma_start3A_251 = tpu.memref_slice %arg11[%add3A_133, %dma_start3A_250] : memref<5248x128xf32, #tpu.memory_space<vmem_shared>> -> memref<64x128xf32, #tpu.memory_space<vmem_shared>>
      %dma_start3A_252 = arith.constant 0 : i32
      %dma_start3A_253 = arith.constant 0 : i32
      %dma_start3A_254 = tpu.memref_slice %arg10[%dma_start3A_252, %dma_start3A_253] : memref<64x128xf32, #tpu.memory_space<vmem>> -> memref<64x128xf32, #tpu.memory_space<vmem>>
      tpu.enqueue_dma source(%dma_start3A_254 : memref<64x128xf32, #tpu.memory_space<vmem>>) target(%dma_start3A_251 : memref<64x128xf32, #tpu.memory_space<vmem_shared>>) target_semaphore(%run_scoped3A_244 : memref<!tpu.dma_semaphore, #tpu.memory_space<semaphore_mem>>)
      %dma_wait3A_255 = arith.constant 0 : i32
      %dma_wait3A_256 = arith.constant 0 : i32
      %dma_wait3A_257 = tpu.memref_slice %arg10[%dma_wait3A_255, %dma_wait3A_256] : memref<64x128xf32, #tpu.memory_space<vmem>> -> memref<64x128xf32, #tpu.memory_space<vmem>>
      %dma_wait3A_258 = arith.constant 0 : i32
      %dma_wait3A_259 = tpu.memref_slice %arg11[%add3A_133, %dma_wait3A_258] : memref<5248x128xf32, #tpu.memory_space<vmem_shared>> -> memref<64x128xf32, #tpu.memory_space<vmem_shared>>
      %dma_wait3A_260 = arith.constant 0 : i32
      %dma_wait3A_261 = tpu.memref_slice %arg11[%add3A_133, %dma_wait3A_260] : memref<5248x128xf32, #tpu.memory_space<vmem_shared>> -> memref<64x128xf32, #tpu.memory_space<vmem_shared>>
      %dma_wait3A_262 = arith.constant 0 : i32
      %dma_wait3A_263 = arith.constant 0 : i32
      %dma_wait3A_264 = tpu.memref_slice %arg10[%dma_wait3A_262, %dma_wait3A_263] : memref<64x128xf32, #tpu.memory_space<vmem>> -> memref<64x128xf32, #tpu.memory_space<vmem>>
      tpu.wait_dma2 semaphore(%run_scoped3A_244 : memref<!tpu.dma_semaphore, #tpu.memory_space<semaphore_mem>>) src(%dma_wait3A_264 : memref<64x128xf32, #tpu.memory_space<vmem>>) dst(%dma_wait3A_261 : memref<64x128xf32, #tpu.memory_space<vmem_shared>>)
      tpu.yield
    }) : () -> ()
    %mul3A_134 = arith.constant 328 : i32
    %mul3A_135 = arith.muli %arg1, %mul3A_134 : i32
    %add3A_136 = arith.constant 192 : i32
    %add3A_137 = arith.addi %mul3A_135, %add3A_136 : i32
    "tpu.region"() ({
      %run_scoped3A_244 = tpu.sem_alloc : memref<!tpu.dma_semaphore, #tpu.memory_space<semaphore_mem>>
      %dma_start3A_245 = arith.constant 0 : i32
      %dma_start3A_246 = arith.constant 0 : i32
      %dma_start3A_247 = tpu.memref_slice %arg10[%dma_start3A_245, %dma_start3A_246] : memref<64x128xf32, #tpu.memory_space<vmem>> -> memref<64x128xf32, #tpu.memory_space<vmem>>
      %dma_start3A_248 = arith.constant 0 : i32
      %dma_start3A_249 = tpu.memref_slice %arg11[%add3A_137, %dma_start3A_248] : memref<5248x128xf32, #tpu.memory_space<vmem_shared>> -> memref<64x128xf32, #tpu.memory_space<vmem_shared>>
      %dma_start3A_250 = arith.constant 0 : i32
      %dma_start3A_251 = tpu.memref_slice %arg11[%add3A_137, %dma_start3A_250] : memref<5248x128xf32, #tpu.memory_space<vmem_shared>> -> memref<64x128xf32, #tpu.memory_space<vmem_shared>>
      %dma_start3A_252 = arith.constant 0 : i32
      %dma_start3A_253 = arith.constant 0 : i32
      %dma_start3A_254 = tpu.memref_slice %arg10[%dma_start3A_252, %dma_start3A_253] : memref<64x128xf32, #tpu.memory_space<vmem>> -> memref<64x128xf32, #tpu.memory_space<vmem>>
      tpu.enqueue_dma source(%dma_start3A_254 : memref<64x128xf32, #tpu.memory_space<vmem>>) target(%dma_start3A_251 : memref<64x128xf32, #tpu.memory_space<vmem_shared>>) target_semaphore(%run_scoped3A_244 : memref<!tpu.dma_semaphore, #tpu.memory_space<semaphore_mem>>)
      %dma_wait3A_255 = arith.constant 0 : i32
      %dma_wait3A_256 = arith.constant 0 : i32
      %dma_wait3A_257 = tpu.memref_slice %arg10[%dma_wait3A_255, %dma_wait3A_256] : memref<64x128xf32, #tpu.memory_space<vmem>> -> memref<64x128xf32, #tpu.memory_space<vmem>>
      %dma_wait3A_258 = arith.constant 0 : i32
      %dma_wait3A_259 = tpu.memref_slice %arg11[%add3A_137, %dma_wait3A_258] : memref<5248x128xf32, #tpu.memory_space<vmem_shared>> -> memref<64x128xf32, #tpu.memory_space<vmem_shared>>
      %dma_wait3A_260 = arith.constant 0 : i32
      %dma_wait3A_261 = tpu.memref_slice %arg11[%add3A_137, %dma_wait3A_260] : memref<5248x128xf32, #tpu.memory_space<vmem_shared>> -> memref<64x128xf32, #tpu.memory_space<vmem_shared>>
      %dma_wait3A_262 = arith.constant 0 : i32
      %dma_wait3A_263 = arith.constant 0 : i32
      %dma_wait3A_264 = tpu.memref_slice %arg10[%dma_wait3A_262, %dma_wait3A_263] : memref<64x128xf32, #tpu.memory_space<vmem>> -> memref<64x128xf32, #tpu.memory_space<vmem>>
      tpu.wait_dma2 semaphore(%run_scoped3A_244 : memref<!tpu.dma_semaphore, #tpu.memory_space<semaphore_mem>>) src(%dma_wait3A_264 : memref<64x128xf32, #tpu.memory_space<vmem>>) dst(%dma_wait3A_261 : memref<64x128xf32, #tpu.memory_space<vmem_shared>>)
      tpu.yield
    }) : () -> ()
    %mul3A_138 = arith.constant 328 : i32
    %mul3A_139 = arith.muli %arg1, %mul3A_138 : i32
    %add3A_140 = arith.constant 256 : i32
    %add3A_141 = arith.addi %mul3A_139, %add3A_140 : i32
    "tpu.region"() ({
      %run_scoped3A_244 = tpu.sem_alloc : memref<!tpu.dma_semaphore, #tpu.memory_space<semaphore_mem>>
      %dma_start3A_245 = arith.constant 0 : i32
      %dma_start3A_246 = arith.constant 0 : i32
      %dma_start3A_247 = tpu.memref_slice %arg10[%dma_start3A_245, %dma_start3A_246] : memref<64x128xf32, #tpu.memory_space<vmem>> -> memref<64x128xf32, #tpu.memory_space<vmem>>
      %dma_start3A_248 = arith.constant 0 : i32
      %dma_start3A_249 = tpu.memref_slice %arg11[%add3A_141, %dma_start3A_248] : memref<5248x128xf32, #tpu.memory_space<vmem_shared>> -> memref<64x128xf32, #tpu.memory_space<vmem_shared>>
      %dma_start3A_250 = arith.constant 0 : i32
      %dma_start3A_251 = tpu.memref_slice %arg11[%add3A_141, %dma_start3A_250] : memref<5248x128xf32, #tpu.memory_space<vmem_shared>> -> memref<64x128xf32, #tpu.memory_space<vmem_shared>>
      %dma_start3A_252 = arith.constant 0 : i32
      %dma_start3A_253 = arith.constant 0 : i32
      %dma_start3A_254 = tpu.memref_slice %arg10[%dma_start3A_252, %dma_start3A_253] : memref<64x128xf32, #tpu.memory_space<vmem>> -> memref<64x128xf32, #tpu.memory_space<vmem>>
      tpu.enqueue_dma source(%dma_start3A_254 : memref<64x128xf32, #tpu.memory_space<vmem>>) target(%dma_start3A_251 : memref<64x128xf32, #tpu.memory_space<vmem_shared>>) target_semaphore(%run_scoped3A_244 : memref<!tpu.dma_semaphore, #tpu.memory_space<semaphore_mem>>)
      %dma_wait3A_255 = arith.constant 0 : i32
      %dma_wait3A_256 = arith.constant 0 : i32
      %dma_wait3A_257 = tpu.memref_slice %arg10[%dma_wait3A_255, %dma_wait3A_256] : memref<64x128xf32, #tpu.memory_space<vmem>> -> memref<64x128xf32, #tpu.memory_space<vmem>>
      %dma_wait3A_258 = arith.constant 0 : i32
      %dma_wait3A_259 = tpu.memref_slice %arg11[%add3A_141, %dma_wait3A_258] : memref<5248x128xf32, #tpu.memory_space<vmem_shared>> -> memref<64x128xf32, #tpu.memory_space<vmem_shared>>
      %dma_wait3A_260 = arith.constant 0 : i32
      %dma_wait3A_261 = tpu.memref_slice %arg11[%add3A_141, %dma_wait3A_260] : memref<5248x128xf32, #tpu.memory_space<vmem_shared>> -> memref<64x128xf32, #tpu.memory_space<vmem_shared>>
      %dma_wait3A_262 = arith.constant 0 : i32
      %dma_wait3A_263 = arith.constant 0 : i32
      %dma_wait3A_264 = tpu.memref_slice %arg10[%dma_wait3A_262, %dma_wait3A_263] : memref<64x128xf32, #tpu.memory_space<vmem>> -> memref<64x128xf32, #tpu.memory_space<vmem>>
      tpu.wait_dma2 semaphore(%run_scoped3A_244 : memref<!tpu.dma_semaphore, #tpu.memory_space<semaphore_mem>>) src(%dma_wait3A_264 : memref<64x128xf32, #tpu.memory_space<vmem>>) dst(%dma_wait3A_261 : memref<64x128xf32, #tpu.memory_space<vmem_shared>>)
      tpu.yield
    }) : () -> ()
    %mul3A_142 = arith.constant 328 : i32
    %mul3A_143 = arith.muli %arg1, %mul3A_142 : i32
    %add3A_144 = arith.constant 320 : i32
    %add3A_145 = arith.addi %mul3A_143, %add3A_144 : i32
    "tpu.region"() ({
      %run_scoped3A_244 = tpu.sem_alloc : memref<!tpu.dma_semaphore, #tpu.memory_space<semaphore_mem>>
      %dma_start3A_245 = arith.constant 0 : i32
      %dma_start3A_246 = arith.constant 0 : i32
      %dma_start3A_247 = tpu.memref_slice %arg10[%dma_start3A_245, %dma_start3A_246] : memref<64x128xf32, #tpu.memory_space<vmem>> -> memref<8x128xf32, #tpu.memory_space<vmem>>
      %dma_start3A_248 = arith.constant 0 : i32
      %dma_start3A_249 = tpu.memref_slice %arg11[%add3A_145, %dma_start3A_248] : memref<5248x128xf32, #tpu.memory_space<vmem_shared>> -> memref<8x128xf32, #tpu.memory_space<vmem_shared>>
      %dma_start3A_250 = arith.constant 0 : i32
      %dma_start3A_251 = tpu.memref_slice %arg11[%add3A_145, %dma_start3A_250] : memref<5248x128xf32, #tpu.memory_space<vmem_shared>> -> memref<8x128xf32, #tpu.memory_space<vmem_shared>>
      %dma_start3A_252 = arith.constant 0 : i32
      %dma_start3A_253 = arith.constant 0 : i32
      %dma_start3A_254 = tpu.memref_slice %arg10[%dma_start3A_252, %dma_start3A_253] : memref<64x128xf32, #tpu.memory_space<vmem>> -> memref<8x128xf32, #tpu.memory_space<vmem>>
      tpu.enqueue_dma source(%dma_start3A_254 : memref<8x128xf32, #tpu.memory_space<vmem>>) target(%dma_start3A_251 : memref<8x128xf32, #tpu.memory_space<vmem_shared>>) target_semaphore(%run_scoped3A_244 : memref<!tpu.dma_semaphore, #tpu.memory_space<semaphore_mem>>)
      %dma_wait3A_255 = arith.constant 0 : i32
      %dma_wait3A_256 = arith.constant 0 : i32
      %dma_wait3A_257 = tpu.memref_slice %arg10[%dma_wait3A_255, %dma_wait3A_256] : memref<64x128xf32, #tpu.memory_space<vmem>> -> memref<8x128xf32, #tpu.memory_space<vmem>>
      %dma_wait3A_258 = arith.constant 0 : i32
      %dma_wait3A_259 = tpu.memref_slice %arg11[%add3A_145, %dma_wait3A_258] : memref<5248x128xf32, #tpu.memory_space<vmem_shared>> -> memref<8x128xf32, #tpu.memory_space<vmem_shared>>
      %dma_wait3A_260 = arith.constant 0 : i32
      %dma_wait3A_261 = tpu.memref_slice %arg11[%add3A_145, %dma_wait3A_260] : memref<5248x128xf32, #tpu.memory_space<vmem_shared>> -> memref<8x128xf32, #tpu.memory_space<vmem_shared>>
      %dma_wait3A_262 = arith.constant 0 : i32
      %dma_wait3A_263 = arith.constant 0 : i32
      %dma_wait3A_264 = tpu.memref_slice %arg10[%dma_wait3A_262, %dma_wait3A_263] : memref<64x128xf32, #tpu.memory_space<vmem>> -> memref<8x128xf32, #tpu.memory_space<vmem>>
      tpu.wait_dma2 semaphore(%run_scoped3A_244 : memref<!tpu.dma_semaphore, #tpu.memory_space<semaphore_mem>>) src(%dma_wait3A_264 : memref<8x128xf32, #tpu.memory_space<vmem>>) dst(%dma_wait3A_261 : memref<8x128xf32, #tpu.memory_space<vmem_shared>>)
      tpu.yield
    }) : () -> ()
    %barrier3A_146 = arith.constant 0 : index
    tpu.barrier barrier_id(%barrier3A_146)
    %dma_start3A_147 = arith.constant 0 : i32
    %dma_start3A_148 = arith.constant 0 : i32
    %dma_start3A_149 = arith.constant 0 : i32
    %dma_start3A_150 = arith.constant 0 : i32
    %dma_start3A_151 = tpu.memref_slice %arg9[%dma_start3A_148, %dma_start3A_149, %dma_start3A_150] : memref<4x128x128xf32, #tpu.memory_space<vmem>> -> memref<1x128x128xf32, #tpu.memory_space<vmem>>
    %dma_start3A_152 = tpu.memref_squeeze %dma_start3A_151 : memref<1x128x128xf32, #tpu.memory_space<vmem>> -> memref<128x128xf32, #tpu.memory_space<vmem>>
    %dma_start3A_153 = arith.constant 0 : i32
    %dma_start3A_154 = tpu.memref_slice %arg6[%dma_start3A_147, %dma_start3A_153] : memref<40x128xi32, #tpu.memory_space<vmem>> -> memref<1x128xi32, #tpu.memory_space<vmem>>
    %dma_start3A_155 = tpu.memref_squeeze %dma_start3A_154 : memref<1x128xi32, #tpu.memory_space<vmem>> -> memref<128xi32, #tpu.memory_space<vmem>>
    %dma_start3A_156 = arith.constant 0 : i32
    %dma_start3A_157 = arith.constant 0 : i32
    %dma_start3A_158 = tpu.memref_slice %arg2[%dma_start3A_156, %dma_start3A_157] : memref<20480x128xf32, #tpu.memory_space<hbm>> -> memref<20480x128xf32, #tpu.memory_space<hbm>>
    tpu.enqueue_indirect_dma source(%dma_start3A_158 : memref<20480x128xf32, #tpu.memory_space<hbm>>) target(%dma_start3A_152 : memref<128x128xf32, #tpu.memory_space<vmem>>) offsets(%dma_start3A_155 : memref<128xi32, #tpu.memory_space<vmem>>) semaphore(%arg12 : memref<!tpu.dma_semaphore, #tpu.memory_space<semaphore_mem>>)
    %dma_start3A_159 = arith.constant 1 : i32
    %dma_start3A_160 = arith.constant 1 : i32
    %dma_start3A_161 = arith.constant 0 : i32
    %dma_start3A_162 = arith.constant 0 : i32
    %dma_start3A_163 = tpu.memref_slice %arg9[%dma_start3A_160, %dma_start3A_161, %dma_start3A_162] : memref<4x128x128xf32, #tpu.memory_space<vmem>> -> memref<1x128x128xf32, #tpu.memory_space<vmem>>
    %dma_start3A_164 = tpu.memref_squeeze %dma_start3A_163 : memref<1x128x128xf32, #tpu.memory_space<vmem>> -> memref<128x128xf32, #tpu.memory_space<vmem>>
    %dma_start3A_165 = arith.constant 0 : i32
    %dma_start3A_166 = tpu.memref_slice %arg6[%dma_start3A_159, %dma_start3A_165] : memref<40x128xi32, #tpu.memory_space<vmem>> -> memref<1x128xi32, #tpu.memory_space<vmem>>
    %dma_start3A_167 = tpu.memref_squeeze %dma_start3A_166 : memref<1x128xi32, #tpu.memory_space<vmem>> -> memref<128xi32, #tpu.memory_space<vmem>>
    %dma_start3A_168 = arith.constant 0 : i32
    %dma_start3A_169 = arith.constant 0 : i32
    %dma_start3A_170 = tpu.memref_slice %arg2[%dma_start3A_168, %dma_start3A_169] : memref<20480x128xf32, #tpu.memory_space<hbm>> -> memref<20480x128xf32, #tpu.memory_space<hbm>>
    tpu.enqueue_indirect_dma source(%dma_start3A_170 : memref<20480x128xf32, #tpu.memory_space<hbm>>) target(%dma_start3A_164 : memref<128x128xf32, #tpu.memory_space<vmem>>) offsets(%dma_start3A_167 : memref<128xi32, #tpu.memory_space<vmem>>) semaphore(%arg13 : memref<!tpu.dma_semaphore, #tpu.memory_space<semaphore_mem>>)
    %dma_start3A_171 = arith.constant 2 : i32
    %dma_start3A_172 = arith.constant 2 : i32
    %dma_start3A_173 = arith.constant 0 : i32
    %dma_start3A_174 = arith.constant 0 : i32
    %dma_start3A_175 = tpu.memref_slice %arg9[%dma_start3A_172, %dma_start3A_173, %dma_start3A_174] : memref<4x128x128xf32, #tpu.memory_space<vmem>> -> memref<1x128x128xf32, #tpu.memory_space<vmem>>
    %dma_start3A_176 = tpu.memref_squeeze %dma_start3A_175 : memref<1x128x128xf32, #tpu.memory_space<vmem>> -> memref<128x128xf32, #tpu.memory_space<vmem>>
    %dma_start3A_177 = arith.constant 0 : i32
    %dma_start3A_178 = tpu.memref_slice %arg6[%dma_start3A_171, %dma_start3A_177] : memref<40x128xi32, #tpu.memory_space<vmem>> -> memref<1x128xi32, #tpu.memory_space<vmem>>
    %dma_start3A_179 = tpu.memref_squeeze %dma_start3A_178 : memref<1x128xi32, #tpu.memory_space<vmem>> -> memref<128xi32, #tpu.memory_space<vmem>>
    %dma_start3A_180 = arith.constant 0 : i32
    %dma_start3A_181 = arith.constant 0 : i32
    %dma_start3A_182 = tpu.memref_slice %arg2[%dma_start3A_180, %dma_start3A_181] : memref<20480x128xf32, #tpu.memory_space<hbm>> -> memref<20480x128xf32, #tpu.memory_space<hbm>>
    tpu.enqueue_indirect_dma source(%dma_start3A_182 : memref<20480x128xf32, #tpu.memory_space<hbm>>) target(%dma_start3A_176 : memref<128x128xf32, #tpu.memory_space<vmem>>) offsets(%dma_start3A_179 : memref<128xi32, #tpu.memory_space<vmem>>) semaphore(%arg14 : memref<!tpu.dma_semaphore, #tpu.memory_space<semaphore_mem>>)
    %scan3A_183 = arith.constant 0 : i32
    %scan3A_184 = arith.constant 10 : i32
    %scan3A_185 = arith.addi %scan3A_183, %scan3A_184 : i32
    %scan3A_186 = arith.constant 1 : i32
    scf.for %scan3A_244 = %scan3A_183 to %scan3A_185 step %scan3A_186  : i32 {
      %mul3A_245 = arith.constant 1 : i32
      %mul3A_246 = arith.muli %scan3A_244, %mul3A_245 : i32
      %add3A_247 = arith.constant 0 : i32
      %add3A_248 = arith.addi %add3A_247, %mul3A_246 : i32
      %mul3A_249 = arith.constant 4 : i32
      %mul3A_250 = arith.muli %add3A_248, %mul3A_249 : i32
      %add3A_251 = arith.constant 0 : i32
      %add3A_252 = arith.addi %mul3A_250, %add3A_251 : i32
      %dma_wait3A_253 = arith.constant 0 : i32
      %dma_wait3A_254 = arith.constant 0 : i32
      %dma_wait3A_255 = arith.constant 0 : i32
      %dma_wait3A_256 = tpu.memref_slice %arg9[%dma_wait3A_253, %dma_wait3A_254, %dma_wait3A_255] : memref<4x128x128xf32, #tpu.memory_space<vmem>> -> memref<1x128x128xf32, #tpu.memory_space<vmem>>
      %dma_wait3A_257 = tpu.memref_squeeze %dma_wait3A_256 : memref<1x128x128xf32, #tpu.memory_space<vmem>> -> memref<128x128xf32, #tpu.memory_space<vmem>>
      %dma_wait3A_258 = arith.constant 0 : i32
      %dma_wait3A_259 = tpu.memref_slice %arg6[%add3A_252, %dma_wait3A_258] : memref<40x128xi32, #tpu.memory_space<vmem>> -> memref<1x128xi32, #tpu.memory_space<vmem>>
      %dma_wait3A_260 = tpu.memref_squeeze %dma_wait3A_259 : memref<1x128xi32, #tpu.memory_space<vmem>> -> memref<128xi32, #tpu.memory_space<vmem>>
      %dma_wait3A_261 = arith.constant 0 : i32
      %dma_wait3A_262 = arith.constant 0 : i32
      %dma_wait3A_263 = tpu.memref_slice %arg2[%dma_wait3A_261, %dma_wait3A_262] : memref<20480x128xf32, #tpu.memory_space<hbm>> -> memref<20480x128xf32, #tpu.memory_space<hbm>>
      tpu.wait_indirect_dma semaphore(%arg12 : memref<!tpu.dma_semaphore, #tpu.memory_space<semaphore_mem>>) src(%dma_wait3A_263 : memref<20480x128xf32, #tpu.memory_space<hbm>>) dst(%dma_wait3A_257 : memref<128x128xf32, #tpu.memory_space<vmem>>)
      %dma_start3A_264 = arith.constant 0 : i32
      %dma_start3A_265 = arith.constant 0 : i32
      %dma_start3A_266 = arith.constant 0 : i32
      %dma_start3A_267 = tpu.memref_slice %arg9[%dma_start3A_264, %dma_start3A_265, %dma_start3A_266] : memref<4x128x128xf32, #tpu.memory_space<vmem>> -> memref<1x128x128xf32, #tpu.memory_space<vmem>>
      %dma_start3A_268 = tpu.memref_squeeze %dma_start3A_267 : memref<1x128x128xf32, #tpu.memory_space<vmem>> -> memref<128x128xf32, #tpu.memory_space<vmem>>
      %dma_start3A_269 = arith.constant 0 : i32
      %dma_start3A_270 = tpu.memref_slice %arg8[%add3A_252, %dma_start3A_269] : memref<40x128xi32, #tpu.memory_space<vmem>> -> memref<1x128xi32, #tpu.memory_space<vmem>>
      %dma_start3A_271 = tpu.memref_squeeze %dma_start3A_270 : memref<1x128xi32, #tpu.memory_space<vmem>> -> memref<128xi32, #tpu.memory_space<vmem>>
      %dma_start3A_272 = arith.constant 0 : i32
      %dma_start3A_273 = arith.constant 0 : i32
      %dma_start3A_274 = tpu.memref_slice %arg11[%dma_start3A_272, %dma_start3A_273] : memref<5248x128xf32, #tpu.memory_space<vmem_shared>> -> memref<5248x128xf32, #tpu.memory_space<vmem_shared>>
      tpu.enqueue_indirect_dma source(%dma_start3A_268 : memref<128x128xf32, #tpu.memory_space<vmem>>) target(%dma_start3A_274 : memref<5248x128xf32, #tpu.memory_space<vmem_shared>>) offsets(%dma_start3A_271 : memref<128xi32, #tpu.memory_space<vmem>>) semaphore(%arg16 : memref<!tpu.dma_semaphore, #tpu.memory_space<semaphore_mem>>) {add = true}
      %add3A_275 = arith.constant 3 : i32
      %add3A_276 = arith.addi %add3A_252, %add3A_275 : i32
      %lt3A = arith.constant 40 : i32
      %lt3A_277 = arith.cmpi slt, %add3A_276, %lt3A : i32
      %convert_element_type3A = arith.extui %lt3A_277 : i1 to i32
      %cond3A = arith.constant 0 : i32
      %cond3A_278 = arith.cmpi ne, %convert_element_type3A, %cond3A : i32
      scf.if %cond3A_278 {
        %add3A_378 = arith.constant 3 : i32
        %add3A_379 = arith.addi %add3A_252, %add3A_378 : i32
        %ge3A = arith.constant 4 : i32
        %ge3A_380 = arith.cmpi sge, %add3A_379, %ge3A : i32
        %convert_element_type3A_381 = arith.extui %ge3A_380 : i1 to i32
        %cond3A_382 = arith.constant 0 : i32
        %cond3A_383 = arith.cmpi ne, %convert_element_type3A_381, %cond3A_382 : i32
        scf.if %cond3A_383 {
          %dma_wait3A_397 = arith.constant 3 : i32
          %dma_wait3A_398 = arith.constant 0 : i32
          %dma_wait3A_399 = arith.constant 0 : i32
          %dma_wait3A_400 = arith.constant 0 : i32
          %dma_wait3A_401 = tpu.memref_slice %arg9[%dma_wait3A_397, %dma_wait3A_399, %dma_wait3A_400] : memref<4x128x128xf32, #tpu.memory_space<vmem>> -> memref<1x128x128xf32, #tpu.memory_space<vmem>>
          %dma_wait3A_402 = tpu.memref_squeeze %dma_wait3A_401 : memref<1x128x128xf32, #tpu.memory_space<vmem>> -> memref<128x128xf32, #tpu.memory_space<vmem>>
          %dma_wait3A_403 = arith.constant 0 : i32
          %dma_wait3A_404 = tpu.memref_slice %arg8[%dma_wait3A_398, %dma_wait3A_403] : memref<40x128xi32, #tpu.memory_space<vmem>> -> memref<1x128xi32, #tpu.memory_space<vmem>>
          %dma_wait3A_405 = tpu.memref_squeeze %dma_wait3A_404 : memref<1x128xi32, #tpu.memory_space<vmem>> -> memref<128xi32, #tpu.memory_space<vmem>>
          %dma_wait3A_406 = arith.constant 0 : i32
          %dma_wait3A_407 = arith.constant 0 : i32
          %dma_wait3A_408 = tpu.memref_slice %arg11[%dma_wait3A_406, %dma_wait3A_407] : memref<5248x128xf32, #tpu.memory_space<vmem_shared>> -> memref<5248x128xf32, #tpu.memory_space<vmem_shared>>
          tpu.wait_indirect_dma semaphore(%arg19 : memref<!tpu.dma_semaphore, #tpu.memory_space<semaphore_mem>>) src(%dma_wait3A_402 : memref<128x128xf32, #tpu.memory_space<vmem>>) dst(%dma_wait3A_408 : memref<5248x128xf32, #tpu.memory_space<vmem_shared>>)
        } else {
        }
        %add3A_384 = arith.constant 3 : i32
        %add3A_385 = arith.addi %add3A_252, %add3A_384 : i32
        %dma_start3A_386 = arith.constant 3 : i32
        %dma_start3A_387 = arith.constant 0 : i32
        %dma_start3A_388 = arith.constant 0 : i32
        %dma_start3A_389 = tpu.memref_slice %arg9[%dma_start3A_386, %dma_start3A_387, %dma_start3A_388] : memref<4x128x128xf32, #tpu.memory_space<vmem>> -> memref<1x128x128xf32, #tpu.memory_space<vmem>>
        %dma_start3A_390 = tpu.memref_squeeze %dma_start3A_389 : memref<1x128x128xf32, #tpu.memory_space<vmem>> -> memref<128x128xf32, #tpu.memory_space<vmem>>
        %dma_start3A_391 = arith.constant 0 : i32
        %dma_start3A_392 = tpu.memref_slice %arg6[%add3A_385, %dma_start3A_391] : memref<40x128xi32, #tpu.memory_space<vmem>> -> memref<1x128xi32, #tpu.memory_space<vmem>>
        %dma_start3A_393 = tpu.memref_squeeze %dma_start3A_392 : memref<1x128xi32, #tpu.memory_space<vmem>> -> memref<128xi32, #tpu.memory_space<vmem>>
        %dma_start3A_394 = arith.constant 0 : i32
        %dma_start3A_395 = arith.constant 0 : i32
        %dma_start3A_396 = tpu.memref_slice %arg2[%dma_start3A_394, %dma_start3A_395] : memref<20480x128xf32, #tpu.memory_space<hbm>> -> memref<20480x128xf32, #tpu.memory_space<hbm>>
        tpu.enqueue_indirect_dma source(%dma_start3A_396 : memref<20480x128xf32, #tpu.memory_space<hbm>>) target(%dma_start3A_390 : memref<128x128xf32, #tpu.memory_space<vmem>>) offsets(%dma_start3A_393 : memref<128xi32, #tpu.memory_space<vmem>>) semaphore(%arg15 : memref<!tpu.dma_semaphore, #tpu.memory_space<semaphore_mem>>)
      } else {
      }
      %mul3A_279 = arith.constant 4 : i32
      %mul3A_280 = arith.muli %add3A_248, %mul3A_279 : i32
      %add3A_281 = arith.constant 1 : i32
      %add3A_282 = arith.addi %mul3A_280, %add3A_281 : i32
      %dma_wait3A_283 = arith.constant 1 : i32
      %dma_wait3A_284 = arith.constant 0 : i32
      %dma_wait3A_285 = arith.constant 0 : i32
      %dma_wait3A_286 = tpu.memref_slice %arg9[%dma_wait3A_283, %dma_wait3A_284, %dma_wait3A_285] : memref<4x128x128xf32, #tpu.memory_space<vmem>> -> memref<1x128x128xf32, #tpu.memory_space<vmem>>
      %dma_wait3A_287 = tpu.memref_squeeze %dma_wait3A_286 : memref<1x128x128xf32, #tpu.memory_space<vmem>> -> memref<128x128xf32, #tpu.memory_space<vmem>>
      %dma_wait3A_288 = arith.constant 0 : i32
      %dma_wait3A_289 = tpu.memref_slice %arg6[%add3A_282, %dma_wait3A_288] : memref<40x128xi32, #tpu.memory_space<vmem>> -> memref<1x128xi32, #tpu.memory_space<vmem>>
      %dma_wait3A_290 = tpu.memref_squeeze %dma_wait3A_289 : memref<1x128xi32, #tpu.memory_space<vmem>> -> memref<128xi32, #tpu.memory_space<vmem>>
      %dma_wait3A_291 = arith.constant 0 : i32
      %dma_wait3A_292 = arith.constant 0 : i32
      %dma_wait3A_293 = tpu.memref_slice %arg2[%dma_wait3A_291, %dma_wait3A_292] : memref<20480x128xf32, #tpu.memory_space<hbm>> -> memref<20480x128xf32, #tpu.memory_space<hbm>>
      tpu.wait_indirect_dma semaphore(%arg13 : memref<!tpu.dma_semaphore, #tpu.memory_space<semaphore_mem>>) src(%dma_wait3A_293 : memref<20480x128xf32, #tpu.memory_space<hbm>>) dst(%dma_wait3A_287 : memref<128x128xf32, #tpu.memory_space<vmem>>)
      %dma_start3A_294 = arith.constant 1 : i32
      %dma_start3A_295 = arith.constant 0 : i32
      %dma_start3A_296 = arith.constant 0 : i32
      %dma_start3A_297 = tpu.memref_slice %arg9[%dma_start3A_294, %dma_start3A_295, %dma_start3A_296] : memref<4x128x128xf32, #tpu.memory_space<vmem>> -> memref<1x128x128xf32, #tpu.memory_space<vmem>>
      %dma_start3A_298 = tpu.memref_squeeze %dma_start3A_297 : memref<1x128x128xf32, #tpu.memory_space<vmem>> -> memref<128x128xf32, #tpu.memory_space<vmem>>
      %dma_start3A_299 = arith.constant 0 : i32
      %dma_start3A_300 = tpu.memref_slice %arg8[%add3A_282, %dma_start3A_299] : memref<40x128xi32, #tpu.memory_space<vmem>> -> memref<1x128xi32, #tpu.memory_space<vmem>>
      %dma_start3A_301 = tpu.memref_squeeze %dma_start3A_300 : memref<1x128xi32, #tpu.memory_space<vmem>> -> memref<128xi32, #tpu.memory_space<vmem>>
      %dma_start3A_302 = arith.constant 0 : i32
      %dma_start3A_303 = arith.constant 0 : i32
      %dma_start3A_304 = tpu.memref_slice %arg11[%dma_start3A_302, %dma_start3A_303] : memref<5248x128xf32, #tpu.memory_space<vmem_shared>> -> memref<5248x128xf32, #tpu.memory_space<vmem_shared>>
      tpu.enqueue_indirect_dma source(%dma_start3A_298 : memref<128x128xf32, #tpu.memory_space<vmem>>) target(%dma_start3A_304 : memref<5248x128xf32, #tpu.memory_space<vmem_shared>>) offsets(%dma_start3A_301 : memref<128xi32, #tpu.memory_space<vmem>>) semaphore(%arg17 : memref<!tpu.dma_semaphore, #tpu.memory_space<semaphore_mem>>) {add = true}
      %add3A_305 = arith.constant 3 : i32
      %add3A_306 = arith.addi %add3A_282, %add3A_305 : i32
      %lt3A_307 = arith.constant 40 : i32
      %lt3A_308 = arith.cmpi slt, %add3A_306, %lt3A_307 : i32
      %convert_element_type3A_309 = arith.extui %lt3A_308 : i1 to i32
      %cond3A_310 = arith.constant 0 : i32
      %cond3A_311 = arith.cmpi ne, %convert_element_type3A_309, %cond3A_310 : i32
      scf.if %cond3A_311 {
        %add3A_378 = arith.constant 3 : i32
        %add3A_379 = arith.addi %add3A_282, %add3A_378 : i32
        %ge3A = arith.constant 4 : i32
        %ge3A_380 = arith.cmpi sge, %add3A_379, %ge3A : i32
        %convert_element_type3A_381 = arith.extui %ge3A_380 : i1 to i32
        %cond3A_382 = arith.constant 0 : i32
        %cond3A_383 = arith.cmpi ne, %convert_element_type3A_381, %cond3A_382 : i32
        scf.if %cond3A_383 {
          %dma_wait3A_397 = arith.constant 0 : i32
          %dma_wait3A_398 = arith.constant 0 : i32
          %dma_wait3A_399 = arith.constant 0 : i32
          %dma_wait3A_400 = arith.constant 0 : i32
          %dma_wait3A_401 = tpu.memref_slice %arg9[%dma_wait3A_397, %dma_wait3A_399, %dma_wait3A_400] : memref<4x128x128xf32, #tpu.memory_space<vmem>> -> memref<1x128x128xf32, #tpu.memory_space<vmem>>
          %dma_wait3A_402 = tpu.memref_squeeze %dma_wait3A_401 : memref<1x128x128xf32, #tpu.memory_space<vmem>> -> memref<128x128xf32, #tpu.memory_space<vmem>>
          %dma_wait3A_403 = arith.constant 0 : i32
          %dma_wait3A_404 = tpu.memref_slice %arg8[%dma_wait3A_398, %dma_wait3A_403] : memref<40x128xi32, #tpu.memory_space<vmem>> -> memref<1x128xi32, #tpu.memory_space<vmem>>
          %dma_wait3A_405 = tpu.memref_squeeze %dma_wait3A_404 : memref<1x128xi32, #tpu.memory_space<vmem>> -> memref<128xi32, #tpu.memory_space<vmem>>
          %dma_wait3A_406 = arith.constant 0 : i32
          %dma_wait3A_407 = arith.constant 0 : i32
          %dma_wait3A_408 = tpu.memref_slice %arg11[%dma_wait3A_406, %dma_wait3A_407] : memref<5248x128xf32, #tpu.memory_space<vmem_shared>> -> memref<5248x128xf32, #tpu.memory_space<vmem_shared>>
          tpu.wait_indirect_dma semaphore(%arg16 : memref<!tpu.dma_semaphore, #tpu.memory_space<semaphore_mem>>) src(%dma_wait3A_402 : memref<128x128xf32, #tpu.memory_space<vmem>>) dst(%dma_wait3A_408 : memref<5248x128xf32, #tpu.memory_space<vmem_shared>>)
        } else {
        }
        %add3A_384 = arith.constant 3 : i32
        %add3A_385 = arith.addi %add3A_282, %add3A_384 : i32
        %dma_start3A_386 = arith.constant 0 : i32
        %dma_start3A_387 = arith.constant 0 : i32
        %dma_start3A_388 = arith.constant 0 : i32
        %dma_start3A_389 = tpu.memref_slice %arg9[%dma_start3A_386, %dma_start3A_387, %dma_start3A_388] : memref<4x128x128xf32, #tpu.memory_space<vmem>> -> memref<1x128x128xf32, #tpu.memory_space<vmem>>
        %dma_start3A_390 = tpu.memref_squeeze %dma_start3A_389 : memref<1x128x128xf32, #tpu.memory_space<vmem>> -> memref<128x128xf32, #tpu.memory_space<vmem>>
        %dma_start3A_391 = arith.constant 0 : i32
        %dma_start3A_392 = tpu.memref_slice %arg6[%add3A_385, %dma_start3A_391] : memref<40x128xi32, #tpu.memory_space<vmem>> -> memref<1x128xi32, #tpu.memory_space<vmem>>
        %dma_start3A_393 = tpu.memref_squeeze %dma_start3A_392 : memref<1x128xi32, #tpu.memory_space<vmem>> -> memref<128xi32, #tpu.memory_space<vmem>>
        %dma_start3A_394 = arith.constant 0 : i32
        %dma_start3A_395 = arith.constant 0 : i32
        %dma_start3A_396 = tpu.memref_slice %arg2[%dma_start3A_394, %dma_start3A_395] : memref<20480x128xf32, #tpu.memory_space<hbm>> -> memref<20480x128xf32, #tpu.memory_space<hbm>>
        tpu.enqueue_indirect_dma source(%dma_start3A_396 : memref<20480x128xf32, #tpu.memory_space<hbm>>) target(%dma_start3A_390 : memref<128x128xf32, #tpu.memory_space<vmem>>) offsets(%dma_start3A_393 : memref<128xi32, #tpu.memory_space<vmem>>) semaphore(%arg12 : memref<!tpu.dma_semaphore, #tpu.memory_space<semaphore_mem>>)
      } else {
      }
      %mul3A_312 = arith.constant 4 : i32
      %mul3A_313 = arith.muli %add3A_248, %mul3A_312 : i32
      %add3A_314 = arith.constant 2 : i32
      %add3A_315 = arith.addi %mul3A_313, %add3A_314 : i32
      %dma_wait3A_316 = arith.constant 2 : i32
      %dma_wait3A_317 = arith.constant 0 : i32
      %dma_wait3A_318 = arith.constant 0 : i32
      %dma_wait3A_319 = tpu.memref_slice %arg9[%dma_wait3A_316, %dma_wait3A_317, %dma_wait3A_318] : memref<4x128x128xf32, #tpu.memory_space<vmem>> -> memref<1x128x128xf32, #tpu.memory_space<vmem>>
      %dma_wait3A_320 = tpu.memref_squeeze %dma_wait3A_319 : memref<1x128x128xf32, #tpu.memory_space<vmem>> -> memref<128x128xf32, #tpu.memory_space<vmem>>
      %dma_wait3A_321 = arith.constant 0 : i32
      %dma_wait3A_322 = tpu.memref_slice %arg6[%add3A_315, %dma_wait3A_321] : memref<40x128xi32, #tpu.memory_space<vmem>> -> memref<1x128xi32, #tpu.memory_space<vmem>>
      %dma_wait3A_323 = tpu.memref_squeeze %dma_wait3A_322 : memref<1x128xi32, #tpu.memory_space<vmem>> -> memref<128xi32, #tpu.memory_space<vmem>>
      %dma_wait3A_324 = arith.constant 0 : i32
      %dma_wait3A_325 = arith.constant 0 : i32
      %dma_wait3A_326 = tpu.memref_slice %arg2[%dma_wait3A_324, %dma_wait3A_325] : memref<20480x128xf32, #tpu.memory_space<hbm>> -> memref<20480x128xf32, #tpu.memory_space<hbm>>
      tpu.wait_indirect_dma semaphore(%arg14 : memref<!tpu.dma_semaphore, #tpu.memory_space<semaphore_mem>>) src(%dma_wait3A_326 : memref<20480x128xf32, #tpu.memory_space<hbm>>) dst(%dma_wait3A_320 : memref<128x128xf32, #tpu.memory_space<vmem>>)
      %dma_start3A_327 = arith.constant 2 : i32
      %dma_start3A_328 = arith.constant 0 : i32
      %dma_start3A_329 = arith.constant 0 : i32
      %dma_start3A_330 = tpu.memref_slice %arg9[%dma_start3A_327, %dma_start3A_328, %dma_start3A_329] : memref<4x128x128xf32, #tpu.memory_space<vmem>> -> memref<1x128x128xf32, #tpu.memory_space<vmem>>
      %dma_start3A_331 = tpu.memref_squeeze %dma_start3A_330 : memref<1x128x128xf32, #tpu.memory_space<vmem>> -> memref<128x128xf32, #tpu.memory_space<vmem>>
      %dma_start3A_332 = arith.constant 0 : i32
      %dma_start3A_333 = tpu.memref_slice %arg8[%add3A_315, %dma_start3A_332] : memref<40x128xi32, #tpu.memory_space<vmem>> -> memref<1x128xi32, #tpu.memory_space<vmem>>
      %dma_start3A_334 = tpu.memref_squeeze %dma_start3A_333 : memref<1x128xi32, #tpu.memory_space<vmem>> -> memref<128xi32, #tpu.memory_space<vmem>>
      %dma_start3A_335 = arith.constant 0 : i32
      %dma_start3A_336 = arith.constant 0 : i32
      %dma_start3A_337 = tpu.memref_slice %arg11[%dma_start3A_335, %dma_start3A_336] : memref<5248x128xf32, #tpu.memory_space<vmem_shared>> -> memref<5248x128xf32, #tpu.memory_space<vmem_shared>>
      tpu.enqueue_indirect_dma source(%dma_start3A_331 : memref<128x128xf32, #tpu.memory_space<vmem>>) target(%dma_start3A_337 : memref<5248x128xf32, #tpu.memory_space<vmem_shared>>) offsets(%dma_start3A_334 : memref<128xi32, #tpu.memory_space<vmem>>) semaphore(%arg18 : memref<!tpu.dma_semaphore, #tpu.memory_space<semaphore_mem>>) {add = true}
      %add3A_338 = arith.constant 3 : i32
      %add3A_339 = arith.addi %add3A_315, %add3A_338 : i32
      %lt3A_340 = arith.constant 40 : i32
      %lt3A_341 = arith.cmpi slt, %add3A_339, %lt3A_340 : i32
      %convert_element_type3A_342 = arith.extui %lt3A_341 : i1 to i32
      %cond3A_343 = arith.constant 0 : i32
      %cond3A_344 = arith.cmpi ne, %convert_element_type3A_342, %cond3A_343 : i32
      scf.if %cond3A_344 {
        %add3A_378 = arith.constant 3 : i32
        %add3A_379 = arith.addi %add3A_315, %add3A_378 : i32
        %ge3A = arith.constant 4 : i32
        %ge3A_380 = arith.cmpi sge, %add3A_379, %ge3A : i32
        %convert_element_type3A_381 = arith.extui %ge3A_380 : i1 to i32
        %cond3A_382 = arith.constant 0 : i32
        %cond3A_383 = arith.cmpi ne, %convert_element_type3A_381, %cond3A_382 : i32
        scf.if %cond3A_383 {
          %dma_wait3A_397 = arith.constant 1 : i32
          %dma_wait3A_398 = arith.constant 0 : i32
          %dma_wait3A_399 = arith.constant 0 : i32
          %dma_wait3A_400 = arith.constant 0 : i32
          %dma_wait3A_401 = tpu.memref_slice %arg9[%dma_wait3A_397, %dma_wait3A_399, %dma_wait3A_400] : memref<4x128x128xf32, #tpu.memory_space<vmem>> -> memref<1x128x128xf32, #tpu.memory_space<vmem>>
          %dma_wait3A_402 = tpu.memref_squeeze %dma_wait3A_401 : memref<1x128x128xf32, #tpu.memory_space<vmem>> -> memref<128x128xf32, #tpu.memory_space<vmem>>
          %dma_wait3A_403 = arith.constant 0 : i32
          %dma_wait3A_404 = tpu.memref_slice %arg8[%dma_wait3A_398, %dma_wait3A_403] : memref<40x128xi32, #tpu.memory_space<vmem>> -> memref<1x128xi32, #tpu.memory_space<vmem>>
          %dma_wait3A_405 = tpu.memref_squeeze %dma_wait3A_404 : memref<1x128xi32, #tpu.memory_space<vmem>> -> memref<128xi32, #tpu.memory_space<vmem>>
          %dma_wait3A_406 = arith.constant 0 : i32
          %dma_wait3A_407 = arith.constant 0 : i32
          %dma_wait3A_408 = tpu.memref_slice %arg11[%dma_wait3A_406, %dma_wait3A_407] : memref<5248x128xf32, #tpu.memory_space<vmem_shared>> -> memref<5248x128xf32, #tpu.memory_space<vmem_shared>>
          tpu.wait_indirect_dma semaphore(%arg17 : memref<!tpu.dma_semaphore, #tpu.memory_space<semaphore_mem>>) src(%dma_wait3A_402 : memref<128x128xf32, #tpu.memory_space<vmem>>) dst(%dma_wait3A_408 : memref<5248x128xf32, #tpu.memory_space<vmem_shared>>)
        } else {
        }
        %add3A_384 = arith.constant 3 : i32
        %add3A_385 = arith.addi %add3A_315, %add3A_384 : i32
        %dma_start3A_386 = arith.constant 1 : i32
        %dma_start3A_387 = arith.constant 0 : i32
        %dma_start3A_388 = arith.constant 0 : i32
        %dma_start3A_389 = tpu.memref_slice %arg9[%dma_start3A_386, %dma_start3A_387, %dma_start3A_388] : memref<4x128x128xf32, #tpu.memory_space<vmem>> -> memref<1x128x128xf32, #tpu.memory_space<vmem>>
        %dma_start3A_390 = tpu.memref_squeeze %dma_start3A_389 : memref<1x128x128xf32, #tpu.memory_space<vmem>> -> memref<128x128xf32, #tpu.memory_space<vmem>>
        %dma_start3A_391 = arith.constant 0 : i32
        %dma_start3A_392 = tpu.memref_slice %arg6[%add3A_385, %dma_start3A_391] : memref<40x128xi32, #tpu.memory_space<vmem>> -> memref<1x128xi32, #tpu.memory_space<vmem>>
        %dma_start3A_393 = tpu.memref_squeeze %dma_start3A_392 : memref<1x128xi32, #tpu.memory_space<vmem>> -> memref<128xi32, #tpu.memory_space<vmem>>
        %dma_start3A_394 = arith.constant 0 : i32
        %dma_start3A_395 = arith.constant 0 : i32
        %dma_start3A_396 = tpu.memref_slice %arg2[%dma_start3A_394, %dma_start3A_395] : memref<20480x128xf32, #tpu.memory_space<hbm>> -> memref<20480x128xf32, #tpu.memory_space<hbm>>
        tpu.enqueue_indirect_dma source(%dma_start3A_396 : memref<20480x128xf32, #tpu.memory_space<hbm>>) target(%dma_start3A_390 : memref<128x128xf32, #tpu.memory_space<vmem>>) offsets(%dma_start3A_393 : memref<128xi32, #tpu.memory_space<vmem>>) semaphore(%arg13 : memref<!tpu.dma_semaphore, #tpu.memory_space<semaphore_mem>>)
      } else {
      }
      %mul3A_345 = arith.constant 4 : i32
      %mul3A_346 = arith.muli %add3A_248, %mul3A_345 : i32
      %add3A_347 = arith.constant 3 : i32
      %add3A_348 = arith.addi %mul3A_346, %add3A_347 : i32
      %dma_wait3A_349 = arith.constant 3 : i32
      %dma_wait3A_350 = arith.constant 0 : i32
      %dma_wait3A_351 = arith.constant 0 : i32
      %dma_wait3A_352 = tpu.memref_slice %arg9[%dma_wait3A_349, %dma_wait3A_350, %dma_wait3A_351] : memref<4x128x128xf32, #tpu.memory_space<vmem>> -> memref<1x128x128xf32, #tpu.memory_space<vmem>>
      %dma_wait3A_353 = tpu.memref_squeeze %dma_wait3A_352 : memref<1x128x128xf32, #tpu.memory_space<vmem>> -> memref<128x128xf32, #tpu.memory_space<vmem>>
      %dma_wait3A_354 = arith.constant 0 : i32
      %dma_wait3A_355 = tpu.memref_slice %arg6[%add3A_348, %dma_wait3A_354] : memref<40x128xi32, #tpu.memory_space<vmem>> -> memref<1x128xi32, #tpu.memory_space<vmem>>
      %dma_wait3A_356 = tpu.memref_squeeze %dma_wait3A_355 : memref<1x128xi32, #tpu.memory_space<vmem>> -> memref<128xi32, #tpu.memory_space<vmem>>
      %dma_wait3A_357 = arith.constant 0 : i32
      %dma_wait3A_358 = arith.constant 0 : i32
      %dma_wait3A_359 = tpu.memref_slice %arg2[%dma_wait3A_357, %dma_wait3A_358] : memref<20480x128xf32, #tpu.memory_space<hbm>> -> memref<20480x128xf32, #tpu.memory_space<hbm>>
      tpu.wait_indirect_dma semaphore(%arg15 : memref<!tpu.dma_semaphore, #tpu.memory_space<semaphore_mem>>) src(%dma_wait3A_359 : memref<20480x128xf32, #tpu.memory_space<hbm>>) dst(%dma_wait3A_353 : memref<128x128xf32, #tpu.memory_space<vmem>>)
      %dma_start3A_360 = arith.constant 3 : i32
      %dma_start3A_361 = arith.constant 0 : i32
      %dma_start3A_362 = arith.constant 0 : i32
      %dma_start3A_363 = tpu.memref_slice %arg9[%dma_start3A_360, %dma_start3A_361, %dma_start3A_362] : memref<4x128x128xf32, #tpu.memory_space<vmem>> -> memref<1x128x128xf32, #tpu.memory_space<vmem>>
      %dma_start3A_364 = tpu.memref_squeeze %dma_start3A_363 : memref<1x128x128xf32, #tpu.memory_space<vmem>> -> memref<128x128xf32, #tpu.memory_space<vmem>>
      %dma_start3A_365 = arith.constant 0 : i32
      %dma_start3A_366 = tpu.memref_slice %arg8[%add3A_348, %dma_start3A_365] : memref<40x128xi32, #tpu.memory_space<vmem>> -> memref<1x128xi32, #tpu.memory_space<vmem>>
      %dma_start3A_367 = tpu.memref_squeeze %dma_start3A_366 : memref<1x128xi32, #tpu.memory_space<vmem>> -> memref<128xi32, #tpu.memory_space<vmem>>
      %dma_start3A_368 = arith.constant 0 : i32
      %dma_start3A_369 = arith.constant 0 : i32
      %dma_start3A_370 = tpu.memref_slice %arg11[%dma_start3A_368, %dma_start3A_369] : memref<5248x128xf32, #tpu.memory_space<vmem_shared>> -> memref<5248x128xf32, #tpu.memory_space<vmem_shared>>
      tpu.enqueue_indirect_dma source(%dma_start3A_364 : memref<128x128xf32, #tpu.memory_space<vmem>>) target(%dma_start3A_370 : memref<5248x128xf32, #tpu.memory_space<vmem_shared>>) offsets(%dma_start3A_367 : memref<128xi32, #tpu.memory_space<vmem>>) semaphore(%arg19 : memref<!tpu.dma_semaphore, #tpu.memory_space<semaphore_mem>>) {add = true}
      %add3A_371 = arith.constant 3 : i32
      %add3A_372 = arith.addi %add3A_348, %add3A_371 : i32
      %lt3A_373 = arith.constant 40 : i32
      %lt3A_374 = arith.cmpi slt, %add3A_372, %lt3A_373 : i32
      %convert_element_type3A_375 = arith.extui %lt3A_374 : i1 to i32
      %cond3A_376 = arith.constant 0 : i32
      %cond3A_377 = arith.cmpi ne, %convert_element_type3A_375, %cond3A_376 : i32
      scf.if %cond3A_377 {
        %add3A_378 = arith.constant 3 : i32
        %add3A_379 = arith.addi %add3A_348, %add3A_378 : i32
        %ge3A = arith.constant 4 : i32
        %ge3A_380 = arith.cmpi sge, %add3A_379, %ge3A : i32
        %convert_element_type3A_381 = arith.extui %ge3A_380 : i1 to i32
        %cond3A_382 = arith.constant 0 : i32
        %cond3A_383 = arith.cmpi ne, %convert_element_type3A_381, %cond3A_382 : i32
        scf.if %cond3A_383 {
          %dma_wait3A_397 = arith.constant 2 : i32
          %dma_wait3A_398 = arith.constant 0 : i32
          %dma_wait3A_399 = arith.constant 0 : i32
          %dma_wait3A_400 = arith.constant 0 : i32
          %dma_wait3A_401 = tpu.memref_slice %arg9[%dma_wait3A_397, %dma_wait3A_399, %dma_wait3A_400] : memref<4x128x128xf32, #tpu.memory_space<vmem>> -> memref<1x128x128xf32, #tpu.memory_space<vmem>>
          %dma_wait3A_402 = tpu.memref_squeeze %dma_wait3A_401 : memref<1x128x128xf32, #tpu.memory_space<vmem>> -> memref<128x128xf32, #tpu.memory_space<vmem>>
          %dma_wait3A_403 = arith.constant 0 : i32
          %dma_wait3A_404 = tpu.memref_slice %arg8[%dma_wait3A_398, %dma_wait3A_403] : memref<40x128xi32, #tpu.memory_space<vmem>> -> memref<1x128xi32, #tpu.memory_space<vmem>>
          %dma_wait3A_405 = tpu.memref_squeeze %dma_wait3A_404 : memref<1x128xi32, #tpu.memory_space<vmem>> -> memref<128xi32, #tpu.memory_space<vmem>>
          %dma_wait3A_406 = arith.constant 0 : i32
          %dma_wait3A_407 = arith.constant 0 : i32
          %dma_wait3A_408 = tpu.memref_slice %arg11[%dma_wait3A_406, %dma_wait3A_407] : memref<5248x128xf32, #tpu.memory_space<vmem_shared>> -> memref<5248x128xf32, #tpu.memory_space<vmem_shared>>
          tpu.wait_indirect_dma semaphore(%arg18 : memref<!tpu.dma_semaphore, #tpu.memory_space<semaphore_mem>>) src(%dma_wait3A_402 : memref<128x128xf32, #tpu.memory_space<vmem>>) dst(%dma_wait3A_408 : memref<5248x128xf32, #tpu.memory_space<vmem_shared>>)
        } else {
        }
        %add3A_384 = arith.constant 3 : i32
        %add3A_385 = arith.addi %add3A_348, %add3A_384 : i32
        %dma_start3A_386 = arith.constant 2 : i32
        %dma_start3A_387 = arith.constant 0 : i32
        %dma_start3A_388 = arith.constant 0 : i32
        %dma_start3A_389 = tpu.memref_slice %arg9[%dma_start3A_386, %dma_start3A_387, %dma_start3A_388] : memref<4x128x128xf32, #tpu.memory_space<vmem>> -> memref<1x128x128xf32, #tpu.memory_space<vmem>>
        %dma_start3A_390 = tpu.memref_squeeze %dma_start3A_389 : memref<1x128x128xf32, #tpu.memory_space<vmem>> -> memref<128x128xf32, #tpu.memory_space<vmem>>
        %dma_start3A_391 = arith.constant 0 : i32
        %dma_start3A_392 = tpu.memref_slice %arg6[%add3A_385, %dma_start3A_391] : memref<40x128xi32, #tpu.memory_space<vmem>> -> memref<1x128xi32, #tpu.memory_space<vmem>>
        %dma_start3A_393 = tpu.memref_squeeze %dma_start3A_392 : memref<1x128xi32, #tpu.memory_space<vmem>> -> memref<128xi32, #tpu.memory_space<vmem>>
        %dma_start3A_394 = arith.constant 0 : i32
        %dma_start3A_395 = arith.constant 0 : i32
        %dma_start3A_396 = tpu.memref_slice %arg2[%dma_start3A_394, %dma_start3A_395] : memref<20480x128xf32, #tpu.memory_space<hbm>> -> memref<20480x128xf32, #tpu.memory_space<hbm>>
        tpu.enqueue_indirect_dma source(%dma_start3A_396 : memref<20480x128xf32, #tpu.memory_space<hbm>>) target(%dma_start3A_390 : memref<128x128xf32, #tpu.memory_space<vmem>>) offsets(%dma_start3A_393 : memref<128xi32, #tpu.memory_space<vmem>>) semaphore(%arg14 : memref<!tpu.dma_semaphore, #tpu.memory_space<semaphore_mem>>)
      } else {
      }
    }
    %scan3A_187 = arith.constant 10 : i32
    %dma_wait3A_188 = arith.constant 0 : i32
    %dma_wait3A_189 = arith.constant 0 : i32
    %dma_wait3A_190 = arith.constant 0 : i32
    %dma_wait3A_191 = arith.constant 0 : i32
    %dma_wait3A_192 = tpu.memref_slice %arg9[%dma_wait3A_188, %dma_wait3A_190, %dma_wait3A_191] : memref<4x128x128xf32, #tpu.memory_space<vmem>> -> memref<1x128x128xf32, #tpu.memory_space<vmem>>
    %dma_wait3A_193 = tpu.memref_squeeze %dma_wait3A_192 : memref<1x128x128xf32, #tpu.memory_space<vmem>> -> memref<128x128xf32, #tpu.memory_space<vmem>>
    %dma_wait3A_194 = arith.constant 0 : i32
    %dma_wait3A_195 = tpu.memref_slice %arg8[%dma_wait3A_189, %dma_wait3A_194] : memref<40x128xi32, #tpu.memory_space<vmem>> -> memref<1x128xi32, #tpu.memory_space<vmem>>
    %dma_wait3A_196 = tpu.memref_squeeze %dma_wait3A_195 : memref<1x128xi32, #tpu.memory_space<vmem>> -> memref<128xi32, #tpu.memory_space<vmem>>
    %dma_wait3A_197 = arith.constant 0 : i32
    %dma_wait3A_198 = arith.constant 0 : i32
    %dma_wait3A_199 = tpu.memref_slice %arg11[%dma_wait3A_197, %dma_wait3A_198] : memref<5248x128xf32, #tpu.memory_space<vmem_shared>> -> memref<5248x128xf32, #tpu.memory_space<vmem_shared>>
    tpu.wait_indirect_dma semaphore(%arg16 : memref<!tpu.dma_semaphore, #tpu.memory_space<semaphore_mem>>) src(%dma_wait3A_193 : memref<128x128xf32, #tpu.memory_space<vmem>>) dst(%dma_wait3A_199 : memref<5248x128xf32, #tpu.memory_space<vmem_shared>>)
    %dma_wait3A_200 = arith.constant 1 : i32
    %dma_wait3A_201 = arith.constant 0 : i32
    %dma_wait3A_202 = arith.constant 0 : i32
    %dma_wait3A_203 = arith.constant 0 : i32
    %dma_wait3A_204 = tpu.memref_slice %arg9[%dma_wait3A_200, %dma_wait3A_202, %dma_wait3A_203] : memref<4x128x128xf32, #tpu.memory_space<vmem>> -> memref<1x128x128xf32, #tpu.memory_space<vmem>>
    %dma_wait3A_205 = tpu.memref_squeeze %dma_wait3A_204 : memref<1x128x128xf32, #tpu.memory_space<vmem>> -> memref<128x128xf32, #tpu.memory_space<vmem>>
    %dma_wait3A_206 = arith.constant 0 : i32
    %dma_wait3A_207 = tpu.memref_slice %arg8[%dma_wait3A_201, %dma_wait3A_206] : memref<40x128xi32, #tpu.memory_space<vmem>> -> memref<1x128xi32, #tpu.memory_space<vmem>>
    %dma_wait3A_208 = tpu.memref_squeeze %dma_wait3A_207 : memref<1x128xi32, #tpu.memory_space<vmem>> -> memref<128xi32, #tpu.memory_space<vmem>>
    %dma_wait3A_209 = arith.constant 0 : i32
    %dma_wait3A_210 = arith.constant 0 : i32
    %dma_wait3A_211 = tpu.memref_slice %arg11[%dma_wait3A_209, %dma_wait3A_210] : memref<5248x128xf32, #tpu.memory_space<vmem_shared>> -> memref<5248x128xf32, #tpu.memory_space<vmem_shared>>
    tpu.wait_indirect_dma semaphore(%arg17 : memref<!tpu.dma_semaphore, #tpu.memory_space<semaphore_mem>>) src(%dma_wait3A_205 : memref<128x128xf32, #tpu.memory_space<vmem>>) dst(%dma_wait3A_211 : memref<5248x128xf32, #tpu.memory_space<vmem_shared>>)
    %dma_wait3A_212 = arith.constant 2 : i32
    %dma_wait3A_213 = arith.constant 0 : i32
    %dma_wait3A_214 = arith.constant 0 : i32
    %dma_wait3A_215 = arith.constant 0 : i32
    %dma_wait3A_216 = tpu.memref_slice %arg9[%dma_wait3A_212, %dma_wait3A_214, %dma_wait3A_215] : memref<4x128x128xf32, #tpu.memory_space<vmem>> -> memref<1x128x128xf32, #tpu.memory_space<vmem>>
    %dma_wait3A_217 = tpu.memref_squeeze %dma_wait3A_216 : memref<1x128x128xf32, #tpu.memory_space<vmem>> -> memref<128x128xf32, #tpu.memory_space<vmem>>
    %dma_wait3A_218 = arith.constant 0 : i32
    %dma_wait3A_219 = tpu.memref_slice %arg8[%dma_wait3A_213, %dma_wait3A_218] : memref<40x128xi32, #tpu.memory_space<vmem>> -> memref<1x128xi32, #tpu.memory_space<vmem>>
    %dma_wait3A_220 = tpu.memref_squeeze %dma_wait3A_219 : memref<1x128xi32, #tpu.memory_space<vmem>> -> memref<128xi32, #tpu.memory_space<vmem>>
    %dma_wait3A_221 = arith.constant 0 : i32
    %dma_wait3A_222 = arith.constant 0 : i32
    %dma_wait3A_223 = tpu.memref_slice %arg11[%dma_wait3A_221, %dma_wait3A_222] : memref<5248x128xf32, #tpu.memory_space<vmem_shared>> -> memref<5248x128xf32, #tpu.memory_space<vmem_shared>>
    tpu.wait_indirect_dma semaphore(%arg18 : memref<!tpu.dma_semaphore, #tpu.memory_space<semaphore_mem>>) src(%dma_wait3A_217 : memref<128x128xf32, #tpu.memory_space<vmem>>) dst(%dma_wait3A_223 : memref<5248x128xf32, #tpu.memory_space<vmem_shared>>)
    %dma_wait3A_224 = arith.constant 3 : i32
    %dma_wait3A_225 = arith.constant 0 : i32
    %dma_wait3A_226 = arith.constant 0 : i32
    %dma_wait3A_227 = arith.constant 0 : i32
    %dma_wait3A_228 = tpu.memref_slice %arg9[%dma_wait3A_224, %dma_wait3A_226, %dma_wait3A_227] : memref<4x128x128xf32, #tpu.memory_space<vmem>> -> memref<1x128x128xf32, #tpu.memory_space<vmem>>
    %dma_wait3A_229 = tpu.memref_squeeze %dma_wait3A_228 : memref<1x128x128xf32, #tpu.memory_space<vmem>> -> memref<128x128xf32, #tpu.memory_space<vmem>>
    %dma_wait3A_230 = arith.constant 0 : i32
    %dma_wait3A_231 = tpu.memref_slice %arg8[%dma_wait3A_225, %dma_wait3A_230] : memref<40x128xi32, #tpu.memory_space<vmem>> -> memref<1x128xi32, #tpu.memory_space<vmem>>
    %dma_wait3A_232 = tpu.memref_squeeze %dma_wait3A_231 : memref<1x128xi32, #tpu.memory_space<vmem>> -> memref<128xi32, #tpu.memory_space<vmem>>
    %dma_wait3A_233 = arith.constant 0 : i32
    %dma_wait3A_234 = arith.constant 0 : i32
    %dma_wait3A_235 = tpu.memref_slice %arg11[%dma_wait3A_233, %dma_wait3A_234] : memref<5248x128xf32, #tpu.memory_space<vmem_shared>> -> memref<5248x128xf32, #tpu.memory_space<vmem_shared>>
    tpu.wait_indirect_dma semaphore(%arg19 : memref<!tpu.dma_semaphore, #tpu.memory_space<semaphore_mem>>) src(%dma_wait3A_229 : memref<128x128xf32, #tpu.memory_space<vmem>>) dst(%dma_wait3A_235 : memref<5248x128xf32, #tpu.memory_space<vmem_shared>>)
    %barrier3A_236 = arith.constant 0 : index
    tpu.barrier barrier_id(%barrier3A_236)
    %mul3A_237 = arith.constant 320 : i32
    %mul3A_238 = arith.muli %arg1, %mul3A_237 : i32
    %mul3A_239 = arith.constant 320 : i32
    %mul3A_240 = arith.muli %arg1, %mul3A_239 : i32
    %add3A_241 = arith.constant 5120 : i32
    %add3A_242 = arith.addi %add3A_241, %mul3A_240 : i32
    "tpu.region"() ({
      %run_scoped3A_244 = tpu.sem_alloc : memref<!tpu.dma_semaphore, #tpu.memory_space<semaphore_mem>>
      %dma_start3A_245 = arith.constant 0 : i32
      %dma_start3A_246 = tpu.memref_slice %arg5[%arg0, %add3A_242, %dma_start3A_245] : memref<2x10240x128xf32, #tpu.memory_space<hbm>> -> memref<1x320x128xf32, #tpu.memory_space<hbm>>
      %dma_start3A_247 = tpu.memref_squeeze %dma_start3A_246 : memref<1x320x128xf32, #tpu.memory_space<hbm>> -> memref<320x128xf32, #tpu.memory_space<hbm>>
      %dma_start3A_248 = arith.constant 0 : i32
      %dma_start3A_249 = tpu.memref_slice %arg11[%mul3A_238, %dma_start3A_248] : memref<5248x128xf32, #tpu.memory_space<vmem_shared>> -> memref<320x128xf32, #tpu.memory_space<vmem_shared>>
      tpu.enqueue_dma source(%dma_start3A_249 : memref<320x128xf32, #tpu.memory_space<vmem_shared>>) target(%dma_start3A_247 : memref<320x128xf32, #tpu.memory_space<hbm>>) target_semaphore(%run_scoped3A_244 : memref<!tpu.dma_semaphore, #tpu.memory_space<semaphore_mem>>)
      %dma_wait3A_250 = arith.constant 0 : i32
      %dma_wait3A_251 = tpu.memref_slice %arg5[%arg0, %add3A_242, %dma_wait3A_250] : memref<2x10240x128xf32, #tpu.memory_space<hbm>> -> memref<1x320x128xf32, #tpu.memory_space<hbm>>
      %dma_wait3A_252 = tpu.memref_squeeze %dma_wait3A_251 : memref<1x320x128xf32, #tpu.memory_space<hbm>> -> memref<320x128xf32, #tpu.memory_space<hbm>>
      %dma_wait3A_253 = arith.constant 0 : i32
      %dma_wait3A_254 = tpu.memref_slice %arg11[%mul3A_238, %dma_wait3A_253] : memref<5248x128xf32, #tpu.memory_space<vmem_shared>> -> memref<320x128xf32, #tpu.memory_space<vmem_shared>>
      tpu.wait_dma2 semaphore(%run_scoped3A_244 : memref<!tpu.dma_semaphore, #tpu.memory_space<semaphore_mem>>) src(%dma_wait3A_254 : memref<320x128xf32, #tpu.memory_space<vmem_shared>>) dst(%dma_wait3A_252 : memref<320x128xf32, #tpu.memory_space<hbm>>)
      tpu.yield
    }) : () -> ()
    %barrier3A_243 = arith.constant 0 : index
    tpu.barrier barrier_id(%barrier3A_243)
    return
  }
}

module attributes {stable_mosaic.version = 14 : i64} {
  func.func @_dense1_body(%arg0: i32, %arg1: memref<2x400x128xf32, #tpu.memory_space<vmem>>, %arg2: memref<400x1xf32, #tpu.memory_space<vmem>>, %arg3: memref<400x128xf32, #tpu.memory_space<vmem>>, %arg4: memref<128x256xf32, #tpu.memory_space<vmem>>, %arg5: memref<128x256xf32, #tpu.memory_space<vmem>>, %arg6: memref<1x256xf32, #tpu.memory_space<vmem>>, %arg7: memref<1x256xf32, #tpu.memory_space<vmem>>, %arg8: memref<1x256xf32, #tpu.memory_space<vmem>>, %arg9: memref<2x400x128xf32, #tpu.memory_space<vmem>>) attributes {dimension_semantics = [#tpu.dimension_semantics<arbitrary>], iteration_bounds = array<i64: 25>, scalar_prefetch = 0 : i64, scratch_operands = 0 : i64, tpu.core_type = #tpu.core_type<tc>, window_params = [{transform_indices = @transform_0, window_bounds = array<i64: 2, 400, 128>}, {transform_indices = @transform_1, window_bounds = array<i64: 400, 1>}, {transform_indices = @transform_2, window_bounds = array<i64: 400, 128>}, {pipeline_mode = #tpu.pipeline_mode<synchronous>, transform_indices = @transform_3, window_bounds = array<i64: 128, 256>}, {pipeline_mode = #tpu.pipeline_mode<synchronous>, transform_indices = @transform_4, window_bounds = array<i64: 128, 256>}, {pipeline_mode = #tpu.pipeline_mode<synchronous>, transform_indices = @transform_5, window_bounds = array<i64: 1, 256>}, {pipeline_mode = #tpu.pipeline_mode<synchronous>, transform_indices = @transform_6, window_bounds = array<i64: 1, 256>}, {pipeline_mode = #tpu.pipeline_mode<synchronous>, transform_indices = @transform_7, window_bounds = array<i64: 1, 256>}, {transform_indices = @transform_8, window_bounds = array<i64: 2, 400, 128>}]} {
    %get3A = arith.constant 0 : index
    %get3A_0 = arith.constant 0 : index
    %get3A_1 = vector.load %arg2[%get3A, %get3A_0] : memref<400x1xf32, #tpu.memory_space<vmem>>, vector<400x1xf32>
    %max3A = arith.constant 1.000000e+00 : f32
    %max3A_2 = vector.broadcast %max3A : f32 to vector<400x1xf32>
    %max3A_3 = arith.maximumf %get3A_1, %max3A_2 : vector<400x1xf32>
    %get3A_4 = arith.constant 0 : index
    %get3A_5 = arith.constant 0 : index
    %get3A_6 = arith.constant 0 : index
    %get3A_7 = vector.load %arg1[%get3A_4, %get3A_5, %get3A_6] : memref<2x400x128xf32, #tpu.memory_space<vmem>>, vector<1x400x128xf32>
    %get3A_8 = vector.shape_cast %get3A_7 : vector<1x400x128xf32> to vector<400x128xf32>
    %get3A_9 = arith.constant 1 : index
    %get3A_10 = arith.constant 0 : index
    %get3A_11 = arith.constant 0 : index
    %get3A_12 = vector.load %arg1[%get3A_9, %get3A_10, %get3A_11] : memref<2x400x128xf32, #tpu.memory_space<vmem>>, vector<1x400x128xf32>
    %get3A_13 = vector.shape_cast %get3A_12 : vector<1x400x128xf32> to vector<400x128xf32>
    %add3A = arith.addf %get3A_8, %get3A_13 : vector<400x128xf32>
    %div3A = vector.broadcast %max3A_3 : vector<400x1xf32> to vector<400x128xf32>
    %div3A_14 = arith.divf %add3A, %div3A : vector<400x128xf32>
    %get3A_15 = arith.constant 0 : index
    %get3A_16 = arith.constant 0 : index
    %get3A_17 = vector.load %arg4[%get3A_15, %get3A_16] : memref<128x256xf32, #tpu.memory_space<vmem>>, vector<128x256xf32>
    %dot_general3A = arith.constant dense<0.000000e+00> : vector<400x256xf32>
    %dot_general3A_18 = tpu.matmul %div3A_14, %get3A_17, %dot_general3A {dimension_numbers = #tpu.dot_dimension_numbers<[1], [0], [0], [1], [0, 0, 1, 1], [], []>, transpose_lhs_hint = false} : vector<400x128xf32>, vector<128x256xf32>, vector<400x256xf32> -> vector<400x256xf32>
    %get3A_19 = arith.constant 0 : index
    %get3A_20 = arith.constant 0 : index
    %get3A_21 = vector.load %arg3[%get3A_19, %get3A_20] : memref<400x128xf32, #tpu.memory_space<vmem>>, vector<400x128xf32>
    %get3A_22 = arith.constant 0 : index
    %get3A_23 = arith.constant 0 : index
    %get3A_24 = vector.load %arg5[%get3A_22, %get3A_23] : memref<128x256xf32, #tpu.memory_space<vmem>>, vector<128x256xf32>
    %dot_general3A_25 = arith.constant dense<0.000000e+00> : vector<400x256xf32>
    %dot_general3A_26 = tpu.matmul %get3A_21, %get3A_24, %dot_general3A_25 {dimension_numbers = #tpu.dot_dimension_numbers<[1], [0], [0], [1], [0, 0, 1, 1], [], []>, transpose_lhs_hint = false} : vector<400x128xf32>, vector<128x256xf32>, vector<400x256xf32> -> vector<400x256xf32>
    %add3A_27 = arith.addf %dot_general3A_18, %dot_general3A_26 : vector<400x256xf32>
    %get3A_28 = arith.constant 0 : index
    %get3A_29 = arith.constant 0 : index
    %get3A_30 = vector.load %arg6[%get3A_28, %get3A_29] : memref<1x256xf32, #tpu.memory_space<vmem>>, vector<1x256xf32>
    %add3A_31 = vector.broadcast %get3A_30 : vector<1x256xf32> to vector<400x256xf32>
    %add3A_32 = arith.addf %add3A_27, %add3A_31 : vector<400x256xf32>
    %reduce_sum3A = arith.constant dense<0.000000e+00> : vector<400xf32>
    %reduce_sum3A_33 = vector.multi_reduction <add>, %add3A_32, %reduce_sum3A [1] : vector<400x256xf32> to vector<400xf32>
    %broadcast_in_dim3A = vector.shape_cast %reduce_sum3A_33 : vector<400xf32> to vector<400x1xf32>
    %div3A_34 = arith.constant 2.560000e+02 : f32
    %div3A_35 = vector.broadcast %div3A_34 : f32 to vector<400x1xf32>
    %div3A_36 = arith.divf %broadcast_in_dim3A, %div3A_35 : vector<400x1xf32>
    %sub3A = vector.broadcast %div3A_36 : vector<400x1xf32> to vector<400x256xf32>
    %sub3A_37 = arith.subf %add3A_32, %sub3A : vector<400x256xf32>
    %integer_pow3A = arith.mulf %sub3A_37, %sub3A_37 : vector<400x256xf32>
    %reduce_sum3A_38 = arith.constant dense<0.000000e+00> : vector<400xf32>
    %reduce_sum3A_39 = vector.multi_reduction <add>, %integer_pow3A, %reduce_sum3A_38 [1] : vector<400x256xf32> to vector<400xf32>
    %broadcast_in_dim3A_40 = vector.shape_cast %reduce_sum3A_39 : vector<400xf32> to vector<400x1xf32>
    %div3A_41 = arith.constant 2.560000e+02 : f32
    %div3A_42 = vector.broadcast %div3A_41 : f32 to vector<400x1xf32>
    %div3A_43 = arith.divf %broadcast_in_dim3A_40, %div3A_42 : vector<400x1xf32>
    %sub3A_44 = vector.broadcast %div3A_36 : vector<400x1xf32> to vector<400x256xf32>
    %sub3A_45 = arith.subf %add3A_32, %sub3A_44 : vector<400x256xf32>
    %add3A_46 = arith.constant 9.99999974E-6 : f32
    %add3A_47 = vector.broadcast %add3A_46 : f32 to vector<400x1xf32>
    %add3A_48 = arith.addf %div3A_43, %add3A_47 : vector<400x1xf32>
    %rsqrt3A = math.rsqrt %add3A_48 : vector<400x1xf32>
    %mul3A = vector.broadcast %rsqrt3A : vector<400x1xf32> to vector<400x256xf32>
    %mul3A_49 = arith.mulf %sub3A_45, %mul3A : vector<400x256xf32>
    %get3A_50 = arith.constant 0 : index
    %get3A_51 = arith.constant 0 : index
    %get3A_52 = vector.load %arg7[%get3A_50, %get3A_51] : memref<1x256xf32, #tpu.memory_space<vmem>>, vector<1x256xf32>
    %mul3A_53 = vector.broadcast %get3A_52 : vector<1x256xf32> to vector<400x256xf32>
    %mul3A_54 = arith.mulf %mul3A_49, %mul3A_53 : vector<400x256xf32>
    %get3A_55 = arith.constant 0 : index
    %get3A_56 = arith.constant 0 : index
    %get3A_57 = vector.load %arg8[%get3A_55, %get3A_56] : memref<1x256xf32, #tpu.memory_space<vmem>>, vector<1x256xf32>
    %add3A_58 = vector.broadcast %get3A_57 : vector<1x256xf32> to vector<400x256xf32>
    %add3A_59 = arith.addf %mul3A_54, %add3A_58 : vector<400x256xf32>
    %max3A_60 = arith.constant 0.000000e+00 : f32
    %max3A_61 = vector.broadcast %max3A_60 : f32 to vector<400x256xf32>
    %max3A_62 = arith.maximumf %add3A_59, %max3A_61 : vector<400x256xf32>
    %slice3A = vector.extract_strided_slice %max3A_62 {offsets = [0, 0], sizes = [400, 128], strides = [1, 1]} : vector<400x256xf32> to vector<400x128xf32>
    %swap3A = arith.constant 0 : index
    %swap3A_63 = arith.constant 0 : index
    %swap3A_64 = arith.constant 0 : index
    %swap3A_65 = vector.load %arg9[%swap3A, %swap3A_63, %swap3A_64] : memref<2x400x128xf32, #tpu.memory_space<vmem>>, vector<1x400x128xf32>
    %swap3A_66 = vector.shape_cast %swap3A_65 : vector<1x400x128xf32> to vector<400x128xf32>
    %swap3A_67 = vector.shape_cast %slice3A : vector<400x128xf32> to vector<1x400x128xf32>
    tpu.vector_store %arg9[%swap3A, %swap3A_63, %swap3A_64], %swap3A_67 {strides = array<i32>} : memref<2x400x128xf32, #tpu.memory_space<vmem>>, vector<1x400x128xf32>,
    %slice3A_68 = vector.extract_strided_slice %max3A_62 {offsets = [0, 128], sizes = [400, 128], strides = [1, 1]} : vector<400x256xf32> to vector<400x128xf32>
    %swap3A_69 = arith.constant 1 : index
    %swap3A_70 = arith.constant 0 : index
    %swap3A_71 = arith.constant 0 : index
    %swap3A_72 = vector.load %arg9[%swap3A_69, %swap3A_70, %swap3A_71] : memref<2x400x128xf32, #tpu.memory_space<vmem>>, vector<1x400x128xf32>
    %swap3A_73 = vector.shape_cast %swap3A_72 : vector<1x400x128xf32> to vector<400x128xf32>
    %swap3A_74 = vector.shape_cast %slice3A_68 : vector<400x128xf32> to vector<1x400x128xf32>
    tpu.vector_store %arg9[%swap3A_69, %swap3A_70, %swap3A_71], %swap3A_74 {strides = array<i32>} : memref<2x400x128xf32, #tpu.memory_space<vmem>>, vector<1x400x128xf32>,
    return
  }
  func.func @transform_0(%arg0: i32) -> (i32, i32, i32) {
    %c0_i32 = arith.constant 0 : i32
    %c0_i32_0 = arith.constant 0 : i32
    %c0_i32_1 = arith.constant 0 : i32
    return %c0_i32, %arg0, %c0_i32_0 : i32, i32, i32
  }
  func.func @transform_1(%arg0: i32) -> (i32, i32) {
    %c0_i32 = arith.constant 0 : i32
    %c0_i32_0 = arith.constant 0 : i32
    return %arg0, %c0_i32 : i32, i32
  }
  func.func @transform_2(%arg0: i32) -> (i32, i32) {
    %c0_i32 = arith.constant 0 : i32
    %c0_i32_0 = arith.constant 0 : i32
    return %arg0, %c0_i32 : i32, i32
  }
  func.func @transform_3(%arg0: i32) -> (i32, i32) {
    %c0_i32 = arith.constant 0 : i32
    %c0_i32_0 = arith.constant 0 : i32
    %c0_i32_1 = arith.constant 0 : i32
    return %c0_i32, %c0_i32_0 : i32, i32
  }
  func.func @transform_4(%arg0: i32) -> (i32, i32) {
    %c0_i32 = arith.constant 0 : i32
    %c0_i32_0 = arith.constant 0 : i32
    %c0_i32_1 = arith.constant 0 : i32
    return %c0_i32, %c0_i32_0 : i32, i32
  }
  func.func @transform_5(%arg0: i32) -> (i32, i32) {
    %c0_i32 = arith.constant 0 : i32
    %c0_i32_0 = arith.constant 0 : i32
    %c0_i32_1 = arith.constant 0 : i32
    return %c0_i32, %c0_i32_0 : i32, i32
  }
  func.func @transform_6(%arg0: i32) -> (i32, i32) {
    %c0_i32 = arith.constant 0 : i32
    %c0_i32_0 = arith.constant 0 : i32
    %c0_i32_1 = arith.constant 0 : i32
    return %c0_i32, %c0_i32_0 : i32, i32
  }
  func.func @transform_7(%arg0: i32) -> (i32, i32) {
    %c0_i32 = arith.constant 0 : i32
    %c0_i32_0 = arith.constant 0 : i32
    %c0_i32_1 = arith.constant 0 : i32
    return %c0_i32, %c0_i32_0 : i32, i32
  }
  func.func @transform_8(%arg0: i32) -> (i32, i32, i32) {
    %c0_i32 = arith.constant 0 : i32
    %c0_i32_0 = arith.constant 0 : i32
    %c0_i32_1 = arith.constant 0 : i32
    return %c0_i32, %arg0, %c0_i32_0 : i32, i32, i32
  }
}

module attributes {stable_mosaic.version = 14 : i64} {
  func.func @_dense2_body(%arg0: i32, %arg1: memref<2x400x128xf32, #tpu.memory_space<vmem>>, %arg2: memref<2x400x128xf32, #tpu.memory_space<vmem>>, %arg3: memref<400x1xf32, #tpu.memory_space<vmem>>, %arg4: memref<2x400x128xf32, #tpu.memory_space<vmem>>, %arg5: memref<256x256xf32, #tpu.memory_space<vmem>>, %arg6: memref<256x256xf32, #tpu.memory_space<vmem>>, %arg7: memref<1x256xf32, #tpu.memory_space<vmem>>, %arg8: memref<1x256xf32, #tpu.memory_space<vmem>>, %arg9: memref<1x256xf32, #tpu.memory_space<vmem>>, %arg10: memref<1x1x256xf32, #tpu.memory_space<vmem>>) attributes {dimension_semantics = [#tpu.dimension_semantics<arbitrary>], iteration_bounds = array<i64: 25>, scalar_prefetch = 0 : i64, scratch_operands = 0 : i64, tpu.core_type = #tpu.core_type<tc>, window_params = [{transform_indices = @transform_0, window_bounds = array<i64: 2, 400, 128>}, {transform_indices = @transform_1, window_bounds = array<i64: 2, 400, 128>}, {transform_indices = @transform_2, window_bounds = array<i64: 400, 1>}, {transform_indices = @transform_3, window_bounds = array<i64: 2, 400, 128>}, {pipeline_mode = #tpu.pipeline_mode<synchronous>, transform_indices = @transform_4, window_bounds = array<i64: 256, 256>}, {pipeline_mode = #tpu.pipeline_mode<synchronous>, transform_indices = @transform_5, window_bounds = array<i64: 256, 256>}, {pipeline_mode = #tpu.pipeline_mode<synchronous>, transform_indices = @transform_6, window_bounds = array<i64: 1, 256>}, {pipeline_mode = #tpu.pipeline_mode<synchronous>, transform_indices = @transform_7, window_bounds = array<i64: 1, 256>}, {pipeline_mode = #tpu.pipeline_mode<synchronous>, transform_indices = @transform_8, window_bounds = array<i64: 1, 256>}, {pipeline_mode = #tpu.pipeline_mode<synchronous>, transform_indices = @transform_9, window_bounds = array<i64: 1, 1, 256>}]} {
    %get3A = arith.constant 0 : index
    %get3A_0 = arith.constant 0 : index
    %get3A_1 = vector.load %arg3[%get3A, %get3A_0] : memref<400x1xf32, #tpu.memory_space<vmem>>, vector<400x1xf32>
    %max3A = arith.constant 1.000000e+00 : f32
    %max3A_2 = vector.broadcast %max3A : f32 to vector<400x1xf32>
    %max3A_3 = arith.maximumf %get3A_1, %max3A_2 : vector<400x1xf32>
    %get3A_4 = arith.constant 0 : index
    %get3A_5 = arith.constant 0 : index
    %get3A_6 = arith.constant 0 : index
    %get3A_7 = vector.load %arg1[%get3A_4, %get3A_5, %get3A_6] : memref<2x400x128xf32, #tpu.memory_space<vmem>>, vector<1x400x128xf32>
    %get3A_8 = vector.shape_cast %get3A_7 : vector<1x400x128xf32> to vector<400x128xf32>
    %get3A_9 = arith.constant 1 : index
    %get3A_10 = arith.constant 0 : index
    %get3A_11 = arith.constant 0 : index
    %get3A_12 = vector.load %arg1[%get3A_9, %get3A_10, %get3A_11] : memref<2x400x128xf32, #tpu.memory_space<vmem>>, vector<1x400x128xf32>
    %get3A_13 = vector.shape_cast %get3A_12 : vector<1x400x128xf32> to vector<400x128xf32>
    %concatenate3A = tpu.concatenate %get3A_8, %get3A_13 in 1 : vector<400x128xf32>, vector<400x128xf32> -> vector<400x256xf32>
    %get3A_14 = arith.constant 0 : index
    %get3A_15 = arith.constant 0 : index
    %get3A_16 = arith.constant 0 : index
    %get3A_17 = vector.load %arg2[%get3A_14, %get3A_15, %get3A_16] : memref<2x400x128xf32, #tpu.memory_space<vmem>>, vector<1x400x128xf32>
    %get3A_18 = vector.shape_cast %get3A_17 : vector<1x400x128xf32> to vector<400x128xf32>
    %get3A_19 = arith.constant 1 : index
    %get3A_20 = arith.constant 0 : index
    %get3A_21 = arith.constant 0 : index
    %get3A_22 = vector.load %arg2[%get3A_19, %get3A_20, %get3A_21] : memref<2x400x128xf32, #tpu.memory_space<vmem>>, vector<1x400x128xf32>
    %get3A_23 = vector.shape_cast %get3A_22 : vector<1x400x128xf32> to vector<400x128xf32>
    %concatenate3A_24 = tpu.concatenate %get3A_18, %get3A_23 in 1 : vector<400x128xf32>, vector<400x128xf32> -> vector<400x256xf32>
    %add3A = arith.addf %concatenate3A, %concatenate3A_24 : vector<400x256xf32>
    %div3A = vector.broadcast %max3A_3 : vector<400x1xf32> to vector<400x256xf32>
    %div3A_25 = arith.divf %add3A, %div3A : vector<400x256xf32>
    %get3A_26 = arith.constant 0 : index
    %get3A_27 = arith.constant 0 : index
    %get3A_28 = arith.constant 0 : index
    %get3A_29 = vector.load %arg4[%get3A_26, %get3A_27, %get3A_28] : memref<2x400x128xf32, #tpu.memory_space<vmem>>, vector<1x400x128xf32>
    %get3A_30 = vector.shape_cast %get3A_29 : vector<1x400x128xf32> to vector<400x128xf32>
    %get3A_31 = arith.constant 1 : index
    %get3A_32 = arith.constant 0 : index
    %get3A_33 = arith.constant 0 : index
    %get3A_34 = vector.load %arg4[%get3A_31, %get3A_32, %get3A_33] : memref<2x400x128xf32, #tpu.memory_space<vmem>>, vector<1x400x128xf32>
    %get3A_35 = vector.shape_cast %get3A_34 : vector<1x400x128xf32> to vector<400x128xf32>
    %concatenate3A_36 = tpu.concatenate %get3A_30, %get3A_35 in 1 : vector<400x128xf32>, vector<400x128xf32> -> vector<400x256xf32>
    %get3A_37 = arith.constant 0 : index
    %get3A_38 = arith.constant 0 : index
    %get3A_39 = vector.load %arg5[%get3A_37, %get3A_38] : memref<256x256xf32, #tpu.memory_space<vmem>>, vector<256x256xf32>
    %dot_general3A = arith.constant dense<0.000000e+00> : vector<400x256xf32>
    %dot_general3A_40 = tpu.matmul %div3A_25, %get3A_39, %dot_general3A {dimension_numbers = #tpu.dot_dimension_numbers<[1], [0], [0], [1], [0, 0, 1, 1], [], []>, transpose_lhs_hint = false} : vector<400x256xf32>, vector<256x256xf32>, vector<400x256xf32> -> vector<400x256xf32>
    %get3A_41 = arith.constant 0 : index
    %get3A_42 = arith.constant 0 : index
    %get3A_43 = vector.load %arg6[%get3A_41, %get3A_42] : memref<256x256xf32, #tpu.memory_space<vmem>>, vector<256x256xf32>
    %dot_general3A_44 = arith.constant dense<0.000000e+00> : vector<400x256xf32>
    %dot_general3A_45 = tpu.matmul %concatenate3A_36, %get3A_43, %dot_general3A_44 {dimension_numbers = #tpu.dot_dimension_numbers<[1], [0], [0], [1], [0, 0, 1, 1], [], []>, transpose_lhs_hint = false} : vector<400x256xf32>, vector<256x256xf32>, vector<400x256xf32> -> vector<400x256xf32>
    %add3A_46 = arith.addf %dot_general3A_40, %dot_general3A_45 : vector<400x256xf32>
    %get3A_47 = arith.constant 0 : index
    %get3A_48 = arith.constant 0 : index
    %get3A_49 = vector.load %arg7[%get3A_47, %get3A_48] : memref<1x256xf32, #tpu.memory_space<vmem>>, vector<1x256xf32>
    %add3A_50 = vector.broadcast %get3A_49 : vector<1x256xf32> to vector<400x256xf32>
    %add3A_51 = arith.addf %add3A_46, %add3A_50 : vector<400x256xf32>
    %reduce_sum3A = arith.constant dense<0.000000e+00> : vector<400xf32>
    %reduce_sum3A_52 = vector.multi_reduction <add>, %add3A_51, %reduce_sum3A [1] : vector<400x256xf32> to vector<400xf32>
    %broadcast_in_dim3A = vector.shape_cast %reduce_sum3A_52 : vector<400xf32> to vector<400x1xf32>
    %div3A_53 = arith.constant 2.560000e+02 : f32
    %div3A_54 = vector.broadcast %div3A_53 : f32 to vector<400x1xf32>
    %div3A_55 = arith.divf %broadcast_in_dim3A, %div3A_54 : vector<400x1xf32>
    %sub3A = vector.broadcast %div3A_55 : vector<400x1xf32> to vector<400x256xf32>
    %sub3A_56 = arith.subf %add3A_51, %sub3A : vector<400x256xf32>
    %integer_pow3A = arith.mulf %sub3A_56, %sub3A_56 : vector<400x256xf32>
    %reduce_sum3A_57 = arith.constant dense<0.000000e+00> : vector<400xf32>
    %reduce_sum3A_58 = vector.multi_reduction <add>, %integer_pow3A, %reduce_sum3A_57 [1] : vector<400x256xf32> to vector<400xf32>
    %broadcast_in_dim3A_59 = vector.shape_cast %reduce_sum3A_58 : vector<400xf32> to vector<400x1xf32>
    %div3A_60 = arith.constant 2.560000e+02 : f32
    %div3A_61 = vector.broadcast %div3A_60 : f32 to vector<400x1xf32>
    %div3A_62 = arith.divf %broadcast_in_dim3A_59, %div3A_61 : vector<400x1xf32>
    %sub3A_63 = vector.broadcast %div3A_55 : vector<400x1xf32> to vector<400x256xf32>
    %sub3A_64 = arith.subf %add3A_51, %sub3A_63 : vector<400x256xf32>
    %add3A_65 = arith.constant 9.99999974E-6 : f32
    %add3A_66 = vector.broadcast %add3A_65 : f32 to vector<400x1xf32>
    %add3A_67 = arith.addf %div3A_62, %add3A_66 : vector<400x1xf32>
    %rsqrt3A = math.rsqrt %add3A_67 : vector<400x1xf32>
    %mul3A = vector.broadcast %rsqrt3A : vector<400x1xf32> to vector<400x256xf32>
    %mul3A_68 = arith.mulf %sub3A_64, %mul3A : vector<400x256xf32>
    %get3A_69 = arith.constant 0 : index
    %get3A_70 = arith.constant 0 : index
    %get3A_71 = vector.load %arg8[%get3A_69, %get3A_70] : memref<1x256xf32, #tpu.memory_space<vmem>>, vector<1x256xf32>
    %mul3A_72 = vector.broadcast %get3A_71 : vector<1x256xf32> to vector<400x256xf32>
    %mul3A_73 = arith.mulf %mul3A_68, %mul3A_72 : vector<400x256xf32>
    %get3A_74 = arith.constant 0 : index
    %get3A_75 = arith.constant 0 : index
    %get3A_76 = vector.load %arg9[%get3A_74, %get3A_75] : memref<1x256xf32, #tpu.memory_space<vmem>>, vector<1x256xf32>
    %add3A_77 = vector.broadcast %get3A_76 : vector<1x256xf32> to vector<400x256xf32>
    %add3A_78 = arith.addf %mul3A_73, %add3A_77 : vector<400x256xf32>
    %max3A_79 = arith.constant 0.000000e+00 : f32
    %max3A_80 = vector.broadcast %max3A_79 : f32 to vector<400x256xf32>
    %max3A_81 = arith.maximumf %add3A_78, %max3A_80 : vector<400x256xf32>
    %reduce_sum3A_82 = arith.constant dense<0.000000e+00> : vector<256xf32>
    %reduce_sum3A_83 = vector.multi_reduction <add>, %max3A_81, %reduce_sum3A_82 [0] : vector<400x256xf32> to vector<256xf32>
    %broadcast_in_dim3A_84 = vector.shape_cast %reduce_sum3A_83 : vector<256xf32> to vector<1x256xf32>
    %broadcast_in_dim3A_85 = vector.shape_cast %broadcast_in_dim3A_84 : vector<1x256xf32> to vector<1x1x256xf32>
    %mul3A_86 = arith.constant 9.99999974E-5 : f32
    %mul3A_87 = vector.broadcast %mul3A_86 : f32 to vector<1x1x256xf32>
    %mul3A_88 = arith.mulf %broadcast_in_dim3A_85, %mul3A_87 : vector<1x1x256xf32>
    %eq3A = arith.constant 0 : i32
    %eq3A_89 = arith.cmpi eq, %arg0, %eq3A : i32
    %convert_element_type3A = arith.extui %eq3A_89 : i1 to i32
    %cond3A = arith.constant 0 : i32
    %cond3A_90 = arith.cmpi ne, %convert_element_type3A, %cond3A : i32
    scf.if %cond3A_90 {
      %broadcast_in_dim3A_99 = arith.constant 0.000000e+00 : f32
      %broadcast_in_dim3A_100 = vector.broadcast %broadcast_in_dim3A_99 : f32 to vector<1x1x256xf32>
      %swap3A_101 = arith.constant 0 : index
      %swap3A_102 = arith.constant 0 : index
      %swap3A_103 = arith.constant 0 : index
      %swap3A_104 = vector.load %arg10[%swap3A_101, %swap3A_102, %swap3A_103] : memref<1x1x256xf32, #tpu.memory_space<vmem>>, vector<1x1x256xf32>
      tpu.vector_store %arg10[%swap3A_101, %swap3A_102, %swap3A_103], %broadcast_in_dim3A_100 {strides = array<i32>} : memref<1x1x256xf32, #tpu.memory_space<vmem>>, vector<1x1x256xf32>,
    } else {
    }
    %get3A_91 = arith.constant 0 : index
    %get3A_92 = arith.constant 0 : index
    %get3A_93 = arith.constant 0 : index
    %get3A_94 = vector.load %arg10[%get3A_91, %get3A_92, %get3A_93] : memref<1x1x256xf32, #tpu.memory_space<vmem>>, vector<1x1x256xf32>
    %add3A_95 = arith.addf %get3A_94, %mul3A_88 : vector<1x1x256xf32>
    %swap3A = arith.constant 0 : index
    %swap3A_96 = arith.constant 0 : index
    %swap3A_97 = arith.constant 0 : index
    %swap3A_98 = vector.load %arg10[%swap3A, %swap3A_96, %swap3A_97] : memref<1x1x256xf32, #tpu.memory_space<vmem>>, vector<1x1x256xf32>
    tpu.vector_store %arg10[%swap3A, %swap3A_96, %swap3A_97], %add3A_95 {strides = array<i32>} : memref<1x1x256xf32, #tpu.memory_space<vmem>>, vector<1x1x256xf32>,
    return
  }
  func.func @transform_0(%arg0: i32) -> (i32, i32, i32) {
    %c0_i32 = arith.constant 0 : i32
    %c0_i32_0 = arith.constant 0 : i32
    %c0_i32_1 = arith.constant 0 : i32
    return %c0_i32, %arg0, %c0_i32_0 : i32, i32, i32
  }
  func.func @transform_1(%arg0: i32) -> (i32, i32, i32) {
    %c0_i32 = arith.constant 0 : i32
    %c0_i32_0 = arith.constant 0 : i32
    %c0_i32_1 = arith.constant 0 : i32
    return %c0_i32, %arg0, %c0_i32_0 : i32, i32, i32
  }
  func.func @transform_2(%arg0: i32) -> (i32, i32) {
    %c0_i32 = arith.constant 0 : i32
    %c0_i32_0 = arith.constant 0 : i32
    return %arg0, %c0_i32 : i32, i32
  }
  func.func @transform_3(%arg0: i32) -> (i32, i32, i32) {
    %c0_i32 = arith.constant 0 : i32
    %c0_i32_0 = arith.constant 0 : i32
    %c0_i32_1 = arith.constant 0 : i32
    return %c0_i32, %arg0, %c0_i32_0 : i32, i32, i32
  }
  func.func @transform_4(%arg0: i32) -> (i32, i32) {
    %c0_i32 = arith.constant 0 : i32
    %c0_i32_0 = arith.constant 0 : i32
    %c0_i32_1 = arith.constant 0 : i32
    return %c0_i32, %c0_i32_0 : i32, i32
  }
  func.func @transform_5(%arg0: i32) -> (i32, i32) {
    %c0_i32 = arith.constant 0 : i32
    %c0_i32_0 = arith.constant 0 : i32
    %c0_i32_1 = arith.constant 0 : i32
    return %c0_i32, %c0_i32_0 : i32, i32
  }
  func.func @transform_6(%arg0: i32) -> (i32, i32) {
    %c0_i32 = arith.constant 0 : i32
    %c0_i32_0 = arith.constant 0 : i32
    %c0_i32_1 = arith.constant 0 : i32
    return %c0_i32, %c0_i32_0 : i32, i32
  }
  func.func @transform_7(%arg0: i32) -> (i32, i32) {
    %c0_i32 = arith.constant 0 : i32
    %c0_i32_0 = arith.constant 0 : i32
    %c0_i32_1 = arith.constant 0 : i32
    return %c0_i32, %c0_i32_0 : i32, i32
  }
  func.func @transform_8(%arg0: i32) -> (i32, i32) {
    %c0_i32 = arith.constant 0 : i32
    %c0_i32_0 = arith.constant 0 : i32
    %c0_i32_1 = arith.constant 0 : i32
    return %c0_i32, %c0_i32_0 : i32, i32
  }
  func.func @transform_9(%arg0: i32) -> (i32, i32, i32) {
    %c0_i32 = arith.constant 0 : i32
    %c0_i32_0 = arith.constant 0 : i32
    %c0_i32_1 = arith.constant 0 : i32
    %c0_i32_2 = arith.constant 0 : i32
    return %c0_i32, %c0_i32_0, %c0_i32_1 : i32, i32, i32
  }
}

module attributes {stable_mosaic.version = 14 : i64} {
  func.func @_gru_body(%arg0: memref<2x4x256xf32, #tpu.memory_space<vmem>>, %arg1: memref<256x768xf32, #tpu.memory_space<vmem>>, %arg2: memref<256x768xf32, #tpu.memory_space<vmem>>, %arg3: memref<1x768xf32, #tpu.memory_space<vmem>>, %arg4: memref<1x768xf32, #tpu.memory_space<vmem>>, %arg5: memref<256x128xf32, #tpu.memory_space<vmem>>, %arg6: memref<1x128xf32, #tpu.memory_space<vmem>>, %arg7: memref<2x128xf32, #tpu.memory_space<vmem>>) attributes {dimension_semantics = [], scalar_prefetch = 0 : i64, scratch_operands = 0 : i64, tpu.core_type = #tpu.core_type<tc>} {
    %broadcast_in_dim3A = arith.constant 0.000000e+00 : f32
    %broadcast_in_dim3A_0 = vector.broadcast %broadcast_in_dim3A : f32 to vector<2x256xf32>
    %get3A = arith.constant 0 : index
    %get3A_1 = arith.constant 0 : index
    %get3A_2 = arith.constant 0 : index
    %get3A_3 = vector.load %arg0[%get3A, %get3A_1, %get3A_2] : memref<2x4x256xf32, #tpu.memory_space<vmem>>, vector<2x1x256xf32>
    %get3A_4 = vector.shape_cast %get3A_3 : vector<2x1x256xf32> to vector<2x256xf32>
    %get3A_5 = arith.constant 0 : index
    %get3A_6 = arith.constant 0 : index
    %get3A_7 = vector.load %arg1[%get3A_5, %get3A_6] : memref<256x768xf32, #tpu.memory_space<vmem>>, vector<256x768xf32>
    %dot_general3A = arith.constant dense<0.000000e+00> : vector<2x768xf32>
    %dot_general3A_8 = tpu.matmul %get3A_4, %get3A_7, %dot_general3A {dimension_numbers = #tpu.dot_dimension_numbers<[1], [0], [0], [1], [0, 0, 1, 1], [], []>, transpose_lhs_hint = false} : vector<2x256xf32>, vector<256x768xf32>, vector<2x768xf32> -> vector<2x768xf32>
    %get3A_9 = arith.constant 0 : index
    %get3A_10 = arith.constant 0 : index
    %get3A_11 = vector.load %arg3[%get3A_9, %get3A_10] : memref<1x768xf32, #tpu.memory_space<vmem>>, vector<1x768xf32>
    %add3A = vector.broadcast %get3A_11 : vector<1x768xf32> to vector<2x768xf32>
    %add3A_12 = arith.addf %dot_general3A_8, %add3A : vector<2x768xf32>
    %get3A_13 = arith.constant 0 : index
    %get3A_14 = arith.constant 0 : index
    %get3A_15 = vector.load %arg2[%get3A_13, %get3A_14] : memref<256x768xf32, #tpu.memory_space<vmem>>, vector<256x768xf32>
    %dot_general3A_16 = arith.constant dense<0.000000e+00> : vector<2x768xf32>
    %dot_general3A_17 = tpu.matmul %broadcast_in_dim3A_0, %get3A_15, %dot_general3A_16 {dimension_numbers = #tpu.dot_dimension_numbers<[1], [0], [0], [1], [0, 0, 1, 1], [], []>, transpose_lhs_hint = false} : vector<2x256xf32>, vector<256x768xf32>, vector<2x768xf32> -> vector<2x768xf32>
    %get3A_18 = arith.constant 0 : index
    %get3A_19 = arith.constant 0 : index
    %get3A_20 = vector.load %arg4[%get3A_18, %get3A_19] : memref<1x768xf32, #tpu.memory_space<vmem>>, vector<1x768xf32>
    %add3A_21 = vector.broadcast %get3A_20 : vector<1x768xf32> to vector<2x768xf32>
    %add3A_22 = arith.addf %dot_general3A_17, %add3A_21 : vector<2x768xf32>
    %slice3A = vector.extract_strided_slice %add3A_12 {offsets = [0, 0], sizes = [2, 256], strides = [1, 1]} : vector<2x768xf32> to vector<2x256xf32>
    %slice3A_23 = vector.extract_strided_slice %add3A_12 {offsets = [0, 256], sizes = [2, 256], strides = [1, 1]} : vector<2x768xf32> to vector<2x256xf32>
    %slice3A_24 = vector.extract_strided_slice %add3A_12 {offsets = [0, 512], sizes = [2, 256], strides = [1, 1]} : vector<2x768xf32> to vector<2x256xf32>
    %slice3A_25 = vector.extract_strided_slice %add3A_22 {offsets = [0, 0], sizes = [2, 256], strides = [1, 1]} : vector<2x768xf32> to vector<2x256xf32>
    %slice3A_26 = vector.extract_strided_slice %add3A_22 {offsets = [0, 256], sizes = [2, 256], strides = [1, 1]} : vector<2x768xf32> to vector<2x256xf32>
    %slice3A_27 = vector.extract_strided_slice %add3A_22 {offsets = [0, 512], sizes = [2, 256], strides = [1, 1]} : vector<2x768xf32> to vector<2x256xf32>
    %add3A_28 = arith.addf %slice3A, %slice3A_25 : vector<2x256xf32>
    %logistic3A = arith.negf %add3A_28 : vector<2x256xf32>
    %logistic3A_29 = math.exp %logistic3A : vector<2x256xf32>
    %logistic3A_30 = arith.constant 1.000000e+00 : f32
    %logistic3A_31 = vector.broadcast %logistic3A_30 : f32 to vector<2x256xf32>
    %logistic3A_32 = arith.addf %logistic3A_31, %logistic3A_29 : vector<2x256xf32>
    %logistic3A_33 = arith.divf %logistic3A_31, %logistic3A_32 : vector<2x256xf32>
    %add3A_34 = arith.addf %slice3A_23, %slice3A_26 : vector<2x256xf32>
    %logistic3A_35 = arith.negf %add3A_34 : vector<2x256xf32>
    %logistic3A_36 = math.exp %logistic3A_35 : vector<2x256xf32>
    %logistic3A_37 = arith.constant 1.000000e+00 : f32
    %logistic3A_38 = vector.broadcast %logistic3A_37 : f32 to vector<2x256xf32>
    %logistic3A_39 = arith.addf %logistic3A_38, %logistic3A_36 : vector<2x256xf32>
    %logistic3A_40 = arith.divf %logistic3A_38, %logistic3A_39 : vector<2x256xf32>
    %mul3A = arith.mulf %logistic3A_33, %slice3A_27 : vector<2x256xf32>
    %add3A_41 = arith.addf %slice3A_24, %mul3A : vector<2x256xf32>
    %tanh3A = math.tanh %add3A_41 : vector<2x256xf32>
    %sub3A = arith.constant 1.000000e+00 : f32
    %sub3A_42 = vector.broadcast %sub3A : f32 to vector<2x256xf32>
    %sub3A_43 = arith.subf %sub3A_42, %logistic3A_40 : vector<2x256xf32>
    %mul3A_44 = arith.mulf %sub3A_43, %tanh3A : vector<2x256xf32>
    %mul3A_45 = arith.mulf %logistic3A_40, %broadcast_in_dim3A_0 : vector<2x256xf32>
    %add3A_46 = arith.addf %mul3A_44, %mul3A_45 : vector<2x256xf32>
    %get3A_47 = arith.constant 0 : index
    %get3A_48 = arith.constant 1 : index
    %get3A_49 = arith.constant 0 : index
    %get3A_50 = vector.load %arg0[%get3A_47, %get3A_48, %get3A_49] : memref<2x4x256xf32, #tpu.memory_space<vmem>>, vector<2x1x256xf32>
    %get3A_51 = vector.shape_cast %get3A_50 : vector<2x1x256xf32> to vector<2x256xf32>
    %get3A_52 = arith.constant 0 : index
    %get3A_53 = arith.constant 0 : index
    %get3A_54 = vector.load %arg1[%get3A_52, %get3A_53] : memref<256x768xf32, #tpu.memory_space<vmem>>, vector<256x768xf32>
    %dot_general3A_55 = arith.constant dense<0.000000e+00> : vector<2x768xf32>
    %dot_general3A_56 = tpu.matmul %get3A_51, %get3A_54, %dot_general3A_55 {dimension_numbers = #tpu.dot_dimension_numbers<[1], [0], [0], [1], [0, 0, 1, 1], [], []>, transpose_lhs_hint = false} : vector<2x256xf32>, vector<256x768xf32>, vector<2x768xf32> -> vector<2x768xf32>
    %get3A_57 = arith.constant 0 : index
    %get3A_58 = arith.constant 0 : index
    %get3A_59 = vector.load %arg3[%get3A_57, %get3A_58] : memref<1x768xf32, #tpu.memory_space<vmem>>, vector<1x768xf32>
    %add3A_60 = vector.broadcast %get3A_59 : vector<1x768xf32> to vector<2x768xf32>
    %add3A_61 = arith.addf %dot_general3A_56, %add3A_60 : vector<2x768xf32>
    %get3A_62 = arith.constant 0 : index
    %get3A_63 = arith.constant 0 : index
    %get3A_64 = vector.load %arg2[%get3A_62, %get3A_63] : memref<256x768xf32, #tpu.memory_space<vmem>>, vector<256x768xf32>
    %dot_general3A_65 = arith.constant dense<0.000000e+00> : vector<2x768xf32>
    %dot_general3A_66 = tpu.matmul %add3A_46, %get3A_64, %dot_general3A_65 {dimension_numbers = #tpu.dot_dimension_numbers<[1], [0], [0], [1], [0, 0, 1, 1], [], []>, transpose_lhs_hint = false} : vector<2x256xf32>, vector<256x768xf32>, vector<2x768xf32> -> vector<2x768xf32>
    %get3A_67 = arith.constant 0 : index
    %get3A_68 = arith.constant 0 : index
    %get3A_69 = vector.load %arg4[%get3A_67, %get3A_68] : memref<1x768xf32, #tpu.memory_space<vmem>>, vector<1x768xf32>
    %add3A_70 = vector.broadcast %get3A_69 : vector<1x768xf32> to vector<2x768xf32>
    %add3A_71 = arith.addf %dot_general3A_66, %add3A_70 : vector<2x768xf32>
    %slice3A_72 = vector.extract_strided_slice %add3A_61 {offsets = [0, 0], sizes = [2, 256], strides = [1, 1]} : vector<2x768xf32> to vector<2x256xf32>
    %slice3A_73 = vector.extract_strided_slice %add3A_61 {offsets = [0, 256], sizes = [2, 256], strides = [1, 1]} : vector<2x768xf32> to vector<2x256xf32>
    %slice3A_74 = vector.extract_strided_slice %add3A_61 {offsets = [0, 512], sizes = [2, 256], strides = [1, 1]} : vector<2x768xf32> to vector<2x256xf32>
    %slice3A_75 = vector.extract_strided_slice %add3A_71 {offsets = [0, 0], sizes = [2, 256], strides = [1, 1]} : vector<2x768xf32> to vector<2x256xf32>
    %slice3A_76 = vector.extract_strided_slice %add3A_71 {offsets = [0, 256], sizes = [2, 256], strides = [1, 1]} : vector<2x768xf32> to vector<2x256xf32>
    %slice3A_77 = vector.extract_strided_slice %add3A_71 {offsets = [0, 512], sizes = [2, 256], strides = [1, 1]} : vector<2x768xf32> to vector<2x256xf32>
    %add3A_78 = arith.addf %slice3A_72, %slice3A_75 : vector<2x256xf32>
    %logistic3A_79 = arith.negf %add3A_78 : vector<2x256xf32>
    %logistic3A_80 = math.exp %logistic3A_79 : vector<2x256xf32>
    %logistic3A_81 = arith.constant 1.000000e+00 : f32
    %logistic3A_82 = vector.broadcast %logistic3A_81 : f32 to vector<2x256xf32>
    %logistic3A_83 = arith.addf %logistic3A_82, %logistic3A_80 : vector<2x256xf32>
    %logistic3A_84 = arith.divf %logistic3A_82, %logistic3A_83 : vector<2x256xf32>
    %add3A_85 = arith.addf %slice3A_73, %slice3A_76 : vector<2x256xf32>
    %logistic3A_86 = arith.negf %add3A_85 : vector<2x256xf32>
    %logistic3A_87 = math.exp %logistic3A_86 : vector<2x256xf32>
    %logistic3A_88 = arith.constant 1.000000e+00 : f32
    %logistic3A_89 = vector.broadcast %logistic3A_88 : f32 to vector<2x256xf32>
    %logistic3A_90 = arith.addf %logistic3A_89, %logistic3A_87 : vector<2x256xf32>
    %logistic3A_91 = arith.divf %logistic3A_89, %logistic3A_90 : vector<2x256xf32>
    %mul3A_92 = arith.mulf %logistic3A_84, %slice3A_77 : vector<2x256xf32>
    %add3A_93 = arith.addf %slice3A_74, %mul3A_92 : vector<2x256xf32>
    %tanh3A_94 = math.tanh %add3A_93 : vector<2x256xf32>
    %sub3A_95 = arith.constant 1.000000e+00 : f32
    %sub3A_96 = vector.broadcast %sub3A_95 : f32 to vector<2x256xf32>
    %sub3A_97 = arith.subf %sub3A_96, %logistic3A_91 : vector<2x256xf32>
    %mul3A_98 = arith.mulf %sub3A_97, %tanh3A_94 : vector<2x256xf32>
    %mul3A_99 = arith.mulf %logistic3A_91, %add3A_46 : vector<2x256xf32>
    %add3A_100 = arith.addf %mul3A_98, %mul3A_99 : vector<2x256xf32>
    %get3A_101 = arith.constant 0 : index
    %get3A_102 = arith.constant 2 : index
    %get3A_103 = arith.constant 0 : index
    %get3A_104 = vector.load %arg0[%get3A_101, %get3A_102, %get3A_103] : memref<2x4x256xf32, #tpu.memory_space<vmem>>, vector<2x1x256xf32>
    %get3A_105 = vector.shape_cast %get3A_104 : vector<2x1x256xf32> to vector<2x256xf32>
    %get3A_106 = arith.constant 0 : index
    %get3A_107 = arith.constant 0 : index
    %get3A_108 = vector.load %arg1[%get3A_106, %get3A_107] : memref<256x768xf32, #tpu.memory_space<vmem>>, vector<256x768xf32>
    %dot_general3A_109 = arith.constant dense<0.000000e+00> : vector<2x768xf32>
    %dot_general3A_110 = tpu.matmul %get3A_105, %get3A_108, %dot_general3A_109 {dimension_numbers = #tpu.dot_dimension_numbers<[1], [0], [0], [1], [0, 0, 1, 1], [], []>, transpose_lhs_hint = false} : vector<2x256xf32>, vector<256x768xf32>, vector<2x768xf32> -> vector<2x768xf32>
    %get3A_111 = arith.constant 0 : index
    %get3A_112 = arith.constant 0 : index
    %get3A_113 = vector.load %arg3[%get3A_111, %get3A_112] : memref<1x768xf32, #tpu.memory_space<vmem>>, vector<1x768xf32>
    %add3A_114 = vector.broadcast %get3A_113 : vector<1x768xf32> to vector<2x768xf32>
    %add3A_115 = arith.addf %dot_general3A_110, %add3A_114 : vector<2x768xf32>
    %get3A_116 = arith.constant 0 : index
    %get3A_117 = arith.constant 0 : index
    %get3A_118 = vector.load %arg2[%get3A_116, %get3A_117] : memref<256x768xf32, #tpu.memory_space<vmem>>, vector<256x768xf32>
    %dot_general3A_119 = arith.constant dense<0.000000e+00> : vector<2x768xf32>
    %dot_general3A_120 = tpu.matmul %add3A_100, %get3A_118, %dot_general3A_119 {dimension_numbers = #tpu.dot_dimension_numbers<[1], [0], [0], [1], [0, 0, 1, 1], [], []>, transpose_lhs_hint = false} : vector<2x256xf32>, vector<256x768xf32>, vector<2x768xf32> -> vector<2x768xf32>
    %get3A_121 = arith.constant 0 : index
    %get3A_122 = arith.constant 0 : index
    %get3A_123 = vector.load %arg4[%get3A_121, %get3A_122] : memref<1x768xf32, #tpu.memory_space<vmem>>, vector<1x768xf32>
    %add3A_124 = vector.broadcast %get3A_123 : vector<1x768xf32> to vector<2x768xf32>
    %add3A_125 = arith.addf %dot_general3A_120, %add3A_124 : vector<2x768xf32>
    %slice3A_126 = vector.extract_strided_slice %add3A_115 {offsets = [0, 0], sizes = [2, 256], strides = [1, 1]} : vector<2x768xf32> to vector<2x256xf32>
    %slice3A_127 = vector.extract_strided_slice %add3A_115 {offsets = [0, 256], sizes = [2, 256], strides = [1, 1]} : vector<2x768xf32> to vector<2x256xf32>
    %slice3A_128 = vector.extract_strided_slice %add3A_115 {offsets = [0, 512], sizes = [2, 256], strides = [1, 1]} : vector<2x768xf32> to vector<2x256xf32>
    %slice3A_129 = vector.extract_strided_slice %add3A_125 {offsets = [0, 0], sizes = [2, 256], strides = [1, 1]} : vector<2x768xf32> to vector<2x256xf32>
    %slice3A_130 = vector.extract_strided_slice %add3A_125 {offsets = [0, 256], sizes = [2, 256], strides = [1, 1]} : vector<2x768xf32> to vector<2x256xf32>
    %slice3A_131 = vector.extract_strided_slice %add3A_125 {offsets = [0, 512], sizes = [2, 256], strides = [1, 1]} : vector<2x768xf32> to vector<2x256xf32>
    %add3A_132 = arith.addf %slice3A_126, %slice3A_129 : vector<2x256xf32>
    %logistic3A_133 = arith.negf %add3A_132 : vector<2x256xf32>
    %logistic3A_134 = math.exp %logistic3A_133 : vector<2x256xf32>
    %logistic3A_135 = arith.constant 1.000000e+00 : f32
    %logistic3A_136 = vector.broadcast %logistic3A_135 : f32 to vector<2x256xf32>
    %logistic3A_137 = arith.addf %logistic3A_136, %logistic3A_134 : vector<2x256xf32>
    %logistic3A_138 = arith.divf %logistic3A_136, %logistic3A_137 : vector<2x256xf32>
    %add3A_139 = arith.addf %slice3A_127, %slice3A_130 : vector<2x256xf32>
    %logistic3A_140 = arith.negf %add3A_139 : vector<2x256xf32>
    %logistic3A_141 = math.exp %logistic3A_140 : vector<2x256xf32>
    %logistic3A_142 = arith.constant 1.000000e+00 : f32
    %logistic3A_143 = vector.broadcast %logistic3A_142 : f32 to vector<2x256xf32>
    %logistic3A_144 = arith.addf %logistic3A_143, %logistic3A_141 : vector<2x256xf32>
    %logistic3A_145 = arith.divf %logistic3A_143, %logistic3A_144 : vector<2x256xf32>
    %mul3A_146 = arith.mulf %logistic3A_138, %slice3A_131 : vector<2x256xf32>
    %add3A_147 = arith.addf %slice3A_128, %mul3A_146 : vector<2x256xf32>
    %tanh3A_148 = math.tanh %add3A_147 : vector<2x256xf32>
    %sub3A_149 = arith.constant 1.000000e+00 : f32
    %sub3A_150 = vector.broadcast %sub3A_149 : f32 to vector<2x256xf32>
    %sub3A_151 = arith.subf %sub3A_150, %logistic3A_145 : vector<2x256xf32>
    %mul3A_152 = arith.mulf %sub3A_151, %tanh3A_148 : vector<2x256xf32>
    %mul3A_153 = arith.mulf %logistic3A_145, %add3A_100 : vector<2x256xf32>
    %add3A_154 = arith.addf %mul3A_152, %mul3A_153 : vector<2x256xf32>
    %get3A_155 = arith.constant 0 : index
    %get3A_156 = arith.constant 3 : index
    %get3A_157 = arith.constant 0 : index
    %get3A_158 = vector.load %arg0[%get3A_155, %get3A_156, %get3A_157] : memref<2x4x256xf32, #tpu.memory_space<vmem>>, vector<2x1x256xf32>
    %get3A_159 = vector.shape_cast %get3A_158 : vector<2x1x256xf32> to vector<2x256xf32>
    %get3A_160 = arith.constant 0 : index
    %get3A_161 = arith.constant 0 : index
    %get3A_162 = vector.load %arg1[%get3A_160, %get3A_161] : memref<256x768xf32, #tpu.memory_space<vmem>>, vector<256x768xf32>
    %dot_general3A_163 = arith.constant dense<0.000000e+00> : vector<2x768xf32>
    %dot_general3A_164 = tpu.matmul %get3A_159, %get3A_162, %dot_general3A_163 {dimension_numbers = #tpu.dot_dimension_numbers<[1], [0], [0], [1], [0, 0, 1, 1], [], []>, transpose_lhs_hint = false} : vector<2x256xf32>, vector<256x768xf32>, vector<2x768xf32> -> vector<2x768xf32>
    %get3A_165 = arith.constant 0 : index
    %get3A_166 = arith.constant 0 : index
    %get3A_167 = vector.load %arg3[%get3A_165, %get3A_166] : memref<1x768xf32, #tpu.memory_space<vmem>>, vector<1x768xf32>
    %add3A_168 = vector.broadcast %get3A_167 : vector<1x768xf32> to vector<2x768xf32>
    %add3A_169 = arith.addf %dot_general3A_164, %add3A_168 : vector<2x768xf32>
    %get3A_170 = arith.constant 0 : index
    %get3A_171 = arith.constant 0 : index
    %get3A_172 = vector.load %arg2[%get3A_170, %get3A_171] : memref<256x768xf32, #tpu.memory_space<vmem>>, vector<256x768xf32>
    %dot_general3A_173 = arith.constant dense<0.000000e+00> : vector<2x768xf32>
    %dot_general3A_174 = tpu.matmul %add3A_154, %get3A_172, %dot_general3A_173 {dimension_numbers = #tpu.dot_dimension_numbers<[1], [0], [0], [1], [0, 0, 1, 1], [], []>, transpose_lhs_hint = false} : vector<2x256xf32>, vector<256x768xf32>, vector<2x768xf32> -> vector<2x768xf32>
    %get3A_175 = arith.constant 0 : index
    %get3A_176 = arith.constant 0 : index
    %get3A_177 = vector.load %arg4[%get3A_175, %get3A_176] : memref<1x768xf32, #tpu.memory_space<vmem>>, vector<1x768xf32>
    %add3A_178 = vector.broadcast %get3A_177 : vector<1x768xf32> to vector<2x768xf32>
    %add3A_179 = arith.addf %dot_general3A_174, %add3A_178 : vector<2x768xf32>
    %slice3A_180 = vector.extract_strided_slice %add3A_169 {offsets = [0, 0], sizes = [2, 256], strides = [1, 1]} : vector<2x768xf32> to vector<2x256xf32>
    %slice3A_181 = vector.extract_strided_slice %add3A_169 {offsets = [0, 256], sizes = [2, 256], strides = [1, 1]} : vector<2x768xf32> to vector<2x256xf32>
    %slice3A_182 = vector.extract_strided_slice %add3A_169 {offsets = [0, 512], sizes = [2, 256], strides = [1, 1]} : vector<2x768xf32> to vector<2x256xf32>
    %slice3A_183 = vector.extract_strided_slice %add3A_179 {offsets = [0, 0], sizes = [2, 256], strides = [1, 1]} : vector<2x768xf32> to vector<2x256xf32>
    %slice3A_184 = vector.extract_strided_slice %add3A_179 {offsets = [0, 256], sizes = [2, 256], strides = [1, 1]} : vector<2x768xf32> to vector<2x256xf32>
    %slice3A_185 = vector.extract_strided_slice %add3A_179 {offsets = [0, 512], sizes = [2, 256], strides = [1, 1]} : vector<2x768xf32> to vector<2x256xf32>
    %add3A_186 = arith.addf %slice3A_180, %slice3A_183 : vector<2x256xf32>
    %logistic3A_187 = arith.negf %add3A_186 : vector<2x256xf32>
    %logistic3A_188 = math.exp %logistic3A_187 : vector<2x256xf32>
    %logistic3A_189 = arith.constant 1.000000e+00 : f32
    %logistic3A_190 = vector.broadcast %logistic3A_189 : f32 to vector<2x256xf32>
    %logistic3A_191 = arith.addf %logistic3A_190, %logistic3A_188 : vector<2x256xf32>
    %logistic3A_192 = arith.divf %logistic3A_190, %logistic3A_191 : vector<2x256xf32>
    %add3A_193 = arith.addf %slice3A_181, %slice3A_184 : vector<2x256xf32>
    %logistic3A_194 = arith.negf %add3A_193 : vector<2x256xf32>
    %logistic3A_195 = math.exp %logistic3A_194 : vector<2x256xf32>
    %logistic3A_196 = arith.constant 1.000000e+00 : f32
    %logistic3A_197 = vector.broadcast %logistic3A_196 : f32 to vector<2x256xf32>
    %logistic3A_198 = arith.addf %logistic3A_197, %logistic3A_195 : vector<2x256xf32>
    %logistic3A_199 = arith.divf %logistic3A_197, %logistic3A_198 : vector<2x256xf32>
    %mul3A_200 = arith.mulf %logistic3A_192, %slice3A_185 : vector<2x256xf32>
    %add3A_201 = arith.addf %slice3A_182, %mul3A_200 : vector<2x256xf32>
    %tanh3A_202 = math.tanh %add3A_201 : vector<2x256xf32>
    %sub3A_203 = arith.constant 1.000000e+00 : f32
    %sub3A_204 = vector.broadcast %sub3A_203 : f32 to vector<2x256xf32>
    %sub3A_205 = arith.subf %sub3A_204, %logistic3A_199 : vector<2x256xf32>
    %mul3A_206 = arith.mulf %sub3A_205, %tanh3A_202 : vector<2x256xf32>
    %mul3A_207 = arith.mulf %logistic3A_199, %add3A_154 : vector<2x256xf32>
    %add3A_208 = arith.addf %mul3A_206, %mul3A_207 : vector<2x256xf32>
    %get3A_209 = arith.constant 0 : index
    %get3A_210 = arith.constant 0 : index
    %get3A_211 = vector.load %arg5[%get3A_209, %get3A_210] : memref<256x128xf32, #tpu.memory_space<vmem>>, vector<256x128xf32>
    %dot_general3A_212 = arith.constant dense<0.000000e+00> : vector<2x128xf32>
    %dot_general3A_213 = tpu.matmul %add3A_208, %get3A_211, %dot_general3A_212 {dimension_numbers = #tpu.dot_dimension_numbers<[1], [0], [0], [1], [0, 0, 1, 1], [], []>, transpose_lhs_hint = false} : vector<2x256xf32>, vector<256x128xf32>, vector<2x128xf32> -> vector<2x128xf32>
    %get3A_214 = arith.constant 0 : index
    %get3A_215 = arith.constant 0 : index
    %get3A_216 = vector.load %arg6[%get3A_214, %get3A_215] : memref<1x128xf32, #tpu.memory_space<vmem>>, vector<1x128xf32>
    %add3A_217 = vector.broadcast %get3A_216 : vector<1x128xf32> to vector<2x128xf32>
    %add3A_218 = arith.addf %dot_general3A_213, %add3A_217 : vector<2x128xf32>
    %swap3A = arith.constant 0 : index
    %swap3A_219 = arith.constant 0 : index
    %swap3A_220 = vector.load %arg7[%swap3A, %swap3A_219] : memref<2x128xf32, #tpu.memory_space<vmem>>, vector<2x128xf32>
    tpu.vector_store %arg7[%swap3A, %swap3A_219], %add3A_218 {strides = array<i32>} : memref<2x128xf32, #tpu.memory_space<vmem>>, vector<2x128xf32>,
    return
  }
}

</mosaic_0001>

<sc_bundles>
// kernel: closed_call.27.cloned.1.call-start
scs
__scs_entry_jumppad:
0x0: {  	(pc) =	sbr.rel $0x88, $3  }
0x1: {  	(tag) =	ssettag $0x0;
	lr =	simm.s32 $0x1  }
0x2: {  	[smem:$0x3F8D] =	sst lr;
	_ =	strace $0xD0000000  }
0x3: {  	_ = 	snop  }
0x4: {  	_ = 	snop  }
0x5: {  	_ = 	snop  }
0x6: {  	_ = 	snop  }
0x7: {  	_ = 	snop  }
__scs_overlays_trampoline_lowered:
0x8: {  	[smem:$0x3F9C] =	sst s0  }
0x9: {  	[smem:$0x3F9D] =	sst s1  }
0xa: {  	[smem:$0x3F9E] =	sst s2  }
0xb: {  	[smem:$0x3F9F] =	sst s3  }
0xc: {  	[smem:$0x3FA0] =	sst s4  }
0xd: {  	[smem:$0x3FA1] =	sst s5  }
0xe: {  	[smem:$0x3FA2] =	sst s6  }
0xf: {  	[smem:$0x3FA3] =	sst s7  }
0x10: {  	[smem:$0x3FA4] =	sst s8  }
0x11: {  	[smem:$0x3FA5] =	sst s9;
	s0 =	simm.s32 @!p0 $0x0  }
0x12: {  	s1 =	sld [smem:$0x3F8B];
	s0 =	simm.s32 @p0 $0x1  }
0x13: {  	[smem:$0x3FA6] =	sst s0;
	s0 =	simm.s32 @!p1 $0x0  }
0x14: {  	s2 =	sld [smem:$0x3F8A];
	s0 =	simm.s32 @p1 $0x1  }
0x15: {  	[smem:$0x3FA7] =	sst s0;
	s0 =	simm.s32 @!p2 $0x0  }
0x16: {  	s3 =	sld [smem:$0x3FDB];
	s0 =	simm.s32 @p2 $0x1  }
0x17: {  	s4 =	simm.s32 $0x1BF5;
	[smem:$0x3FA9] =	sst s0  }
0x18: {  	s0 =	sld [smem:$0x3F8C];
	_ =	swait.ge [sflag:s4], $0x0  }
0x19: {  	s7 =	sld [smem:$0x3F8D]  }
0x1a: {  	s8 =	sadd.s32 $0xFFFFE003, lr  }
0x1b: {  	s9 =	sadd.s32 $0xFFFFFEF7, lr;
	s5 =	simm.s32 $0xFFFFFFFF;
	p2 =	slt.u32 s8, $0xFFFFF086  }
0x1c: {  	p1 =	slt.u32 s9, $0xF7A;
	s5 =	simm.s32 @!p2 $0x0  }
0x1d: {  	s5 =	simm.s32 @p1 $0x1;
	p0 =	seq.s32 s7, s2  }
0x1e: {  	s7 =	smul.u32 @!p0 $0xF7A, s2;
	p2 =	seq.s32 @!p0 s5, $0x0  }
0x1f: {  	s9 =	smul.u32 $0xF7A, s1;
	s8 =	simm.s32 @!p0 $0x1BF5;
	p2 =	por !p2, p0  }
0x20: {  	[sflag:s8] =	ssyncset.s32 @!p0 $0xFFFFF086;
	s6 =	sadd.s32 @!p0 s3, s7;
	s7 =	simm.s32 @!p0 $0x108  }
0x21: {  	s3 =	sadd.s32 s3, s9;
	s6 =	sadd.s32 @!p0 $0x88, s6;
	s7 =	simm.s32 @p2 $0x1082  }
0x22: {  	[simem:s7], [sflag:s8] =	dma.local @!p0 [hbm:s6], $0xF7A  }
0x23: {  	s9 =	sor.u32 $0xD0000000, s2;
	s6 =	simm.s32 $0x108;
	_ =	swait.ge @!p0 [sflag:s8], $0x0  }
0x24: {  	s3 =	sadd.s32 $0x88, s3;
	s6 =	simm.s32 @!p1 $0x1082;
	[sflag:s4] =	ssyncset.s32 $0xFFFFF086  }
0x25: {  	[simem:s6], [sflag:s4] =	dma.local [hbm:s3], $0xF7A  }
0x26: {  	[smem:$0x3F8D] =	sst s1;
	(tag) =	ssettag s2;
	_ =	strace s9  }
0x27: {  	s1 =	sld [smem:$0x3F9D]  }
0x28: {  	s2 =	sld [smem:$0x3F9E]  }
0x29: {  	s4 =	sld [smem:$0x3FA0]  }
0x2a: {  	p0 =	seq.s32 s5, $0x0;
	s5 =	sld [smem:$0x3FA1]  }
0x2b: {  	s6 =	sld [smem:$0x3FA2]  }
0x2c: {  	s7 =	sld [smem:$0x3FA3]  }
0x2d: {  	s3 =	simm.s32 $0x108;
	s8 =	sld [smem:$0x3FA4]  }
0x2e: {  	s3 =	simm.s32 @!p0 $0x1082;
	s9 =	sld [smem:$0x3FA5]  }
0x2f: {  	lr =	sadd.s32 s0, s3;
	s0 =	sld [smem:$0x3F9C]  }
0x30: {  	s3 =	sld [smem:$0x3F9F]  }
0x31: {  	[smem:$0x3FA8] =	sst s10  }
0x32: {  	s10 =	sld [smem:$0x3FA6];
	_ =	sdelay $0x3  }
0x33: {  	p0 =	seq.s32 s10, $0x1;
	s10 =	sld [smem:$0x3FA8];
	_ =	sdelay $0x3  }
0x34: {  	[smem:$0x3FA8] =	sst s10  }
0x35: {  	s10 =	sld [smem:$0x3FA7];
	_ =	sdelay $0x3  }
0x36: {  	p1 =	seq.s32 s10, $0x1;
	s10 =	sld [smem:$0x3FA8];
	_ =	sdelay $0x3  }
0x37: {  	[smem:$0x3FA8] =	sst s10  }
0x38: {  	s10 =	sld [smem:$0x3FA9]  }
0x39: {  	_ = 	snop;
	(pc) =	sbr.ind lr, $3  }
0x3a: {  	_ = 	snop  }
0x3b: {  	_ = 	snop  }
0x3c: {  	p2 =	seq.s32 s10, $0x1;
	s10 =	sld [smem:$0x3FA8]  }
0x3d: {  	_ =	shalt  }
0x3e: {  	_ =	shalt  }
0x3f: {  	_ =	shalt  }
0x40: {  	_ =	shalt  }
0x41: {  	_ =	shalt  }
0x42: {  	_ =	shalt  }
0x43: {  	_ =	shalt  }
0x44: {  	_ =	shalt  }
0x45: {  	_ =	shalt  }
0x46: {  	_ =	shalt  }
0x47: {  	_ =	shalt  }
0x48: {  	_ =	shalt  }
0x49: {  	_ =	shalt  }
0x4a: {  	_ =	shalt  }
0x4b: {  	_ =	shalt  }
0x4c: {  	_ =	shalt  }
0x4d: {  	_ =	shalt  }
0x4e: {  	_ =	shalt  }
0x4f: {  	_ =	shalt  }
0x50: {  	_ =	shalt  }
0x51: {  	_ =	shalt  }
0x52: {  	_ =	shalt  }
0x53: {  	_ =	shalt  }
0x54: {  	_ =	shalt  }
0x55: {  	_ =	shalt  }
0x56: {  	_ =	shalt  }
0x57: {  	_ =	shalt  }
0x58: {  	_ =	shalt  }
0x59: {  	_ =	shalt  }
0x5a: {  	_ =	shalt  }
0x5b: {  	_ =	shalt  }
0x5c: {  	_ =	shalt  }
0x5d: {  	_ =	shalt  }
0x5e: {  	_ =	shalt  }
0x5f: {  	_ =	shalt  }
0x60: {  	_ =	shalt  }
0x61: {  	_ =	shalt  }
0x62: {  	_ =	shalt  }
0x63: {  	_ =	shalt  }
0x64: {  	_ =	shalt  }
0x65: {  	_ =	shalt  }
0x66: {  	_ =	shalt  }
0x67: {  	_ =	shalt  }
0x68: {  	_ =	shalt  }
0x69: {  	_ =	shalt  }
0x6a: {  	_ =	shalt  }
0x6b: {  	_ =	shalt  }
0x6c: {  	_ =	shalt  }
0x6d: {  	_ =	shalt  }
0x6e: {  	_ =	shalt  }
0x6f: {  	_ =	shalt  }
0x70: {  	_ =	shalt  }
0x71: {  	_ =	shalt  }
0x72: {  	_ =	shalt  }
0x73: {  	_ =	shalt  }
0x74: {  	_ =	shalt  }
0x75: {  	_ =	shalt  }
0x76: {  	_ =	shalt  }
0x77: {  	_ =	shalt  }
0x78: {  	_ =	shalt  }
0x79: {  	_ =	shalt  }
0x7a: {  	_ =	shalt  }
0x7b: {  	_ =	shalt  }
0x7c: {  	_ =	shalt  }
0x7d: {  	_ =	shalt  }
0x7e: {  	_ =	shalt  }
0x7f: {  	_ =	shalt  }
0x80: {  	_ =	shalt  }
0x81: {  	_ =	shalt  }
0x82: {  	_ =	shalt  }
0x83: {  	_ =	shalt  }
0x84: {  	_ =	shalt  }
0x85: {  	_ =	shalt  }
0x86: {  	_ =	shalt  }
0x87: {  	_ =	shalt  }
.Lfunc_end0:
.L_simem_size_0:
called_computation_lowered:
.L_overlay_start_0:
0x88: {  	s2 =	sld [smem:$0x3FD9]  }
0x89: {  	s3 =	sld [smem:$0x3FFE];
	_ =	sdelay $0x1  }
0x8a: {  	s1 =	srdreg.scid  }
0x8b: {  	s0 =	sand.u32 $0x1, s1  }
0x8c: {  	s16 =	sshll.u32 s0, $0xA;
	s2 =	sadd.s32 s3, s2  }
0x8d: {  	s2 =	sadd.s32 s2, s16  }
0x8e: {  	[smem:$0x3FB4] =	sst s2  }
0x8f: {  	_ = 	snop  }
0x90: {  	(tm) =	ssettm $0x1  }
0x91: {  	s17 =	sld [smem:$0x3FFB];
	_ =	sdelay $0x3  }
0x92: {  	_ =	strace s17  }
0x93: {  	s2 =	sld [smem:$0x3FFC];
	_ =	sdelay $0x3  }
0x94: {  	_ =	strace s2  }
0x95: {  	s2 =	sld [smem:$0x3FFD];
	_ =	sdelay $0x3  }
0x96: {  	_ =	strace s2  }
0x97: {  	_ =	strace $0x8FFFFFFF  }
0x98: {  	s18 =	sld [smem:$0x3FDB];
	_ =	sdelay $0x1  }
0x99: {  	s19 =	simm.s32 $_scs_section_size  }
0x9a: {  	s4 =	simm.s32 $_size__tile_overlayer_lowered;
	s5 =	simm.s32 $_tile_overlayer_lowered  }
0x9b: {  	s22 =	simm.s32 $0x1BFF;
	s21 =	sshll.u32 s5, $0x1;
	s2 =	sadd.s32 s19, s18  }
0x9c: {  	s6 =	simm.s32 $0x0;
	s20 =	sshll.u32 s4, $0x1;
	s4 =	sadd.s32 s21, s2  }
0x9d: {  	[timem:s6], [sflag:s22] =	dma.local [hbm:s4], s20  }
0x9e: {  	_ =	swait.ge [sflag:s22], s20  }
0x9f: {  	s3 =	ssub.s32 $0x0, s20;
	[sflag:s22] =	ssyncset.done $0x0  }
0xa0: {  	[sflag:s22] =	ssyncadd.s32 s3;
	_ =	sdelay $0x1  }
0xa1: {  	s23 =	simm.s32 $0x1B8B  }
0xa2: {  	_ =	swait.ge [sflag:s23], $0x1  }
0xa3: {  	[sflag:s23] =	ssyncset.done $0x0  }
0xa4: {  	s25 =	simm.s32 $0x1B8E;
	s24 =	sld [smem:$0x3FFE];
	[sflag:s23] =	ssyncadd.s32 $0xFFFFFFFF  }
0xa5: {  	s26 =	simm.s32 $execute0_lowered;
	[smem:$0x3FD2] =	sst s25  }
0xa6: {  	s4 =	sshll.u32 s26, $0x1;
	_ =	strace $0x80000046;
	[dreg:$0x1] =	wrdreg $0xFFFFFFFF  }
0xa7: {  	s28 =	simm.s32 $_size_execute0_lowered;
	s2 =	sadd.s32 s2, s4;
	[dreg:$0x0] =	wrdreg $0x0  }
0xa8: {  	s4 =	sshll.u32 s28, $0x1;
	[dreg:$0x2] =	wrdreg s2  }
0xa9: {  	[dreg:$0x3] =	wrdreg s4  }
0xaa: {  	[dreg:$0x4] =	wrdreg $0xC0  }
0xab: {  	_ =	task [dreg:s6], $0x5FFFF  }
0xac: {  	[dreg:$0x1] =	wrdreg $0xFFFFFFFF  }
0xad: {  	[dreg:$0x0] =	wrdreg $0x60  }
0xae: {  	[dreg:$0x2] =	wrdreg s24  }
0xaf: {  	[dreg:$0x3] =	wrdreg $0x15C000  }
0xb0: {  	[dreg:$0x4] =	wrdreg $0x9  }
0xb1: {  	_ =	task.clear_ibuf [dreg:s6], $0x5FFFF;
	_ =	strace $0x90000046  }
0xb2: {  	s29 =	simm.s32 $0x9;
	_ =	strace $0x80000048  }
0xb3: {  	_ =	swait.ge [sflag:s29], $0x1  }
0xb4: {  	[sflag:s29] =	ssyncadd.s32 $0xFFFFFFFF  }
0xb5: {  	_ =	strace $0x90000048  }
0xb6: {  	_ =	sfence  }
0xb7: {  	s30 =	sld [smem:$0x0];
	_ =	sdelay $0x2  }
0xb8: {  	s31 =	sshll.u32 s1, $0xD;
	s1 =	sshrl.u32 s1, $0x2  }
0xb9: {  	s3 =	sand.u32 $0x4000, s31;
	s1 =	sadd.s32 s1, s30  }
0xba: {  	s0 =	sor.u32 s3, s0;
	s1 =	sshll.u32 s1, $0x11  }
0xbb: {  	s0 =	sor.u32 s1, s0  }
0xbc: {  	s0 =	sadd.s32 $0x8F2B, s0  }
0xbd: {  	[sflag:s0] =	ssyncadd.remote.s32 $0x1  }
0xbe: {  	_ =	sfence.sel $0xFFFF  }
0xbf: {  	[dreg:$0x0] =	wrdreg $0xFFFFFFFF;
	(pc) =	sbr.abs _section_cstart, $3  }
0xc0: {  	[dreg:$0x1] =	wrdreg $0xFFFFFFFF  }
0xc1: {  	_ =	task.clear_ibuf [dreg:s6], $0x2FFFF;
	_ =	strace $0x9FFFFFFF  }
0xc2: {  	(tm) =	ssettm $0x7FFFFFFF  }
0xc3: {  	_ =	shalt  }
tec
execute0_lowered:
.L_overlay_start_1:
0x0: {  	(tag) =	ssettag $0x1  }
0x1: {  	s0 =	srdreg.scid;
	s1 =	rddreg [dreg:$0x0]  }
0x2: {  	s9 =	stileid.u32;
	s2 =	rddreg [dreg:$0x1]  }
0x3: {  	s3 =	simm.s32 $0x0;
	s18 =	simm.s32 $0x9;
	s28 =	simm.s32 $0x1  }
0x4: {  	s30 =	simm.s32 $0xFC00;
	s31 =	simm.s32 $0x2;
	s6 =	smul.u32 $0x1400, s9  }
0x5: {  	s19 =	simm.s32 $0x4;
	s14 =	simm.s32 $0x7;
	s8 =	smul.u32 $0xA000, s9  }
0x6: {  	s15 =	simm.s32 $0x8;
	s0 =	sand.u32 $0x1, s0;
	s21 =	smul.u32 $0x29000, s9  }
0x7: {  	[smem:$0x7FF] =	sst s3;
	s4 =	sadd.s32 $0x23C800, s1;
	s5 =	smul.u32 $0x14000, s0  }
0x8: {  	s7 =	smul.u32 $0x140000, s0;
	_ =	strace $0x80000047;
	s0 =	ssub.s32 $0x2, s0  }
0x9: {  	s22 =	sshrl.u32 s0, $0x1;
	s29 =	sadd.s32 s8, s2;
	s5 =	sadd.s32 s6, s5  }
0xa: {  	s20 =	sadd.s32 s8, s7;
	s7 =	sshrl.u32 s21, $0x2;
	s0 =	ssub.s32 s0, s22  }
0xb: {  	[dreg:$0x8] =	wrdreg s29;
	s21 =	simm.s32 $0x13C00;
	s22 =	simm.s32 $0x80  }
0xc: {  	s5 =	sshrl.u32 s5, $0x3;
	s6 =	sshrl.u32 s20, $0x3;
	s7 =	sadd.s32 s7, s2  }
0xd: {  	s0 =	smax.u32 s0, $0x1;
	s5 =	sadd.s32 s5, s1;
	s1 =	sadd.s32 s6, s1  }
0xe: {  	s9 =	sadd.s32 $0x2000, s7;
	s25 =	sadd.s32 $0x6000, s7;
	[dreg:$0xa] =	wrdreg s0  }
0xf: {  	s20 =	sadd.s32 $0x4000, s7;
	s23 =	sadd.s32 $0x237800, s5;
	[dreg:$0x6] =	wrdreg s25  }
0x10: {  	s12 =	sadd.s32 $0x8000, s7;
	s24 =	sadd.s32 $0x22D800, s5;
	[dreg:$0x3] =	wrdreg s23  }
.Ltmp0:
0x11: {  	s5 =	sadd.s32 $0x232800, s5;
	[dreg:$0x4] =	wrdreg s24;
	(pc) =	sbr.rel .LBB2_1-.Ltmp0, $4  }
0x12: {  	s13 =	sadd.s32 $0xA000, s7;
	s26 =	sadd.s32 $0x28C800, s1;
	[dreg:$0x5] =	wrdreg s5  }
0x13: {  	s0 =	simm.s32 $0x5;
	s1 =	sadd.s32 $0x2A0800, s1;
	[dreg:$0x7] =	wrdreg s26  }
0x14: {  	s6 =	simm.s32 $0x6;
	[dreg:$0x9] =	wrdreg s1;
	s23 =	simm.s32 $0x3C00  }
0x15: {  	v0 =	vimm.f32 $0.0e+00;
	s24 =	simm.s32 $0x7C00;
	s26 =	simm.s32 $0xBC00;
	s5 =	simm.s32 $0x3  }
.LBB2_9:
0x16: {  	_ =	swait.ge [sflag:s0], $0x4000  }
0x17: {  	[sflag:s0] =	ssyncset.done $0x0  }
0x18: {  	[sflag:s0] =	ssyncadd.s32 $0xFFFFC000  }
0x19: {  	_ =	swait.ge [sflag:s6], $0x4000  }
0x1a: {  	[sflag:s6] =	ssyncset.done $0x0  }
0x1b: {  	[sflag:s6] =	ssyncadd.s32 $0xFFFFC000  }
0x1c: {  	_ =	swait.ge [sflag:s14], $0x4000  }
0x1d: {  	[sflag:s14] =	ssyncset.done $0x0  }
0x1e: {  	[sflag:s14] =	ssyncadd.s32 $0xFFFFC000  }
0x1f: {  	_ =	swait.ge [sflag:s15], $0x4000  }
0x20: {  	[sflag:s15] =	ssyncset.done $0x0  }
0x21: {  	[sflag:s15] =	ssyncadd.s32 $0xFFFFC000  }
0x22: {  	[bflag:$0x0] =	sbarrier.arrive $0xFFFF  }
0x23: {  	s1 =	rddreg [dreg:$0x9]  }
0x24: {  	[hbm:s1], [sflag:s16] =	dma.local [spmem:s17], $0x1400  }
0x25: {  	_ =	swait.ge [sflag:s18], $0x1400  }
0x26: {  	s3 =	sadd.s32 $0x1, s3;
	s29 =	rddreg [dreg:$0xa]  }
0x27: {  	p0 =	sne.s32 s3, s29  }
.Ltmp1:
0x28: {  	_ = 	snop;
	(pc) =	sbr.rel @!p0 .LBB2_10-.Ltmp1, $4  }
0x29: {  	[sflag:s18] =	ssyncset.done $0x0  }
0x2a: {  	[sflag:s18] =	ssyncadd.s32 $0xFFFFEC00  }
0x2b: {  	[bflag:$0x0] =	sbarrier.arrive $0xFFFF  }
0x2c: {  	s9 =	smov.u32 s10;
	s20 =	smov.u32 s11  }
.LBB2_1:
0x2d: {  	s16 =	simm.s32 $0x0;
	s17 =	simm.s32 $0x200  }
.LBB2_2:
0x2e: {  	p0 =	sne.s32 s17, $0x7E00;
	[tilespmem:s16+$0x13C70] =	vst v0  }
0x2f: {  	[tilespmem:s16+$0x13C00] =	vst v0  }
0x30: {  	[tilespmem:s16+$0x13C10] =	vst v0  }
.Ltmp2:
0x31: {  	[tilespmem:s16+$0x13C20] =	vst v0;
	(pc) =	sbr.rel @p0 .LBB2_2-.Ltmp2, $4  }
0x32: {  	[tilespmem:s16+$0x13C30] =	vst v0  }
0x33: {  	[tilespmem:s16+$0x13C40] =	vst v0  }
0x34: {  	[tilespmem:s16+$0x13C50] =	vst v0  }
0x35: {  	[tilespmem:s16+$0x13C60] =	vst v0;
	s16 =	sshra.s32 s17, $0x2;
	s17 =	sadd.s32 $0x200, s17  }
0x36: {  	[tilespmem:s16+$0x13C70] =	vst v0  }
0x37: {  	[tilespmem:s16+$0x13C00] =	vst v0  }
0x38: {  	[tilespmem:s16+$0x13C10] =	vst v0  }
0x39: {  	[tilespmem:s16+$0x13C20] =	vst v0  }
0x3a: {  	[tilespmem:s16+$0x13C30] =	vst v0  }
0x3b: {  	[tilespmem:s16+$0x13C40] =	vst v0  }
0x3c: {  	[tilespmem:s16+$0x13C50] =	vst v0  }
0x3d: {  	[tilespmem:s16+$0x13C60] =	vst v0;
	s16 =	simm.s32 $0x0;
	s1 =	rddreg [dreg:$0x3]  }
0x3e: {  	[tilespmem:s16], [sflag:$0x9] =	stream.linear.gather [hbm4b:s1+s16], $0x1400, $0x38;
	v63 =	vld [tilespmem:$0x0]  }
0x3f: {  	_ =	swait.ge [sflag:s18], $0x1400  }
0x40: {  	[sflag:s18] =	ssyncset.done $0x0  }
0x41: {  	s8 =	simm.s32 $0x1400;
	s10 =	rddreg [dreg:$0x4];
	[sflag:s18] =	ssyncadd.s32 $0xFFFFEC00  }
0x42: {  	[tilespmem:s8], [sflag:$0x9] =	stream.linear.gather [hbm4b:s10+s16], $0x1400, $0x38;
	v63 =	vld [tilespmem:$0x0]  }
0x43: {  	_ =	swait.ge [sflag:s18], $0x1400  }
0x44: {  	[sflag:s18] =	ssyncset.done $0x0  }
0x45: {  	s10 =	simm.s32 $0x2800;
	s11 =	rddreg [dreg:$0x5];
	[sflag:s18] =	ssyncadd.s32 $0xFFFFEC00  }
0x46: {  	[tilespmem:s10], [sflag:$0x9] =	stream.linear.gather [hbm4b:s11+s16], $0x1400, $0x38;
	v63 =	vld [tilespmem:$0x0]  }
0x47: {  	_ =	swait.ge [sflag:s18], $0x1400  }
0x48: {  	[sflag:s18] =	ssyncset.done $0x0  }
0x49: {  	[sflag:s18] =	ssyncadd.s32 $0xFFFFEC00  }
0x4a: {  	[spmem:s7] =	stream.linear.scatter [tilespmem:s21], [sflag:$0x9], $0x2000, $0x38;
	v63 =	vld [tilespmem:$0x0]  }
0x4b: {  	_ =	swait.ge [sflag:s18], $0x2000  }
0x4c: {  	[sflag:s18] =	ssyncset.done $0x0  }
0x4d: {  	[sflag:s18] =	ssyncadd.s32 $0xFFFFE000  }
0x4e: {  	[spmem:s9] =	stream.linear.scatter [tilespmem:s21], [sflag:$0x9], $0x2000, $0x38;
	v63 =	vld [tilespmem:$0x0]  }
0x4f: {  	_ =	swait.ge [sflag:s18], $0x2000  }
0x50: {  	[sflag:s18] =	ssyncset.done $0x0  }
0x51: {  	[sflag:s18] =	ssyncadd.s32 $0xFFFFE000  }
0x52: {  	[spmem:s20] =	stream.linear.scatter [tilespmem:s21], [sflag:$0x9], $0x2000, $0x38;
	v63 =	vld [tilespmem:$0x0]  }
0x53: {  	_ =	swait.ge [sflag:s18], $0x2000  }
0x54: {  	[sflag:s18] =	ssyncset.done $0x0  }
0x55: {  	s17 =	rddreg [dreg:$0x6];
	[sflag:s18] =	ssyncadd.s32 $0xFFFFE000  }
0x56: {  	[spmem:s17] =	stream.linear.scatter [tilespmem:s21], [sflag:$0x9], $0x2000, $0x38;
	v63 =	vld [tilespmem:$0x0]  }
0x57: {  	_ =	swait.ge [sflag:s18], $0x2000  }
0x58: {  	[sflag:s18] =	ssyncset.done $0x0  }
0x59: {  	[sflag:s18] =	ssyncadd.s32 $0xFFFFE000  }
0x5a: {  	[spmem:s12] =	stream.linear.scatter [tilespmem:s21], [sflag:$0x9], $0x2000, $0x38;
	v63 =	vld [tilespmem:$0x0]  }
0x5b: {  	_ =	swait.ge [sflag:s18], $0x2000  }
0x5c: {  	[sflag:s18] =	ssyncset.done $0x0  }
0x5d: {  	[sflag:s18] =	ssyncadd.s32 $0xFFFFE000  }
0x5e: {  	[spmem:s13] =	stream.linear.scatter [tilespmem:s21], [sflag:$0x9], $0x400, $0x38;
	v63 =	vld [tilespmem:$0x0]  }
0x5f: {  	_ =	swait.ge [sflag:s18], $0x400  }
0x60: {  	[sflag:s18] =	ssyncset.done $0x0  }
0x61: {  	[sflag:s18] =	ssyncadd.s32 $0xFFFFFC00  }
0x62: {  	[bflag:$0x0] =	sbarrier.arrive $0xFFFF  }
0x63: {  	[tilespmem:s23], [sflag:$0x1] =	stream.indirect.gather [hbm4b:s4+s22], $0x80, s16, s22, $0xb8;
	v63 =	vld [tilespmem:$0x0]  }
0x64: {  	_ = 	snop  }
0x65: {  	[tilespmem:s24], [sflag:$0x2] =	stream.indirect.gather [hbm4b:s4+s22], $0x80, s22, s22, $0xb8;
	v63 =	vld [tilespmem:$0x0]  }
0x66: {  	s25 =	simm.s32 $0x100  }
0x67: {  	[tilespmem:s26], [sflag:$0x3] =	stream.indirect.gather [hbm4b:s4+s22], $0x80, s25, s22, $0xb8;
	v63 =	vld [tilespmem:$0x0]  }
0x68: {  	_ =	swait.ge [sflag:s28], $0x4000  }
0x69: {  	[sflag:s28] =	ssyncset.done $0x0  }
0x6a: {  	[sflag:s28] =	ssyncadd.s32 $0xFFFFC000  }
0x6b: {  	[spmem:s2] =	stream.indirect.scatter.add.f32 [tilespmem:s23], [sflag:$0x5], $0x80, s8, s22, $0xb8;
	v63 =	vld [tilespmem:$0x0]  }
0x6c: {  	s29 =	simm.s32 $0x180  }
0x6d: {  	[tilespmem:s30], [sflag:$0x4] =	stream.indirect.gather [hbm4b:s4+s22], $0x80, s29, s22, $0xb8;
	v63 =	vld [tilespmem:$0x0]  }
0x6e: {  	_ =	swait.ge [sflag:s31], $0x4000  }
0x6f: {  	[sflag:s31] =	ssyncset.done $0x0  }
0x70: {  	s8 =	simm.s32 $0x1480;
	[sflag:s31] =	ssyncadd.s32 $0xFFFFC000  }
0x71: {  	[spmem:s2] =	stream.indirect.scatter.add.f32 [tilespmem:s24], [sflag:$0x6], $0x80, s8, s22, $0xb8;
	v63 =	vld [tilespmem:$0x0]  }
0x72: {  	_ =	swait.ge [sflag:s0], $0x4000  }
0x73: {  	[sflag:s0] =	ssyncset.done $0x0  }
0x74: {  	s10 =	simm.s32 $0x200;
	[sflag:s0] =	ssyncadd.s32 $0xFFFFC000  }
0x75: {  	[tilespmem:s23], [sflag:$0x1] =	stream.indirect.gather [hbm4b:s4+s22], $0x80, s10, s22, $0xb8;
	v63 =	vld [tilespmem:$0x0]  }
0x76: {  	_ =	swait.ge [sflag:s5], $0x4000  }
0x77: {  	[sflag:s5] =	ssyncset.done $0x0  }
0x78: {  	s11 =	simm.s32 $0x1500;
	[sflag:s5] =	ssyncadd.s32 $0xFFFFC000  }
0x79: {  	[spmem:s2] =	stream.indirect.scatter.add.f32 [tilespmem:s26], [sflag:$0x7], $0x80, s11, s22, $0xb8;
	v63 =	vld [tilespmem:$0x0]  }
0x7a: {  	_ =	swait.ge [sflag:s6], $0x4000  }
0x7b: {  	[sflag:s6] =	ssyncset.done $0x0  }
0x7c: {  	s17 =	simm.s32 $0x280;
	[sflag:s6] =	ssyncadd.s32 $0xFFFFC000  }
0x7d: {  	[tilespmem:s24], [sflag:$0x2] =	stream.indirect.gather [hbm4b:s4+s22], $0x80, s17, s22, $0xb8;
	v63 =	vld [tilespmem:$0x0]  }
0x7e: {  	_ =	swait.ge [sflag:s19], $0x4000  }
0x7f: {  	[sflag:s19] =	ssyncset.done $0x0  }
0x80: {  	s25 =	simm.s32 $0x1580;
	[sflag:s19] =	ssyncadd.s32 $0xFFFFC000  }
0x81: {  	[spmem:s2] =	stream.indirect.scatter.add.f32 [tilespmem:s30], [sflag:$0x8], $0x80, s25, s22, $0xb8;
	v63 =	vld [tilespmem:$0x0]  }
0x82: {  	_ =	swait.ge [sflag:s14], $0x4000  }
0x83: {  	[sflag:s14] =	ssyncset.done $0x0  }
0x84: {  	s29 =	simm.s32 $0x300;
	[sflag:s14] =	ssyncadd.s32 $0xFFFFC000  }
0x85: {  	[tilespmem:s26], [sflag:$0x3] =	stream.indirect.gather [hbm4b:s4+s22], $0x80, s29, s22, $0xb8;
	v63 =	vld [tilespmem:$0x0]  }
.LBB2_4:
0x86: {  	_ =	swait.ge [sflag:s28], $0x4000  }
0x87: {  	s17 =	sshra.s32 s16, $0x2;
	[sflag:s28] =	ssyncset.done $0x0  }
0x88: {  	s25 =	sadd.s32 $0x1600, s17;
	[sflag:s28] =	ssyncadd.s32 $0xFFFFC000  }
0x89: {  	[spmem:s2] =	stream.indirect.scatter.add.f32 [tilespmem:s23], [sflag:$0x5], $0x80, s25, s22, $0xb8;
	v63 =	vld [tilespmem:$0x0]  }
0x8a: {  	_ =	swait.ge [sflag:s15], $0x4000  }
0x8b: {  	[sflag:s15] =	ssyncset.done $0x0  }
0x8c: {  	s10 =	sadd.s32 $0x380, s17;
	[sflag:s15] =	ssyncadd.s32 $0xFFFFC000  }
0x8d: {  	[tilespmem:s30], [sflag:$0x4] =	stream.indirect.gather [hbm4b:s4+s22], $0x80, s10, s22, $0xb8;
	v63 =	vld [tilespmem:$0x0]  }
0x8e: {  	_ =	swait.ge [sflag:s31], $0x4000  }
0x8f: {  	p0 =	seq.s32 s16, $0x4000;
	[sflag:s31] =	ssyncset.done $0x0  }
0x90: {  	s11 =	sadd.s32 $0x1680, s17;
	s25 =	simm.s32 @p0 $0x3;
	[sflag:s31] =	ssyncadd.s32 $0xFFFFC000  }
0x91: {  	[spmem:s2] =	stream.indirect.scatter.add.f32 [tilespmem:s24], [sflag:$0x6], $0x80, s11, s22, $0xb8;
	v63 =	vld [tilespmem:$0x0]  }
0x92: {  	_ =	swait.ge @p0 [sflag:s25], $0x4000  }
0x93: {  	[sflag:s25] =	ssyncset.done @p0 $0x0  }
0x94: {  	[sflag:s25] =	ssyncadd.s32 @p0 $0xFFFFC000;
	s25 =	sshra.s32 @p0 s16, $0x2  }
0x95: {  	s29 =	simm.s32 @p0 $0x80;
	s1 =	simm.s32 @p0 $0xBC00;
	s25 =	sadd.s32 @p0 $0x1700, s25  }
0x96: {  	[spmem:s2] =	stream.indirect.scatter.add.f32 @p0 [tilespmem:s1], [sflag:$0x7], $0x80, s25, s29, $0xb8;
	v63 =	vld [tilespmem:$0x0]  }
0x97: {  	s1 =	simm.s32 @!p0 $0x5  }
0x98: {  	_ =	swait.ge @!p0 [sflag:s1], $0x4000  }
0x99: {  	[sflag:s1] =	ssyncset.done @!p0 $0x0  }
0x9a: {  	[sflag:s1] =	ssyncadd.s32 @!p0 $0xFFFFC000;
	s1 =	sshra.s32 @!p0 s16, $0x2  }
0x9b: {  	s8 =	simm.s32 @!p0 $0x3C00;
	s29 =	simm.s32 @!p0 $0x80;
	s25 =	sadd.s32 @!p0 $0x400, s1  }
0x9c: {  	[tilespmem:s8], [sflag:$0x1] =	stream.indirect.gather @!p0 [hbm4b:s4+s29], $0x80, s25, s29, $0xb8;
	v63 =	vld [tilespmem:$0x0]  }
0x9d: {  	s8 =	simm.s32 @!p0 $0x3  }
0x9e: {  	_ =	swait.ge @!p0 [sflag:s8], $0x4000  }
0x9f: {  	[sflag:s8] =	ssyncset.done @!p0 $0x0  }
0xa0: {  	s25 =	simm.s32 @!p0 $0xBC00;
	[sflag:s8] =	ssyncadd.s32 @!p0 $0xFFFFC000;
	s8 =	sadd.s32 @!p0 $0x1700, s1  }
0xa1: {  	[spmem:s2] =	stream.indirect.scatter.add.f32 @!p0 [tilespmem:s25], [sflag:$0x7], $0x80, s8, s29, $0xb8;
	v63 =	vld [tilespmem:$0x0]  }
0xa2: {  	s8 =	simm.s32 @!p0 $0x6  }
0xa3: {  	_ =	swait.ge @!p0 [sflag:s8], $0x4000  }
0xa4: {  	[sflag:s8] =	ssyncset.done @!p0 $0x0  }
0xa5: {  	s1 =	sadd.s32 @!p0 $0x480, s1;
	[sflag:s8] =	ssyncadd.s32 @!p0 $0xFFFFC000;
	s8 =	simm.s32 @!p0 $0x7C00  }
0xa6: {  	[tilespmem:s8], [sflag:$0x2] =	stream.indirect.gather @!p0 [hbm4b:s4+s29], $0x80, s1, s29, $0xb8;
	v63 =	vld [tilespmem:$0x0]  }
.Ltmp3:
0xa7: {  	_ = 	snop;
	(pc) =	sbr.rel @p0 .LBB2_6-.Ltmp3, $4  }
0xa8: {  	_ =	swait.ge [sflag:s19], $0x4000  }
0xa9: {  	[sflag:s19] =	ssyncset.done $0x0  }
0xaa: {  	s29 =	sadd.s32 $0x1780, s17;
	[sflag:s19] =	ssyncadd.s32 $0xFFFFC000  }
0xab: {  	[spmem:s2] =	stream.indirect.scatter.add.f32 [tilespmem:s30], [sflag:$0x8], $0x80, s29, s22, $0xb8;
	v63 =	vld [tilespmem:$0x0]  }
.Ltmp4:
0xac: {  	(pc) =	sbr.rel .LBB2_4-.Ltmp4, $4  }
0xad: {  	_ =	swait.ge [sflag:s14], $0x4000  }
0xae: {  	[sflag:s14] =	ssyncset.done $0x0  }
0xaf: {  	s1 =	sadd.s32 $0x500, s17;
	s16 =	sadd.s32 $0x800, s16;
	[sflag:s14] =	ssyncadd.s32 $0xFFFFC000  }
0xb0: {  	[tilespmem:s26], [sflag:$0x3] =	stream.indirect.gather [hbm4b:s4+s22], $0x80, s1, s22, $0xb8;
	v63 =	vld [tilespmem:$0x0]  }
.LBB2_6:
0xb1: {  	_ =	swait.ge [sflag:s0], $0x4000  }
0xb2: {  	[sflag:s0] =	ssyncset.done $0x0  }
0xb3: {  	[sflag:s0] =	ssyncadd.s32 $0xFFFFC000  }
0xb4: {  	_ =	swait.ge [sflag:s6], $0x4000  }
0xb5: {  	[sflag:s6] =	ssyncset.done $0x0  }
0xb6: {  	[sflag:s6] =	ssyncadd.s32 $0xFFFFC000  }
0xb7: {  	_ =	swait.ge [sflag:s14], $0x4000  }
0xb8: {  	[sflag:s14] =	ssyncset.done $0x0  }
0xb9: {  	[sflag:s14] =	ssyncadd.s32 $0xFFFFC000  }
0xba: {  	_ =	swait.ge [sflag:s15], $0x4000  }
0xbb: {  	[sflag:s15] =	ssyncset.done $0x0  }
0xbc: {  	[sflag:s15] =	ssyncadd.s32 $0xFFFFC000  }
0xbd: {  	s1 =	stileid.u32;
	[bflag:$0x0] =	sbarrier.arrive $0xFFFF  }
0xbe: {  	s1 =	sshll.u32 s1, $0x6;
	s10 =	rddreg [dreg:$0x8]  }
0xbf: {  	s16 =	sor.u32 $0x1C09, s1;
	s11 =	rddreg [dreg:$0x7];
	s17 =	sshrl.u32 s10, $0x3  }
0xc0: {  	[hbm:s11], [sflag:s16] =	dma.local [spmem:s17], $0x1400  }
0xc1: {  	_ =	swait.ge [sflag:s18], $0x1400  }
0xc2: {  	[sflag:s18] =	ssyncset.done $0x0  }
0xc3: {  	[sflag:s18] =	ssyncadd.s32 $0xFFFFEC00  }
0xc4: {  	[bflag:$0x0] =	sbarrier.arrive $0xFFFF  }
0xc5: {  	[spmem:s7] =	stream.linear.scatter [tilespmem:s21], [sflag:$0x9], $0x2000, $0x38;
	v63 =	vld [tilespmem:$0x0]  }
0xc6: {  	_ =	swait.ge [sflag:s18], $0x2000  }
0xc7: {  	[sflag:s18] =	ssyncset.done $0x0  }
0xc8: {  	[sflag:s18] =	ssyncadd.s32 $0xFFFFE000  }
0xc9: {  	[spmem:s9] =	stream.linear.scatter [tilespmem:s21], [sflag:$0x9], $0x2000, $0x38;
	v63 =	vld [tilespmem:$0x0]  }
0xca: {  	_ =	swait.ge [sflag:s18], $0x2000  }
0xcb: {  	[sflag:s18] =	ssyncset.done $0x0  }
0xcc: {  	[sflag:s18] =	ssyncadd.s32 $0xFFFFE000  }
0xcd: {  	[spmem:s20] =	stream.linear.scatter [tilespmem:s21], [sflag:$0x9], $0x2000, $0x38;
	v63 =	vld [tilespmem:$0x0]  }
0xce: {  	_ =	swait.ge [sflag:s18], $0x2000  }
0xcf: {  	[sflag:s18] =	ssyncset.done $0x0  }
0xd0: {  	s25 =	rddreg [dreg:$0x6];
	[sflag:s18] =	ssyncadd.s32 $0xFFFFE000  }
0xd1: {  	[spmem:s25] =	stream.linear.scatter [tilespmem:s21], [sflag:$0x9], $0x2000, $0x38;
	v63 =	vld [tilespmem:$0x0]  }
0xd2: {  	_ =	swait.ge [sflag:s18], $0x2000  }
0xd3: {  	[sflag:s18] =	ssyncset.done $0x0  }
0xd4: {  	[sflag:s18] =	ssyncadd.s32 $0xFFFFE000  }
0xd5: {  	[spmem:s12] =	stream.linear.scatter [tilespmem:s21], [sflag:$0x9], $0x2000, $0x38;
	v63 =	vld [tilespmem:$0x0]  }
0xd6: {  	_ =	swait.ge [sflag:s18], $0x2000  }
0xd7: {  	[sflag:s18] =	ssyncset.done $0x0  }
0xd8: {  	[sflag:s18] =	ssyncadd.s32 $0xFFFFE000  }
0xd9: {  	[spmem:s13] =	stream.linear.scatter [tilespmem:s21], [sflag:$0x9], $0x400, $0x38;
	v63 =	vld [tilespmem:$0x0]  }
0xda: {  	_ =	swait.ge [sflag:s18], $0x400  }
0xdb: {  	[sflag:s18] =	ssyncset.done $0x0  }
0xdc: {  	[sflag:s18] =	ssyncadd.s32 $0xFFFFFC00  }
0xdd: {  	s25 =	simm.s32 $0x0;
	[bflag:$0x0] =	sbarrier.arrive $0xFFFF  }
0xde: {  	[tilespmem:s23], [sflag:$0x1] =	stream.indirect.gather [hbm4b:s4+s22], $0x80, s25, s22, $0xb8;
	v63 =	vld [tilespmem:$0x0]  }
0xdf: {  	_ = 	snop  }
0xe0: {  	[tilespmem:s24], [sflag:$0x2] =	stream.indirect.gather [hbm4b:s4+s22], $0x80, s22, s22, $0xb8;
	v63 =	vld [tilespmem:$0x0]  }
0xe1: {  	s29 =	simm.s32 $0x100  }
0xe2: {  	[tilespmem:s26], [sflag:$0x3] =	stream.indirect.gather [hbm4b:s4+s22], $0x80, s29, s22, $0xb8;
	v63 =	vld [tilespmem:$0x0]  }
0xe3: {  	_ =	swait.ge [sflag:s28], $0x4000  }
0xe4: {  	[sflag:s28] =	ssyncset.done $0x0  }
0xe5: {  	s8 =	simm.s32 $0x2800;
	[sflag:s28] =	ssyncadd.s32 $0xFFFFC000  }
0xe6: {  	[spmem:s2] =	stream.indirect.scatter.add.f32 [tilespmem:s23], [sflag:$0x5], $0x80, s8, s22, $0xb8;
	v63 =	vld [tilespmem:$0x0]  }
0xe7: {  	s10 =	smov.u32 s9;
	s9 =	simm.s32 $0x180  }
0xe8: {  	[tilespmem:s30], [sflag:$0x4] =	stream.indirect.gather [hbm4b:s4+s22], $0x80, s9, s22, $0xb8;
	v63 =	vld [tilespmem:$0x0]  }
0xe9: {  	_ =	swait.ge [sflag:s31], $0x4000  }
0xea: {  	[sflag:s31] =	ssyncset.done $0x0  }
0xeb: {  	s11 =	smov.u32 s20;
	s20 =	simm.s32 $0x2880;
	[sflag:s31] =	ssyncadd.s32 $0xFFFFC000  }
0xec: {  	[spmem:s2] =	stream.indirect.scatter.add.f32 [tilespmem:s24], [sflag:$0x6], $0x80, s20, s22, $0xb8;
	v63 =	vld [tilespmem:$0x0]  }
0xed: {  	_ =	swait.ge [sflag:s0], $0x4000  }
0xee: {  	[sflag:s0] =	ssyncset.done $0x0  }
0xef: {  	s29 =	simm.s32 $0x200;
	[sflag:s0] =	ssyncadd.s32 $0xFFFFC000  }
0xf0: {  	[tilespmem:s23], [sflag:$0x1] =	stream.indirect.gather [hbm4b:s4+s22], $0x80, s29, s22, $0xb8;
	v63 =	vld [tilespmem:$0x0]  }
0xf1: {  	_ =	swait.ge [sflag:s5], $0x4000  }
0xf2: {  	[sflag:s5] =	ssyncset.done $0x0  }
0xf3: {  	s8 =	simm.s32 $0x2900;
	[sflag:s5] =	ssyncadd.s32 $0xFFFFC000  }
0xf4: {  	[spmem:s2] =	stream.indirect.scatter.add.f32 [tilespmem:s26], [sflag:$0x7], $0x80, s8, s22, $0xb8;
	v63 =	vld [tilespmem:$0x0]  }
0xf5: {  	_ =	swait.ge [sflag:s6], $0x4000  }
0xf6: {  	[sflag:s6] =	ssyncset.done $0x0  }
0xf7: {  	s9 =	simm.s32 $0x280;
	[sflag:s6] =	ssyncadd.s32 $0xFFFFC000  }
0xf8: {  	[tilespmem:s24], [sflag:$0x2] =	stream.indirect.gather [hbm4b:s4+s22], $0x80, s9, s22, $0xb8;
	v63 =	vld [tilespmem:$0x0]  }
0xf9: {  	_ =	swait.ge [sflag:s19], $0x4000  }
0xfa: {  	[sflag:s19] =	ssyncset.done $0x0  }
0xfb: {  	s20 =	simm.s32 $0x2980;
	[sflag:s19] =	ssyncadd.s32 $0xFFFFC000  }
0xfc: {  	[spmem:s2] =	stream.indirect.scatter.add.f32 [tilespmem:s30], [sflag:$0x8], $0x80, s20, s22, $0xb8;
	v63 =	vld [tilespmem:$0x0]  }
0xfd: {  	_ =	swait.ge [sflag:s14], $0x4000  }
0xfe: {  	[sflag:s14] =	ssyncset.done $0x0  }
0xff: {  	s29 =	simm.s32 $0x300;
	[sflag:s14] =	ssyncadd.s32 $0xFFFFC000  }
0x100: {  	[tilespmem:s26], [sflag:$0x3] =	stream.indirect.gather [hbm4b:s4+s22], $0x80, s29, s22, $0xb8;
	v63 =	vld [tilespmem:$0x0]  }
.LBB2_7:
0x101: {  	_ =	swait.ge [sflag:s28], $0x4000  }
0x102: {  	s29 =	sshra.s32 s25, $0x2;
	[sflag:s28] =	ssyncset.done $0x0  }
0x103: {  	s1 =	sadd.s32 $0x2A00, s29;
	[sflag:s28] =	ssyncadd.s32 $0xFFFFC000  }
0x104: {  	[spmem:s2] =	stream.indirect.scatter.add.f32 [tilespmem:s23], [sflag:$0x5], $0x80, s1, s22, $0xb8;
	v63 =	vld [tilespmem:$0x0]  }
0x105: {  	_ =	swait.ge [sflag:s15], $0x4000  }
0x106: {  	[sflag:s15] =	ssyncset.done $0x0  }
0x107: {  	s8 =	sadd.s32 $0x380, s29;
	[sflag:s15] =	ssyncadd.s32 $0xFFFFC000  }
0x108: {  	[tilespmem:s30], [sflag:$0x4] =	stream.indirect.gather [hbm4b:s4+s22], $0x80, s8, s22, $0xb8;
	v63 =	vld [tilespmem:$0x0]  }
0x109: {  	_ =	swait.ge [sflag:s31], $0x4000  }
0x10a: {  	p0 =	seq.s32 s25, $0x4000;
	[sflag:s31] =	ssyncset.done $0x0  }
0x10b: {  	s9 =	sadd.s32 $0x2A80, s29;
	s1 =	simm.s32 @p0 $0x3;
	[sflag:s31] =	ssyncadd.s32 $0xFFFFC000  }
0x10c: {  	[spmem:s2] =	stream.indirect.scatter.add.f32 [tilespmem:s24], [sflag:$0x6], $0x80, s9, s22, $0xb8;
	v63 =	vld [tilespmem:$0x0]  }
0x10d: {  	_ =	swait.ge @p0 [sflag:s1], $0x4000  }
0x10e: {  	[sflag:s1] =	ssyncset.done @p0 $0x0  }
0x10f: {  	[sflag:s1] =	ssyncadd.s32 @p0 $0xFFFFC000;
	s1 =	sshra.s32 @p0 s25, $0x2  }
0x110: {  	s20 =	simm.s32 @p0 $0xBC00;
	s8 =	simm.s32 @p0 $0x80;
	s1 =	sadd.s32 @p0 $0x2B00, s1  }
0x111: {  	[spmem:s2] =	stream.indirect.scatter.add.f32 @p0 [tilespmem:s20], [sflag:$0x7], $0x80, s1, s8, $0xb8;
	v63 =	vld [tilespmem:$0x0]  }
0x112: {  	s1 =	simm.s32 @!p0 $0x5  }
0x113: {  	_ =	swait.ge @!p0 [sflag:s1], $0x4000  }
0x114: {  	[sflag:s1] =	ssyncset.done @!p0 $0x0  }
0x115: {  	[sflag:s1] =	ssyncadd.s32 @!p0 $0xFFFFC000;
	s1 =	sshra.s32 @!p0 s25, $0x2  }
0x116: {  	s9 =	simm.s32 @!p0 $0x3C00;
	s20 =	simm.s32 @!p0 $0x80;
	s8 =	sadd.s32 @!p0 $0x400, s1  }
0x117: {  	[tilespmem:s9], [sflag:$0x1] =	stream.indirect.gather @!p0 [hbm4b:s4+s20], $0x80, s8, s20, $0xb8;
	v63 =	vld [tilespmem:$0x0]  }
0x118: {  	s8 =	simm.s32 @!p0 $0x3  }
0x119: {  	_ =	swait.ge @!p0 [sflag:s8], $0x4000  }
0x11a: {  	[sflag:s8] =	ssyncset.done @!p0 $0x0  }
0x11b: {  	s9 =	simm.s32 @!p0 $0xBC00;
	[sflag:s8] =	ssyncadd.s32 @!p0 $0xFFFFC000;
	s8 =	sadd.s32 @!p0 $0x2B00, s1  }
0x11c: {  	[spmem:s2] =	stream.indirect.scatter.add.f32 @!p0 [tilespmem:s9], [sflag:$0x7], $0x80, s8, s20, $0xb8;
	v63 =	vld [tilespmem:$0x0]  }
0x11d: {  	s8 =	simm.s32 @!p0 $0x6  }
0x11e: {  	_ =	swait.ge @!p0 [sflag:s8], $0x4000  }
0x11f: {  	[sflag:s8] =	ssyncset.done @!p0 $0x0  }
0x120: {  	s1 =	sadd.s32 @!p0 $0x480, s1;
	[sflag:s8] =	ssyncadd.s32 @!p0 $0xFFFFC000;
	s8 =	simm.s32 @!p0 $0x7C00  }
0x121: {  	[tilespmem:s8], [sflag:$0x2] =	stream.indirect.gather @!p0 [hbm4b:s4+s20], $0x80, s1, s20, $0xb8;
	v63 =	vld [tilespmem:$0x0]  }
.Ltmp5:
0x122: {  	_ = 	snop;
	(pc) =	sbr.rel @p0 .LBB2_9-.Ltmp5, $4  }
0x123: {  	_ =	swait.ge [sflag:s19], $0x4000  }
0x124: {  	[sflag:s19] =	ssyncset.done $0x0  }
0x125: {  	s20 =	sadd.s32 $0x2B80, s29;
	[sflag:s19] =	ssyncadd.s32 $0xFFFFC000  }
0x126: {  	[spmem:s2] =	stream.indirect.scatter.add.f32 [tilespmem:s30], [sflag:$0x8], $0x80, s20, s22, $0xb8;
	v63 =	vld [tilespmem:$0x0]  }
.Ltmp6:
0x127: {  	(pc) =	sbr.rel .LBB2_7-.Ltmp6, $4  }
0x128: {  	_ =	swait.ge [sflag:s14], $0x4000  }
0x129: {  	[sflag:s14] =	ssyncset.done $0x0  }
0x12a: {  	s1 =	sadd.s32 $0x500, s29;
	s25 =	sadd.s32 $0x800, s25;
	[sflag:s14] =	ssyncadd.s32 $0xFFFFC000  }
0x12b: {  	[tilespmem:s26], [sflag:$0x3] =	stream.indirect.gather [hbm4b:s4+s22], $0x80, s1, s22, $0xb8;
	v63 =	vld [tilespmem:$0x0]  }
.LBB2_10:
0x12c: {  	_ =	sfence.sel $0x180000  }
0x12d: {  	[bflag:$0x0] =	sbarrier.arrive $0xFFFF  }
0x12e: {  	_ =	strace $0x90000047  }
0x12f: {  	s0 =	stileid.u32;
	[bflag:$0x2] =	sbarrier.arrive $0xFFFF  }
0x130: {  	p0 =	sne.s32 s0, $0x0;
	s0 =	rddreg [dreg:$0x2]  }
0x131: {  	s0 =	sadd.s32 @!p0 $0x100000, s0  }
0x132: {  	[sflag:s0] =	ssyncadd.tile.s32 @!p0 $0x1;
	_ =	shalt  }
.Lfunc_end2:
_tile_overlayer_lowered:
.L_overlay_start_2:
0x133: {  	(tag) =	ssettag $0x2  }
0x134: {  	s0 =	rddreg [dreg:$0x0];
	s2 =	stileid.u32  }
0x135: {  	s1 =	rddreg [dreg:$0x1];
	p0 =	sne.s32 s2, $0x0  }
0x136: {  	s3 =	rddreg [dreg:$0x2];
	[bflag:$0x3] =	sbarrier.arrive $0xFFFF;
	s2 =	simm.s32 @!p0 $0x1C09  }
0x137: {  	[timem:s3], [sflag:s2] =	dma.local @!p0 [hbm:s0], s1  }
0x138: {  	s0 =	simm.s32 @!p0 $0x9  }
0x139: {  	_ =	swait.ge @!p0 [sflag:s0], s1  }
0x13a: {  	s1 =	ssub.s32 @!p0 $0x0, s1;
	[sflag:s0] =	ssyncset.done @!p0 $0x0  }
0x13b: {  	[sflag:s0] =	ssyncadd.s32 @!p0 s1  }
0x13c: {  	[bflag:$0x3] =	sbarrier.arrive $0xFFFF  }
0x13d: {  	_ =	shalt  }

</sc_bundles>
